<compile_context>
chip_gen: v7x
topology: tpu7x:2x2x1
jax: 0.10.2.dev20260603
libtpu: 0.0.44.dev20260713+nightly
codegen_flags: <defaults>
</compile_context>

<pallas_src>
import functools

import jax
import jax.numpy as jnp
from jax import lax
from jax.experimental import pallas as pl
from jax.experimental.pallas import tpu as pltpu
from jax.experimental.pallas import tpu_sc as plsc

VOCAB = 1000000
D = 64
B = 1024
S = 200
NC = 2
NS = 16
NW = NC * NS
SEQ_PER_W = B // NW
ROWS_PER_W = SEQ_PER_W * S
NCH = SEQ_PER_W
SCALE = 8.0


def _body(idx_hbm, emb_hbm, out_hbm, idx_v, g_buf, gs):
    wid = lax.axis_index("s") * NC + lax.axis_index("c")
    base_w = wid * ROWS_PER_W

    for t in range(NCH):
        pltpu.sync_copy(idx_hbm.at[pl.ds(base_w + t * S, S)], idx_v)
        pltpu.async_copy(emb_hbm.at[idx_v], g_buf, gs).wait()
        pltpu.sync_copy(g_buf, out_hbm.at[pl.ds(base_w + t * S, S)])


@jax.jit
def _embed(idx, emb):
    mesh = plsc.VectorSubcoreMesh(core_axis_name="c", subcore_axis_name="s")
    f = pl.kernel(
        _body,
        out_type=jax.ShapeDtypeStruct((B * S, D), jnp.float32),
        mesh=mesh,
        scratch_types=[
            pltpu.VMEM((S,), jnp.int32),
            pltpu.VMEM((S, D), jnp.float32),
            pltpu.SemaphoreType.DMA,
        ],
        compiler_params=pltpu.CompilerParams(use_tc_tiling_on_sc=False),
    )
    return f(idx, emb)


def _fma_body(x_ref, pe_ref, o_ref):
    o_ref[...] = x_ref[...] * SCALE + pe_ref[...]


ROWS_PER_BLK = 8


@jax.jit
def _fma(x, pe):
    return pl.pallas_call(
        _fma_body,
        out_shape=jax.ShapeDtypeStruct((B, S, D), jnp.float32),
        grid=(B // ROWS_PER_BLK,),
        in_specs=[
            pl.BlockSpec((ROWS_PER_BLK, S, D), lambda i: (i, 0, 0)),
            pl.BlockSpec((1, S, D), lambda i: (0, 0, 0)),
        ],
        out_specs=pl.BlockSpec((ROWS_PER_BLK, S, D), lambda i: (i, 0, 0)),
    )(x, pe)


def kernel(token_sequences, embedding, positional_embedding):
    idx = token_sequences.reshape(-1).astype(jnp.int32)
    pe = positional_embedding[:, :S, :]
    out = _embed(idx, embedding)
    return _fma(out.reshape(B, S, D), pe)

# --- scband reference (transcript-rebuilt; emitter-appended) ---
"""Pipeline reference for scband-token-embedding-41497974014101 (READ-ONLY COPY).

The authoritative reference and input builder live on the scoring server;
editing this copy changes nothing except your own understanding.
"""

import jax, jax.numpy as jnp
import numpy as np
import math

VOCAB_SIZE = 1000000
EMB_SIZE = 64
MAX_LEN = 2048
BATCH = 1024
SEQ = 200

def setup_inputs(seed: int = 0) -> dict:
    key = jax.random.key(seed)
    k_tok, k_emb, k_pe = jax.random.split(key, 3)
    token_sequences = jax.random.randint(k_tok, (BATCH, SEQ), 0, VOCAB_SIZE, dtype=jnp.int64 if jax.config.jax_enable_x64 else jnp.int32)
    embedding = jax.random.normal(k_emb, (VOCAB_SIZE, EMB_SIZE), dtype=jnp.float32) * 0.02
    positional_embedding = jax.random.normal(k_pe, (1, MAX_LEN + 2, EMB_SIZE), dtype=jnp.float32)
    return {"token_sequences": token_sequences, "embedding": embedding, "positional_embedding": positional_embedding}

def reference(token_sequences, embedding, positional_embedding):
    # string_type == 'adj_flatten' path: plain embedding lookup scaled by sqrt(emb_size)
    x = jnp.take(embedding, token_sequences, axis=0) * math.sqrt(EMB_SIZE)
    # learn_pos == True: add tiled learned positional embedding
    x_batch_size = x.shape[0]
    x_seq_len = x.shape[1]
    pe = positional_embedding[:, :x_seq_len]
    pe_stack = jnp.tile(pe, (x_batch_size, 1, 1))
    return x + pe_stack

if __name__ == "__main__":
    import jax
    _d = setup_inputs()
    print(jax.jit(kernel)(*tuple(_d.values())))

</pallas_src>

<mosaic_0001>
#map = affine_map<(d0, d1) -> (0)>
#map1 = affine_map<(d0, d1) -> (0, 0)>
module attributes {stable_mosaic.version = 14 : i64} {
  func.func @_body(%arg0: i32, %arg1: i32, %arg2: memref<204800xi32, #tpu.memory_space<hbm>>, %arg3: memref<1000000x64xf32, #tpu.memory_space<hbm>>, %arg4: memref<204800x64xf32, #tpu.memory_space<hbm>>, %arg5: memref<200xi32, #tpu.memory_space<vmem>>, %arg6: memref<200x64xf32, #tpu.memory_space<vmem>>, %arg7: memref<!tpu.dma_semaphore, #tpu.memory_space<semaphore_mem>>) attributes {dimension_semantics = [#tpu.dimension_semantics<core_parallel>, #tpu.dimension_semantics<subcore_parallel>], iteration_bounds = array<i64: 2, 16>, scalar_prefetch = 0 : i64, scratch_operands = 3 : i64, tpu.core_type = #tpu.core_type<sc_vector_subcore>, window_params = [{transform_indices = #map}, {transform_indices = #map1}, {transform_indices = #map1}]} {
    %mul3A = arith.constant 2 : i32
    %mul3A_0 = arith.muli %arg1, %mul3A : i32
    %add3A = arith.addi %mul3A_0, %arg0 : i32
    %mul3A_1 = arith.constant 6400 : i32
    %mul3A_2 = arith.muli %add3A, %mul3A_1 : i32
    %add3A_3 = arith.constant 0 : i32
    %add3A_4 = arith.addi %mul3A_2, %add3A_3 : i32
    "tpu.region"() ({
      %run_scoped3A = tpu.sem_alloc : memref<!tpu.dma_semaphore, #tpu.memory_space<semaphore_mem>>
      %dma_start3A_321 = tpu.memref_slice %arg2[%add3A_4] : memref<204800xi32, #tpu.memory_space<hbm>> -> memref<200xi32, #tpu.memory_space<hbm>>
      %dma_start3A_322 = tpu.memref_slice %arg2[%add3A_4] : memref<204800xi32, #tpu.memory_space<hbm>> -> memref<200xi32, #tpu.memory_space<hbm>>
      tpu.enqueue_dma source(%dma_start3A_322 : memref<200xi32, #tpu.memory_space<hbm>>) target(%arg5 : memref<200xi32, #tpu.memory_space<vmem>>) target_semaphore(%run_scoped3A : memref<!tpu.dma_semaphore, #tpu.memory_space<semaphore_mem>>)
      %dma_wait3A_323 = tpu.memref_slice %arg2[%add3A_4] : memref<204800xi32, #tpu.memory_space<hbm>> -> memref<200xi32, #tpu.memory_space<hbm>>
      %dma_wait3A_324 = tpu.memref_slice %arg2[%add3A_4] : memref<204800xi32, #tpu.memory_space<hbm>> -> memref<200xi32, #tpu.memory_space<hbm>>
      tpu.wait_dma2 semaphore(%run_scoped3A : memref<!tpu.dma_semaphore, #tpu.memory_space<semaphore_mem>>) src(%dma_wait3A_324 : memref<200xi32, #tpu.memory_space<hbm>>) dst(%arg5 : memref<200xi32, #tpu.memory_space<vmem>>)
      tpu.yield
    }) : () -> ()
    %dma_start3A = arith.constant 0 : i32
    %dma_start3A_5 = arith.constant 0 : i32
    %dma_start3A_6 = tpu.memref_slice %arg3[%dma_start3A, %dma_start3A_5] : memref<1000000x64xf32, #tpu.memory_space<hbm>> -> memref<1000000x64xf32, #tpu.memory_space<hbm>>
    tpu.enqueue_indirect_dma source(%dma_start3A_6 : memref<1000000x64xf32, #tpu.memory_space<hbm>>) target(%arg6 : memref<200x64xf32, #tpu.memory_space<vmem>>) offsets(%arg5 : memref<200xi32, #tpu.memory_space<vmem>>) semaphore(%arg7 : memref<!tpu.dma_semaphore, #tpu.memory_space<semaphore_mem>>)
    %dma_wait3A = arith.constant 0 : i32
    %dma_wait3A_7 = arith.constant 0 : i32
    %dma_wait3A_8 = tpu.memref_slice %arg3[%dma_wait3A, %dma_wait3A_7] : memref<1000000x64xf32, #tpu.memory_space<hbm>> -> memref<1000000x64xf32, #tpu.memory_space<hbm>>
    tpu.wait_indirect_dma semaphore(%arg7 : memref<!tpu.dma_semaphore, #tpu.memory_space<semaphore_mem>>) src(%dma_wait3A_8 : memref<1000000x64xf32, #tpu.memory_space<hbm>>) dst(%arg6 : memref<200x64xf32, #tpu.memory_space<vmem>>)
    %add3A_9 = arith.constant 0 : i32
    %add3A_10 = arith.addi %mul3A_2, %add3A_9 : i32
    "tpu.region"() ({
      %run_scoped3A = tpu.sem_alloc : memref<!tpu.dma_semaphore, #tpu.memory_space<semaphore_mem>>
      %dma_start3A_321 = arith.constant 0 : i32
      %dma_start3A_322 = tpu.memref_slice %arg4[%add3A_10, %dma_start3A_321] : memref<204800x64xf32, #tpu.memory_space<hbm>> -> memref<200x64xf32, #tpu.memory_space<hbm>>
      %dma_start3A_323 = arith.constant 0 : i32
      %dma_start3A_324 = tpu.memref_slice %arg4[%add3A_10, %dma_start3A_323] : memref<204800x64xf32, #tpu.memory_space<hbm>> -> memref<200x64xf32, #tpu.memory_space<hbm>>
      tpu.enqueue_dma source(%arg6 : memref<200x64xf32, #tpu.memory_space<vmem>>) target(%dma_start3A_324 : memref<200x64xf32, #tpu.memory_space<hbm>>) target_semaphore(%run_scoped3A : memref<!tpu.dma_semaphore, #tpu.memory_space<semaphore_mem>>)
      %dma_wait3A_325 = arith.constant 0 : i32
      %dma_wait3A_326 = tpu.memref_slice %arg4[%add3A_10, %dma_wait3A_325] : memref<204800x64xf32, #tpu.memory_space<hbm>> -> memref<200x64xf32, #tpu.memory_space<hbm>>
      %dma_wait3A_327 = arith.constant 0 : i32
      %dma_wait3A_328 = tpu.memref_slice %arg4[%add3A_10, %dma_wait3A_327] : memref<204800x64xf32, #tpu.memory_space<hbm>> -> memref<200x64xf32, #tpu.memory_space<hbm>>
      tpu.wait_dma2 semaphore(%run_scoped3A : memref<!tpu.dma_semaphore, #tpu.memory_space<semaphore_mem>>) src(%arg6 : memref<200x64xf32, #tpu.memory_space<vmem>>) dst(%dma_wait3A_328 : memref<200x64xf32, #tpu.memory_space<hbm>>)
      tpu.yield
    }) : () -> ()
    %add3A_11 = arith.constant 200 : i32
    %add3A_12 = arith.addi %mul3A_2, %add3A_11 : i32
    "tpu.region"() ({
      %run_scoped3A = tpu.sem_alloc : memref<!tpu.dma_semaphore, #tpu.memory_space<semaphore_mem>>
      %dma_start3A_321 = tpu.memref_slice %arg2[%add3A_12] : memref<204800xi32, #tpu.memory_space<hbm>> -> memref<200xi32, #tpu.memory_space<hbm>>
      %dma_start3A_322 = tpu.memref_slice %arg2[%add3A_12] : memref<204800xi32, #tpu.memory_space<hbm>> -> memref<200xi32, #tpu.memory_space<hbm>>
      tpu.enqueue_dma source(%dma_start3A_322 : memref<200xi32, #tpu.memory_space<hbm>>) target(%arg5 : memref<200xi32, #tpu.memory_space<vmem>>) target_semaphore(%run_scoped3A : memref<!tpu.dma_semaphore, #tpu.memory_space<semaphore_mem>>)
      %dma_wait3A_323 = tpu.memref_slice %arg2[%add3A_12] : memref<204800xi32, #tpu.memory_space<hbm>> -> memref<200xi32, #tpu.memory_space<hbm>>
      %dma_wait3A_324 = tpu.memref_slice %arg2[%add3A_12] : memref<204800xi32, #tpu.memory_space<hbm>> -> memref<200xi32, #tpu.memory_space<hbm>>
      tpu.wait_dma2 semaphore(%run_scoped3A : memref<!tpu.dma_semaphore, #tpu.memory_space<semaphore_mem>>) src(%dma_wait3A_324 : memref<200xi32, #tpu.memory_space<hbm>>) dst(%arg5 : memref<200xi32, #tpu.memory_space<vmem>>)
      tpu.yield
    }) : () -> ()
    %dma_start3A_13 = arith.constant 0 : i32
    %dma_start3A_14 = arith.constant 0 : i32
    %dma_start3A_15 = tpu.memref_slice %arg3[%dma_start3A_13, %dma_start3A_14] : memref<1000000x64xf32, #tpu.memory_space<hbm>> -> memref<1000000x64xf32, #tpu.memory_space<hbm>>
    tpu.enqueue_indirect_dma source(%dma_start3A_15 : memref<1000000x64xf32, #tpu.memory_space<hbm>>) target(%arg6 : memref<200x64xf32, #tpu.memory_space<vmem>>) offsets(%arg5 : memref<200xi32, #tpu.memory_space<vmem>>) semaphore(%arg7 : memref<!tpu.dma_semaphore, #tpu.memory_space<semaphore_mem>>)
    %dma_wait3A_16 = arith.constant 0 : i32
    %dma_wait3A_17 = arith.constant 0 : i32
    %dma_wait3A_18 = tpu.memref_slice %arg3[%dma_wait3A_16, %dma_wait3A_17] : memref<1000000x64xf32, #tpu.memory_space<hbm>> -> memref<1000000x64xf32, #tpu.memory_space<hbm>>
    tpu.wait_indirect_dma semaphore(%arg7 : memref<!tpu.dma_semaphore, #tpu.memory_space<semaphore_mem>>) src(%dma_wait3A_18 : memref<1000000x64xf32, #tpu.memory_space<hbm>>) dst(%arg6 : memref<200x64xf32, #tpu.memory_space<vmem>>)
    %add3A_19 = arith.constant 200 : i32
    %add3A_20 = arith.addi %mul3A_2, %add3A_19 : i32
    "tpu.region"() ({
      %run_scoped3A = tpu.sem_alloc : memref<!tpu.dma_semaphore, #tpu.memory_space<semaphore_mem>>
      %dma_start3A_321 = arith.constant 0 : i32
      %dma_start3A_322 = tpu.memref_slice %arg4[%add3A_20, %dma_start3A_321] : memref<204800x64xf32, #tpu.memory_space<hbm>> -> memref<200x64xf32, #tpu.memory_space<hbm>>
      %dma_start3A_323 = arith.constant 0 : i32
      %dma_start3A_324 = tpu.memref_slice %arg4[%add3A_20, %dma_start3A_323] : memref<204800x64xf32, #tpu.memory_space<hbm>> -> memref<200x64xf32, #tpu.memory_space<hbm>>
      tpu.enqueue_dma source(%arg6 : memref<200x64xf32, #tpu.memory_space<vmem>>) target(%dma_start3A_324 : memref<200x64xf32, #tpu.memory_space<hbm>>) target_semaphore(%run_scoped3A : memref<!tpu.dma_semaphore, #tpu.memory_space<semaphore_mem>>)
      %dma_wait3A_325 = arith.constant 0 : i32
      %dma_wait3A_326 = tpu.memref_slice %arg4[%add3A_20, %dma_wait3A_325] : memref<204800x64xf32, #tpu.memory_space<hbm>> -> memref<200x64xf32, #tpu.memory_space<hbm>>
      %dma_wait3A_327 = arith.constant 0 : i32
      %dma_wait3A_328 = tpu.memref_slice %arg4[%add3A_20, %dma_wait3A_327] : memref<204800x64xf32, #tpu.memory_space<hbm>> -> memref<200x64xf32, #tpu.memory_space<hbm>>
      tpu.wait_dma2 semaphore(%run_scoped3A : memref<!tpu.dma_semaphore, #tpu.memory_space<semaphore_mem>>) src(%arg6 : memref<200x64xf32, #tpu.memory_space<vmem>>) dst(%dma_wait3A_328 : memref<200x64xf32, #tpu.memory_space<hbm>>)
      tpu.yield
    }) : () -> ()
    %add3A_21 = arith.constant 400 : i32
    %add3A_22 = arith.addi %mul3A_2, %add3A_21 : i32
    "tpu.region"() ({
      %run_scoped3A = tpu.sem_alloc : memref<!tpu.dma_semaphore, #tpu.memory_space<semaphore_mem>>
      %dma_start3A_321 = tpu.memref_slice %arg2[%add3A_22] : memref<204800xi32, #tpu.memory_space<hbm>> -> memref<200xi32, #tpu.memory_space<hbm>>
      %dma_start3A_322 = tpu.memref_slice %arg2[%add3A_22] : memref<204800xi32, #tpu.memory_space<hbm>> -> memref<200xi32, #tpu.memory_space<hbm>>
      tpu.enqueue_dma source(%dma_start3A_322 : memref<200xi32, #tpu.memory_space<hbm>>) target(%arg5 : memref<200xi32, #tpu.memory_space<vmem>>) target_semaphore(%run_scoped3A : memref<!tpu.dma_semaphore, #tpu.memory_space<semaphore_mem>>)
      %dma_wait3A_323 = tpu.memref_slice %arg2[%add3A_22] : memref<204800xi32, #tpu.memory_space<hbm>> -> memref<200xi32, #tpu.memory_space<hbm>>
      %dma_wait3A_324 = tpu.memref_slice %arg2[%add3A_22] : memref<204800xi32, #tpu.memory_space<hbm>> -> memref<200xi32, #tpu.memory_space<hbm>>
      tpu.wait_dma2 semaphore(%run_scoped3A : memref<!tpu.dma_semaphore, #tpu.memory_space<semaphore_mem>>) src(%dma_wait3A_324 : memref<200xi32, #tpu.memory_space<hbm>>) dst(%arg5 : memref<200xi32, #tpu.memory_space<vmem>>)
      tpu.yield
    }) : () -> ()
    %dma_start3A_23 = arith.constant 0 : i32
    %dma_start3A_24 = arith.constant 0 : i32
    %dma_start3A_25 = tpu.memref_slice %arg3[%dma_start3A_23, %dma_start3A_24] : memref<1000000x64xf32, #tpu.memory_space<hbm>> -> memref<1000000x64xf32, #tpu.memory_space<hbm>>
    tpu.enqueue_indirect_dma source(%dma_start3A_25 : memref<1000000x64xf32, #tpu.memory_space<hbm>>) target(%arg6 : memref<200x64xf32, #tpu.memory_space<vmem>>) offsets(%arg5 : memref<200xi32, #tpu.memory_space<vmem>>) semaphore(%arg7 : memref<!tpu.dma_semaphore, #tpu.memory_space<semaphore_mem>>)
    %dma_wait3A_26 = arith.constant 0 : i32
    %dma_wait3A_27 = arith.constant 0 : i32
    %dma_wait3A_28 = tpu.memref_slice %arg3[%dma_wait3A_26, %dma_wait3A_27] : memref<1000000x64xf32, #tpu.memory_space<hbm>> -> memref<1000000x64xf32, #tpu.memory_space<hbm>>
    tpu.wait_indirect_dma semaphore(%arg7 : memref<!tpu.dma_semaphore, #tpu.memory_space<semaphore_mem>>) src(%dma_wait3A_28 : memref<1000000x64xf32, #tpu.memory_space<hbm>>) dst(%arg6 : memref<200x64xf32, #tpu.memory_space<vmem>>)
    %add3A_29 = arith.constant 400 : i32
    %add3A_30 = arith.addi %mul3A_2, %add3A_29 : i32
    "tpu.region"() ({
      %run_scoped3A = tpu.sem_alloc : memref<!tpu.dma_semaphore, #tpu.memory_space<semaphore_mem>>
      %dma_start3A_321 = arith.constant 0 : i32
      %dma_start3A_322 = tpu.memref_slice %arg4[%add3A_30, %dma_start3A_321] : memref<204800x64xf32, #tpu.memory_space<hbm>> -> memref<200x64xf32, #tpu.memory_space<hbm>>
      %dma_start3A_323 = arith.constant 0 : i32
      %dma_start3A_324 = tpu.memref_slice %arg4[%add3A_30, %dma_start3A_323] : memref<204800x64xf32, #tpu.memory_space<hbm>> -> memref<200x64xf32, #tpu.memory_space<hbm>>
      tpu.enqueue_dma source(%arg6 : memref<200x64xf32, #tpu.memory_space<vmem>>) target(%dma_start3A_324 : memref<200x64xf32, #tpu.memory_space<hbm>>) target_semaphore(%run_scoped3A : memref<!tpu.dma_semaphore, #tpu.memory_space<semaphore_mem>>)
      %dma_wait3A_325 = arith.constant 0 : i32
      %dma_wait3A_326 = tpu.memref_slice %arg4[%add3A_30, %dma_wait3A_325] : memref<204800x64xf32, #tpu.memory_space<hbm>> -> memref<200x64xf32, #tpu.memory_space<hbm>>
      %dma_wait3A_327 = arith.constant 0 : i32
      %dma_wait3A_328 = tpu.memref_slice %arg4[%add3A_30, %dma_wait3A_327] : memref<204800x64xf32, #tpu.memory_space<hbm>> -> memref<200x64xf32, #tpu.memory_space<hbm>>
      tpu.wait_dma2 semaphore(%run_scoped3A : memref<!tpu.dma_semaphore, #tpu.memory_space<semaphore_mem>>) src(%arg6 : memref<200x64xf32, #tpu.memory_space<vmem>>) dst(%dma_wait3A_328 : memref<200x64xf32, #tpu.memory_space<hbm>>)
      tpu.yield
    }) : () -> ()
    %add3A_31 = arith.constant 600 : i32
    %add3A_32 = arith.addi %mul3A_2, %add3A_31 : i32
    "tpu.region"() ({
      %run_scoped3A = tpu.sem_alloc : memref<!tpu.dma_semaphore, #tpu.memory_space<semaphore_mem>>
      %dma_start3A_321 = tpu.memref_slice %arg2[%add3A_32] : memref<204800xi32, #tpu.memory_space<hbm>> -> memref<200xi32, #tpu.memory_space<hbm>>
      %dma_start3A_322 = tpu.memref_slice %arg2[%add3A_32] : memref<204800xi32, #tpu.memory_space<hbm>> -> memref<200xi32, #tpu.memory_space<hbm>>
      tpu.enqueue_dma source(%dma_start3A_322 : memref<200xi32, #tpu.memory_space<hbm>>) target(%arg5 : memref<200xi32, #tpu.memory_space<vmem>>) target_semaphore(%run_scoped3A : memref<!tpu.dma_semaphore, #tpu.memory_space<semaphore_mem>>)
      %dma_wait3A_323 = tpu.memref_slice %arg2[%add3A_32] : memref<204800xi32, #tpu.memory_space<hbm>> -> memref<200xi32, #tpu.memory_space<hbm>>
      %dma_wait3A_324 = tpu.memref_slice %arg2[%add3A_32] : memref<204800xi32, #tpu.memory_space<hbm>> -> memref<200xi32, #tpu.memory_space<hbm>>
      tpu.wait_dma2 semaphore(%run_scoped3A : memref<!tpu.dma_semaphore, #tpu.memory_space<semaphore_mem>>) src(%dma_wait3A_324 : memref<200xi32, #tpu.memory_space<hbm>>) dst(%arg5 : memref<200xi32, #tpu.memory_space<vmem>>)
      tpu.yield
    }) : () -> ()
    %dma_start3A_33 = arith.constant 0 : i32
    %dma_start3A_34 = arith.constant 0 : i32
    %dma_start3A_35 = tpu.memref_slice %arg3[%dma_start3A_33, %dma_start3A_34] : memref<1000000x64xf32, #tpu.memory_space<hbm>> -> memref<1000000x64xf32, #tpu.memory_space<hbm>>
    tpu.enqueue_indirect_dma source(%dma_start3A_35 : memref<1000000x64xf32, #tpu.memory_space<hbm>>) target(%arg6 : memref<200x64xf32, #tpu.memory_space<vmem>>) offsets(%arg5 : memref<200xi32, #tpu.memory_space<vmem>>) semaphore(%arg7 : memref<!tpu.dma_semaphore, #tpu.memory_space<semaphore_mem>>)
    %dma_wait3A_36 = arith.constant 0 : i32
    %dma_wait3A_37 = arith.constant 0 : i32
    %dma_wait3A_38 = tpu.memref_slice %arg3[%dma_wait3A_36, %dma_wait3A_37] : memref<1000000x64xf32, #tpu.memory_space<hbm>> -> memref<1000000x64xf32, #tpu.memory_space<hbm>>
    tpu.wait_indirect_dma semaphore(%arg7 : memref<!tpu.dma_semaphore, #tpu.memory_space<semaphore_mem>>) src(%dma_wait3A_38 : memref<1000000x64xf32, #tpu.memory_space<hbm>>) dst(%arg6 : memref<200x64xf32, #tpu.memory_space<vmem>>)
    %add3A_39 = arith.constant 600 : i32
    %add3A_40 = arith.addi %mul3A_2, %add3A_39 : i32
    "tpu.region"() ({
      %run_scoped3A = tpu.sem_alloc : memref<!tpu.dma_semaphore, #tpu.memory_space<semaphore_mem>>
      %dma_start3A_321 = arith.constant 0 : i32
      %dma_start3A_322 = tpu.memref_slice %arg4[%add3A_40, %dma_start3A_321] : memref<204800x64xf32, #tpu.memory_space<hbm>> -> memref<200x64xf32, #tpu.memory_space<hbm>>
      %dma_start3A_323 = arith.constant 0 : i32
      %dma_start3A_324 = tpu.memref_slice %arg4[%add3A_40, %dma_start3A_323] : memref<204800x64xf32, #tpu.memory_space<hbm>> -> memref<200x64xf32, #tpu.memory_space<hbm>>
      tpu.enqueue_dma source(%arg6 : memref<200x64xf32, #tpu.memory_space<vmem>>) target(%dma_start3A_324 : memref<200x64xf32, #tpu.memory_space<hbm>>) target_semaphore(%run_scoped3A : memref<!tpu.dma_semaphore, #tpu.memory_space<semaphore_mem>>)
      %dma_wait3A_325 = arith.constant 0 : i32
      %dma_wait3A_326 = tpu.memref_slice %arg4[%add3A_40, %dma_wait3A_325] : memref<204800x64xf32, #tpu.memory_space<hbm>> -> memref<200x64xf32, #tpu.memory_space<hbm>>
      %dma_wait3A_327 = arith.constant 0 : i32
      %dma_wait3A_328 = tpu.memref_slice %arg4[%add3A_40, %dma_wait3A_327] : memref<204800x64xf32, #tpu.memory_space<hbm>> -> memref<200x64xf32, #tpu.memory_space<hbm>>
      tpu.wait_dma2 semaphore(%run_scoped3A : memref<!tpu.dma_semaphore, #tpu.memory_space<semaphore_mem>>) src(%arg6 : memref<200x64xf32, #tpu.memory_space<vmem>>) dst(%dma_wait3A_328 : memref<200x64xf32, #tpu.memory_space<hbm>>)
      tpu.yield
    }) : () -> ()
    %add3A_41 = arith.constant 800 : i32
    %add3A_42 = arith.addi %mul3A_2, %add3A_41 : i32
    "tpu.region"() ({
      %run_scoped3A = tpu.sem_alloc : memref<!tpu.dma_semaphore, #tpu.memory_space<semaphore_mem>>
      %dma_start3A_321 = tpu.memref_slice %arg2[%add3A_42] : memref<204800xi32, #tpu.memory_space<hbm>> -> memref<200xi32, #tpu.memory_space<hbm>>
      %dma_start3A_322 = tpu.memref_slice %arg2[%add3A_42] : memref<204800xi32, #tpu.memory_space<hbm>> -> memref<200xi32, #tpu.memory_space<hbm>>
      tpu.enqueue_dma source(%dma_start3A_322 : memref<200xi32, #tpu.memory_space<hbm>>) target(%arg5 : memref<200xi32, #tpu.memory_space<vmem>>) target_semaphore(%run_scoped3A : memref<!tpu.dma_semaphore, #tpu.memory_space<semaphore_mem>>)
      %dma_wait3A_323 = tpu.memref_slice %arg2[%add3A_42] : memref<204800xi32, #tpu.memory_space<hbm>> -> memref<200xi32, #tpu.memory_space<hbm>>
      %dma_wait3A_324 = tpu.memref_slice %arg2[%add3A_42] : memref<204800xi32, #tpu.memory_space<hbm>> -> memref<200xi32, #tpu.memory_space<hbm>>
      tpu.wait_dma2 semaphore(%run_scoped3A : memref<!tpu.dma_semaphore, #tpu.memory_space<semaphore_mem>>) src(%dma_wait3A_324 : memref<200xi32, #tpu.memory_space<hbm>>) dst(%arg5 : memref<200xi32, #tpu.memory_space<vmem>>)
      tpu.yield
    }) : () -> ()
    %dma_start3A_43 = arith.constant 0 : i32
    %dma_start3A_44 = arith.constant 0 : i32
    %dma_start3A_45 = tpu.memref_slice %arg3[%dma_start3A_43, %dma_start3A_44] : memref<1000000x64xf32, #tpu.memory_space<hbm>> -> memref<1000000x64xf32, #tpu.memory_space<hbm>>
    tpu.enqueue_indirect_dma source(%dma_start3A_45 : memref<1000000x64xf32, #tpu.memory_space<hbm>>) target(%arg6 : memref<200x64xf32, #tpu.memory_space<vmem>>) offsets(%arg5 : memref<200xi32, #tpu.memory_space<vmem>>) semaphore(%arg7 : memref<!tpu.dma_semaphore, #tpu.memory_space<semaphore_mem>>)
    %dma_wait3A_46 = arith.constant 0 : i32
    %dma_wait3A_47 = arith.constant 0 : i32
    %dma_wait3A_48 = tpu.memref_slice %arg3[%dma_wait3A_46, %dma_wait3A_47] : memref<1000000x64xf32, #tpu.memory_space<hbm>> -> memref<1000000x64xf32, #tpu.memory_space<hbm>>
    tpu.wait_indirect_dma semaphore(%arg7 : memref<!tpu.dma_semaphore, #tpu.memory_space<semaphore_mem>>) src(%dma_wait3A_48 : memref<1000000x64xf32, #tpu.memory_space<hbm>>) dst(%arg6 : memref<200x64xf32, #tpu.memory_space<vmem>>)
    %add3A_49 = arith.constant 800 : i32
    %add3A_50 = arith.addi %mul3A_2, %add3A_49 : i32
    "tpu.region"() ({
      %run_scoped3A = tpu.sem_alloc : memref<!tpu.dma_semaphore, #tpu.memory_space<semaphore_mem>>
      %dma_start3A_321 = arith.constant 0 : i32
      %dma_start3A_322 = tpu.memref_slice %arg4[%add3A_50, %dma_start3A_321] : memref<204800x64xf32, #tpu.memory_space<hbm>> -> memref<200x64xf32, #tpu.memory_space<hbm>>
      %dma_start3A_323 = arith.constant 0 : i32
      %dma_start3A_324 = tpu.memref_slice %arg4[%add3A_50, %dma_start3A_323] : memref<204800x64xf32, #tpu.memory_space<hbm>> -> memref<200x64xf32, #tpu.memory_space<hbm>>
      tpu.enqueue_dma source(%arg6 : memref<200x64xf32, #tpu.memory_space<vmem>>) target(%dma_start3A_324 : memref<200x64xf32, #tpu.memory_space<hbm>>) target_semaphore(%run_scoped3A : memref<!tpu.dma_semaphore, #tpu.memory_space<semaphore_mem>>)
      %dma_wait3A_325 = arith.constant 0 : i32
      %dma_wait3A_326 = tpu.memref_slice %arg4[%add3A_50, %dma_wait3A_325] : memref<204800x64xf32, #tpu.memory_space<hbm>> -> memref<200x64xf32, #tpu.memory_space<hbm>>
      %dma_wait3A_327 = arith.constant 0 : i32
      %dma_wait3A_328 = tpu.memref_slice %arg4[%add3A_50, %dma_wait3A_327] : memref<204800x64xf32, #tpu.memory_space<hbm>> -> memref<200x64xf32, #tpu.memory_space<hbm>>
      tpu.wait_dma2 semaphore(%run_scoped3A : memref<!tpu.dma_semaphore, #tpu.memory_space<semaphore_mem>>) src(%arg6 : memref<200x64xf32, #tpu.memory_space<vmem>>) dst(%dma_wait3A_328 : memref<200x64xf32, #tpu.memory_space<hbm>>)
      tpu.yield
    }) : () -> ()
    %add3A_51 = arith.constant 1000 : i32
    %add3A_52 = arith.addi %mul3A_2, %add3A_51 : i32
    "tpu.region"() ({
      %run_scoped3A = tpu.sem_alloc : memref<!tpu.dma_semaphore, #tpu.memory_space<semaphore_mem>>
      %dma_start3A_321 = tpu.memref_slice %arg2[%add3A_52] : memref<204800xi32, #tpu.memory_space<hbm>> -> memref<200xi32, #tpu.memory_space<hbm>>
      %dma_start3A_322 = tpu.memref_slice %arg2[%add3A_52] : memref<204800xi32, #tpu.memory_space<hbm>> -> memref<200xi32, #tpu.memory_space<hbm>>
      tpu.enqueue_dma source(%dma_start3A_322 : memref<200xi32, #tpu.memory_space<hbm>>) target(%arg5 : memref<200xi32, #tpu.memory_space<vmem>>) target_semaphore(%run_scoped3A : memref<!tpu.dma_semaphore, #tpu.memory_space<semaphore_mem>>)
      %dma_wait3A_323 = tpu.memref_slice %arg2[%add3A_52] : memref<204800xi32, #tpu.memory_space<hbm>> -> memref<200xi32, #tpu.memory_space<hbm>>
      %dma_wait3A_324 = tpu.memref_slice %arg2[%add3A_52] : memref<204800xi32, #tpu.memory_space<hbm>> -> memref<200xi32, #tpu.memory_space<hbm>>
      tpu.wait_dma2 semaphore(%run_scoped3A : memref<!tpu.dma_semaphore, #tpu.memory_space<semaphore_mem>>) src(%dma_wait3A_324 : memref<200xi32, #tpu.memory_space<hbm>>) dst(%arg5 : memref<200xi32, #tpu.memory_space<vmem>>)
      tpu.yield
    }) : () -> ()
    %dma_start3A_53 = arith.constant 0 : i32
    %dma_start3A_54 = arith.constant 0 : i32
    %dma_start3A_55 = tpu.memref_slice %arg3[%dma_start3A_53, %dma_start3A_54] : memref<1000000x64xf32, #tpu.memory_space<hbm>> -> memref<1000000x64xf32, #tpu.memory_space<hbm>>
    tpu.enqueue_indirect_dma source(%dma_start3A_55 : memref<1000000x64xf32, #tpu.memory_space<hbm>>) target(%arg6 : memref<200x64xf32, #tpu.memory_space<vmem>>) offsets(%arg5 : memref<200xi32, #tpu.memory_space<vmem>>) semaphore(%arg7 : memref<!tpu.dma_semaphore, #tpu.memory_space<semaphore_mem>>)
    %dma_wait3A_56 = arith.constant 0 : i32
    %dma_wait3A_57 = arith.constant 0 : i32
    %dma_wait3A_58 = tpu.memref_slice %arg3[%dma_wait3A_56, %dma_wait3A_57] : memref<1000000x64xf32, #tpu.memory_space<hbm>> -> memref<1000000x64xf32, #tpu.memory_space<hbm>>
    tpu.wait_indirect_dma semaphore(%arg7 : memref<!tpu.dma_semaphore, #tpu.memory_space<semaphore_mem>>) src(%dma_wait3A_58 : memref<1000000x64xf32, #tpu.memory_space<hbm>>) dst(%arg6 : memref<200x64xf32, #tpu.memory_space<vmem>>)
    %add3A_59 = arith.constant 1000 : i32
    %add3A_60 = arith.addi %mul3A_2, %add3A_59 : i32
    "tpu.region"() ({
      %run_scoped3A = tpu.sem_alloc : memref<!tpu.dma_semaphore, #tpu.memory_space<semaphore_mem>>
      %dma_start3A_321 = arith.constant 0 : i32
      %dma_start3A_322 = tpu.memref_slice %arg4[%add3A_60, %dma_start3A_321] : memref<204800x64xf32, #tpu.memory_space<hbm>> -> memref<200x64xf32, #tpu.memory_space<hbm>>
      %dma_start3A_323 = arith.constant 0 : i32
      %dma_start3A_324 = tpu.memref_slice %arg4[%add3A_60, %dma_start3A_323] : memref<204800x64xf32, #tpu.memory_space<hbm>> -> memref<200x64xf32, #tpu.memory_space<hbm>>
      tpu.enqueue_dma source(%arg6 : memref<200x64xf32, #tpu.memory_space<vmem>>) target(%dma_start3A_324 : memref<200x64xf32, #tpu.memory_space<hbm>>) target_semaphore(%run_scoped3A : memref<!tpu.dma_semaphore, #tpu.memory_space<semaphore_mem>>)
      %dma_wait3A_325 = arith.constant 0 : i32
      %dma_wait3A_326 = tpu.memref_slice %arg4[%add3A_60, %dma_wait3A_325] : memref<204800x64xf32, #tpu.memory_space<hbm>> -> memref<200x64xf32, #tpu.memory_space<hbm>>
      %dma_wait3A_327 = arith.constant 0 : i32
      %dma_wait3A_328 = tpu.memref_slice %arg4[%add3A_60, %dma_wait3A_327] : memref<204800x64xf32, #tpu.memory_space<hbm>> -> memref<200x64xf32, #tpu.memory_space<hbm>>
      tpu.wait_dma2 semaphore(%run_scoped3A : memref<!tpu.dma_semaphore, #tpu.memory_space<semaphore_mem>>) src(%arg6 : memref<200x64xf32, #tpu.memory_space<vmem>>) dst(%dma_wait3A_328 : memref<200x64xf32, #tpu.memory_space<hbm>>)
      tpu.yield
    }) : () -> ()
    %add3A_61 = arith.constant 1200 : i32
    %add3A_62 = arith.addi %mul3A_2, %add3A_61 : i32
    "tpu.region"() ({
      %run_scoped3A = tpu.sem_alloc : memref<!tpu.dma_semaphore, #tpu.memory_space<semaphore_mem>>
      %dma_start3A_321 = tpu.memref_slice %arg2[%add3A_62] : memref<204800xi32, #tpu.memory_space<hbm>> -> memref<200xi32, #tpu.memory_space<hbm>>
      %dma_start3A_322 = tpu.memref_slice %arg2[%add3A_62] : memref<204800xi32, #tpu.memory_space<hbm>> -> memref<200xi32, #tpu.memory_space<hbm>>
      tpu.enqueue_dma source(%dma_start3A_322 : memref<200xi32, #tpu.memory_space<hbm>>) target(%arg5 : memref<200xi32, #tpu.memory_space<vmem>>) target_semaphore(%run_scoped3A : memref<!tpu.dma_semaphore, #tpu.memory_space<semaphore_mem>>)
      %dma_wait3A_323 = tpu.memref_slice %arg2[%add3A_62] : memref<204800xi32, #tpu.memory_space<hbm>> -> memref<200xi32, #tpu.memory_space<hbm>>
      %dma_wait3A_324 = tpu.memref_slice %arg2[%add3A_62] : memref<204800xi32, #tpu.memory_space<hbm>> -> memref<200xi32, #tpu.memory_space<hbm>>
      tpu.wait_dma2 semaphore(%run_scoped3A : memref<!tpu.dma_semaphore, #tpu.memory_space<semaphore_mem>>) src(%dma_wait3A_324 : memref<200xi32, #tpu.memory_space<hbm>>) dst(%arg5 : memref<200xi32, #tpu.memory_space<vmem>>)
      tpu.yield
    }) : () -> ()
    %dma_start3A_63 = arith.constant 0 : i32
    %dma_start3A_64 = arith.constant 0 : i32
    %dma_start3A_65 = tpu.memref_slice %arg3[%dma_start3A_63, %dma_start3A_64] : memref<1000000x64xf32, #tpu.memory_space<hbm>> -> memref<1000000x64xf32, #tpu.memory_space<hbm>>
    tpu.enqueue_indirect_dma source(%dma_start3A_65 : memref<1000000x64xf32, #tpu.memory_space<hbm>>) target(%arg6 : memref<200x64xf32, #tpu.memory_space<vmem>>) offsets(%arg5 : memref<200xi32, #tpu.memory_space<vmem>>) semaphore(%arg7 : memref<!tpu.dma_semaphore, #tpu.memory_space<semaphore_mem>>)
    %dma_wait3A_66 = arith.constant 0 : i32
    %dma_wait3A_67 = arith.constant 0 : i32
    %dma_wait3A_68 = tpu.memref_slice %arg3[%dma_wait3A_66, %dma_wait3A_67] : memref<1000000x64xf32, #tpu.memory_space<hbm>> -> memref<1000000x64xf32, #tpu.memory_space<hbm>>
    tpu.wait_indirect_dma semaphore(%arg7 : memref<!tpu.dma_semaphore, #tpu.memory_space<semaphore_mem>>) src(%dma_wait3A_68 : memref<1000000x64xf32, #tpu.memory_space<hbm>>) dst(%arg6 : memref<200x64xf32, #tpu.memory_space<vmem>>)
    %add3A_69 = arith.constant 1200 : i32
    %add3A_70 = arith.addi %mul3A_2, %add3A_69 : i32
    "tpu.region"() ({
      %run_scoped3A = tpu.sem_alloc : memref<!tpu.dma_semaphore, #tpu.memory_space<semaphore_mem>>
      %dma_start3A_321 = arith.constant 0 : i32
      %dma_start3A_322 = tpu.memref_slice %arg4[%add3A_70, %dma_start3A_321] : memref<204800x64xf32, #tpu.memory_space<hbm>> -> memref<200x64xf32, #tpu.memory_space<hbm>>
      %dma_start3A_323 = arith.constant 0 : i32
      %dma_start3A_324 = tpu.memref_slice %arg4[%add3A_70, %dma_start3A_323] : memref<204800x64xf32, #tpu.memory_space<hbm>> -> memref<200x64xf32, #tpu.memory_space<hbm>>
      tpu.enqueue_dma source(%arg6 : memref<200x64xf32, #tpu.memory_space<vmem>>) target(%dma_start3A_324 : memref<200x64xf32, #tpu.memory_space<hbm>>) target_semaphore(%run_scoped3A : memref<!tpu.dma_semaphore, #tpu.memory_space<semaphore_mem>>)
      %dma_wait3A_325 = arith.constant 0 : i32
      %dma_wait3A_326 = tpu.memref_slice %arg4[%add3A_70, %dma_wait3A_325] : memref<204800x64xf32, #tpu.memory_space<hbm>> -> memref<200x64xf32, #tpu.memory_space<hbm>>
      %dma_wait3A_327 = arith.constant 0 : i32
      %dma_wait3A_328 = tpu.memref_slice %arg4[%add3A_70, %dma_wait3A_327] : memref<204800x64xf32, #tpu.memory_space<hbm>> -> memref<200x64xf32, #tpu.memory_space<hbm>>
      tpu.wait_dma2 semaphore(%run_scoped3A : memref<!tpu.dma_semaphore, #tpu.memory_space<semaphore_mem>>) src(%arg6 : memref<200x64xf32, #tpu.memory_space<vmem>>) dst(%dma_wait3A_328 : memref<200x64xf32, #tpu.memory_space<hbm>>)
      tpu.yield
    }) : () -> ()
    %add3A_71 = arith.constant 1400 : i32
    %add3A_72 = arith.addi %mul3A_2, %add3A_71 : i32
    "tpu.region"() ({
      %run_scoped3A = tpu.sem_alloc : memref<!tpu.dma_semaphore, #tpu.memory_space<semaphore_mem>>
      %dma_start3A_321 = tpu.memref_slice %arg2[%add3A_72] : memref<204800xi32, #tpu.memory_space<hbm>> -> memref<200xi32, #tpu.memory_space<hbm>>
      %dma_start3A_322 = tpu.memref_slice %arg2[%add3A_72] : memref<204800xi32, #tpu.memory_space<hbm>> -> memref<200xi32, #tpu.memory_space<hbm>>
      tpu.enqueue_dma source(%dma_start3A_322 : memref<200xi32, #tpu.memory_space<hbm>>) target(%arg5 : memref<200xi32, #tpu.memory_space<vmem>>) target_semaphore(%run_scoped3A : memref<!tpu.dma_semaphore, #tpu.memory_space<semaphore_mem>>)
      %dma_wait3A_323 = tpu.memref_slice %arg2[%add3A_72] : memref<204800xi32, #tpu.memory_space<hbm>> -> memref<200xi32, #tpu.memory_space<hbm>>
      %dma_wait3A_324 = tpu.memref_slice %arg2[%add3A_72] : memref<204800xi32, #tpu.memory_space<hbm>> -> memref<200xi32, #tpu.memory_space<hbm>>
      tpu.wait_dma2 semaphore(%run_scoped3A : memref<!tpu.dma_semaphore, #tpu.memory_space<semaphore_mem>>) src(%dma_wait3A_324 : memref<200xi32, #tpu.memory_space<hbm>>) dst(%arg5 : memref<200xi32, #tpu.memory_space<vmem>>)
      tpu.yield
    }) : () -> ()
    %dma_start3A_73 = arith.constant 0 : i32
    %dma_start3A_74 = arith.constant 0 : i32
    %dma_start3A_75 = tpu.memref_slice %arg3[%dma_start3A_73, %dma_start3A_74] : memref<1000000x64xf32, #tpu.memory_space<hbm>> -> memref<1000000x64xf32, #tpu.memory_space<hbm>>
    tpu.enqueue_indirect_dma source(%dma_start3A_75 : memref<1000000x64xf32, #tpu.memory_space<hbm>>) target(%arg6 : memref<200x64xf32, #tpu.memory_space<vmem>>) offsets(%arg5 : memref<200xi32, #tpu.memory_space<vmem>>) semaphore(%arg7 : memref<!tpu.dma_semaphore, #tpu.memory_space<semaphore_mem>>)
    %dma_wait3A_76 = arith.constant 0 : i32
    %dma_wait3A_77 = arith.constant 0 : i32
    %dma_wait3A_78 = tpu.memref_slice %arg3[%dma_wait3A_76, %dma_wait3A_77] : memref<1000000x64xf32, #tpu.memory_space<hbm>> -> memref<1000000x64xf32, #tpu.memory_space<hbm>>
    tpu.wait_indirect_dma semaphore(%arg7 : memref<!tpu.dma_semaphore, #tpu.memory_space<semaphore_mem>>) src(%dma_wait3A_78 : memref<1000000x64xf32, #tpu.memory_space<hbm>>) dst(%arg6 : memref<200x64xf32, #tpu.memory_space<vmem>>)
    %add3A_79 = arith.constant 1400 : i32
    %add3A_80 = arith.addi %mul3A_2, %add3A_79 : i32
    "tpu.region"() ({
      %run_scoped3A = tpu.sem_alloc : memref<!tpu.dma_semaphore, #tpu.memory_space<semaphore_mem>>
      %dma_start3A_321 = arith.constant 0 : i32
      %dma_start3A_322 = tpu.memref_slice %arg4[%add3A_80, %dma_start3A_321] : memref<204800x64xf32, #tpu.memory_space<hbm>> -> memref<200x64xf32, #tpu.memory_space<hbm>>
      %dma_start3A_323 = arith.constant 0 : i32
      %dma_start3A_324 = tpu.memref_slice %arg4[%add3A_80, %dma_start3A_323] : memref<204800x64xf32, #tpu.memory_space<hbm>> -> memref<200x64xf32, #tpu.memory_space<hbm>>
      tpu.enqueue_dma source(%arg6 : memref<200x64xf32, #tpu.memory_space<vmem>>) target(%dma_start3A_324 : memref<200x64xf32, #tpu.memory_space<hbm>>) target_semaphore(%run_scoped3A : memref<!tpu.dma_semaphore, #tpu.memory_space<semaphore_mem>>)
      %dma_wait3A_325 = arith.constant 0 : i32
      %dma_wait3A_326 = tpu.memref_slice %arg4[%add3A_80, %dma_wait3A_325] : memref<204800x64xf32, #tpu.memory_space<hbm>> -> memref<200x64xf32, #tpu.memory_space<hbm>>
      %dma_wait3A_327 = arith.constant 0 : i32
      %dma_wait3A_328 = tpu.memref_slice %arg4[%add3A_80, %dma_wait3A_327] : memref<204800x64xf32, #tpu.memory_space<hbm>> -> memref<200x64xf32, #tpu.memory_space<hbm>>
      tpu.wait_dma2 semaphore(%run_scoped3A : memref<!tpu.dma_semaphore, #tpu.memory_space<semaphore_mem>>) src(%arg6 : memref<200x64xf32, #tpu.memory_space<vmem>>) dst(%dma_wait3A_328 : memref<200x64xf32, #tpu.memory_space<hbm>>)
      tpu.yield
    }) : () -> ()
    %add3A_81 = arith.constant 1600 : i32
    %add3A_82 = arith.addi %mul3A_2, %add3A_81 : i32
    "tpu.region"() ({
      %run_scoped3A = tpu.sem_alloc : memref<!tpu.dma_semaphore, #tpu.memory_space<semaphore_mem>>
      %dma_start3A_321 = tpu.memref_slice %arg2[%add3A_82] : memref<204800xi32, #tpu.memory_space<hbm>> -> memref<200xi32, #tpu.memory_space<hbm>>
      %dma_start3A_322 = tpu.memref_slice %arg2[%add3A_82] : memref<204800xi32, #tpu.memory_space<hbm>> -> memref<200xi32, #tpu.memory_space<hbm>>
      tpu.enqueue_dma source(%dma_start3A_322 : memref<200xi32, #tpu.memory_space<hbm>>) target(%arg5 : memref<200xi32, #tpu.memory_space<vmem>>) target_semaphore(%run_scoped3A : memref<!tpu.dma_semaphore, #tpu.memory_space<semaphore_mem>>)
      %dma_wait3A_323 = tpu.memref_slice %arg2[%add3A_82] : memref<204800xi32, #tpu.memory_space<hbm>> -> memref<200xi32, #tpu.memory_space<hbm>>
      %dma_wait3A_324 = tpu.memref_slice %arg2[%add3A_82] : memref<204800xi32, #tpu.memory_space<hbm>> -> memref<200xi32, #tpu.memory_space<hbm>>
      tpu.wait_dma2 semaphore(%run_scoped3A : memref<!tpu.dma_semaphore, #tpu.memory_space<semaphore_mem>>) src(%dma_wait3A_324 : memref<200xi32, #tpu.memory_space<hbm>>) dst(%arg5 : memref<200xi32, #tpu.memory_space<vmem>>)
      tpu.yield
    }) : () -> ()
    %dma_start3A_83 = arith.constant 0 : i32
    %dma_start3A_84 = arith.constant 0 : i32
    %dma_start3A_85 = tpu.memref_slice %arg3[%dma_start3A_83, %dma_start3A_84] : memref<1000000x64xf32, #tpu.memory_space<hbm>> -> memref<1000000x64xf32, #tpu.memory_space<hbm>>
    tpu.enqueue_indirect_dma source(%dma_start3A_85 : memref<1000000x64xf32, #tpu.memory_space<hbm>>) target(%arg6 : memref<200x64xf32, #tpu.memory_space<vmem>>) offsets(%arg5 : memref<200xi32, #tpu.memory_space<vmem>>) semaphore(%arg7 : memref<!tpu.dma_semaphore, #tpu.memory_space<semaphore_mem>>)
    %dma_wait3A_86 = arith.constant 0 : i32
    %dma_wait3A_87 = arith.constant 0 : i32
    %dma_wait3A_88 = tpu.memref_slice %arg3[%dma_wait3A_86, %dma_wait3A_87] : memref<1000000x64xf32, #tpu.memory_space<hbm>> -> memref<1000000x64xf32, #tpu.memory_space<hbm>>
    tpu.wait_indirect_dma semaphore(%arg7 : memref<!tpu.dma_semaphore, #tpu.memory_space<semaphore_mem>>) src(%dma_wait3A_88 : memref<1000000x64xf32, #tpu.memory_space<hbm>>) dst(%arg6 : memref<200x64xf32, #tpu.memory_space<vmem>>)
    %add3A_89 = arith.constant 1600 : i32
    %add3A_90 = arith.addi %mul3A_2, %add3A_89 : i32
    "tpu.region"() ({
      %run_scoped3A = tpu.sem_alloc : memref<!tpu.dma_semaphore, #tpu.memory_space<semaphore_mem>>
      %dma_start3A_321 = arith.constant 0 : i32
      %dma_start3A_322 = tpu.memref_slice %arg4[%add3A_90, %dma_start3A_321] : memref<204800x64xf32, #tpu.memory_space<hbm>> -> memref<200x64xf32, #tpu.memory_space<hbm>>
      %dma_start3A_323 = arith.constant 0 : i32
      %dma_start3A_324 = tpu.memref_slice %arg4[%add3A_90, %dma_start3A_323] : memref<204800x64xf32, #tpu.memory_space<hbm>> -> memref<200x64xf32, #tpu.memory_space<hbm>>
      tpu.enqueue_dma source(%arg6 : memref<200x64xf32, #tpu.memory_space<vmem>>) target(%dma_start3A_324 : memref<200x64xf32, #tpu.memory_space<hbm>>) target_semaphore(%run_scoped3A : memref<!tpu.dma_semaphore, #tpu.memory_space<semaphore_mem>>)
      %dma_wait3A_325 = arith.constant 0 : i32
      %dma_wait3A_326 = tpu.memref_slice %arg4[%add3A_90, %dma_wait3A_325] : memref<204800x64xf32, #tpu.memory_space<hbm>> -> memref<200x64xf32, #tpu.memory_space<hbm>>
      %dma_wait3A_327 = arith.constant 0 : i32
      %dma_wait3A_328 = tpu.memref_slice %arg4[%add3A_90, %dma_wait3A_327] : memref<204800x64xf32, #tpu.memory_space<hbm>> -> memref<200x64xf32, #tpu.memory_space<hbm>>
      tpu.wait_dma2 semaphore(%run_scoped3A : memref<!tpu.dma_semaphore, #tpu.memory_space<semaphore_mem>>) src(%arg6 : memref<200x64xf32, #tpu.memory_space<vmem>>) dst(%dma_wait3A_328 : memref<200x64xf32, #tpu.memory_space<hbm>>)
      tpu.yield
    }) : () -> ()
    %add3A_91 = arith.constant 1800 : i32
    %add3A_92 = arith.addi %mul3A_2, %add3A_91 : i32
    "tpu.region"() ({
      %run_scoped3A = tpu.sem_alloc : memref<!tpu.dma_semaphore, #tpu.memory_space<semaphore_mem>>
      %dma_start3A_321 = tpu.memref_slice %arg2[%add3A_92] : memref<204800xi32, #tpu.memory_space<hbm>> -> memref<200xi32, #tpu.memory_space<hbm>>
      %dma_start3A_322 = tpu.memref_slice %arg2[%add3A_92] : memref<204800xi32, #tpu.memory_space<hbm>> -> memref<200xi32, #tpu.memory_space<hbm>>
      tpu.enqueue_dma source(%dma_start3A_322 : memref<200xi32, #tpu.memory_space<hbm>>) target(%arg5 : memref<200xi32, #tpu.memory_space<vmem>>) target_semaphore(%run_scoped3A : memref<!tpu.dma_semaphore, #tpu.memory_space<semaphore_mem>>)
      %dma_wait3A_323 = tpu.memref_slice %arg2[%add3A_92] : memref<204800xi32, #tpu.memory_space<hbm>> -> memref<200xi32, #tpu.memory_space<hbm>>
      %dma_wait3A_324 = tpu.memref_slice %arg2[%add3A_92] : memref<204800xi32, #tpu.memory_space<hbm>> -> memref<200xi32, #tpu.memory_space<hbm>>
      tpu.wait_dma2 semaphore(%run_scoped3A : memref<!tpu.dma_semaphore, #tpu.memory_space<semaphore_mem>>) src(%dma_wait3A_324 : memref<200xi32, #tpu.memory_space<hbm>>) dst(%arg5 : memref<200xi32, #tpu.memory_space<vmem>>)
      tpu.yield
    }) : () -> ()
    %dma_start3A_93 = arith.constant 0 : i32
    %dma_start3A_94 = arith.constant 0 : i32
    %dma_start3A_95 = tpu.memref_slice %arg3[%dma_start3A_93, %dma_start3A_94] : memref<1000000x64xf32, #tpu.memory_space<hbm>> -> memref<1000000x64xf32, #tpu.memory_space<hbm>>
    tpu.enqueue_indirect_dma source(%dma_start3A_95 : memref<1000000x64xf32, #tpu.memory_space<hbm>>) target(%arg6 : memref<200x64xf32, #tpu.memory_space<vmem>>) offsets(%arg5 : memref<200xi32, #tpu.memory_space<vmem>>) semaphore(%arg7 : memref<!tpu.dma_semaphore, #tpu.memory_space<semaphore_mem>>)
    %dma_wait3A_96 = arith.constant 0 : i32
    %dma_wait3A_97 = arith.constant 0 : i32
    %dma_wait3A_98 = tpu.memref_slice %arg3[%dma_wait3A_96, %dma_wait3A_97] : memref<1000000x64xf32, #tpu.memory_space<hbm>> -> memref<1000000x64xf32, #tpu.memory_space<hbm>>
    tpu.wait_indirect_dma semaphore(%arg7 : memref<!tpu.dma_semaphore, #tpu.memory_space<semaphore_mem>>) src(%dma_wait3A_98 : memref<1000000x64xf32, #tpu.memory_space<hbm>>) dst(%arg6 : memref<200x64xf32, #tpu.memory_space<vmem>>)
    %add3A_99 = arith.constant 1800 : i32
    %add3A_100 = arith.addi %mul3A_2, %add3A_99 : i32
    "tpu.region"() ({
      %run_scoped3A = tpu.sem_alloc : memref<!tpu.dma_semaphore, #tpu.memory_space<semaphore_mem>>
      %dma_start3A_321 = arith.constant 0 : i32
      %dma_start3A_322 = tpu.memref_slice %arg4[%add3A_100, %dma_start3A_321] : memref<204800x64xf32, #tpu.memory_space<hbm>> -> memref<200x64xf32, #tpu.memory_space<hbm>>
      %dma_start3A_323 = arith.constant 0 : i32
      %dma_start3A_324 = tpu.memref_slice %arg4[%add3A_100, %dma_start3A_323] : memref<204800x64xf32, #tpu.memory_space<hbm>> -> memref<200x64xf32, #tpu.memory_space<hbm>>
      tpu.enqueue_dma source(%arg6 : memref<200x64xf32, #tpu.memory_space<vmem>>) target(%dma_start3A_324 : memref<200x64xf32, #tpu.memory_space<hbm>>) target_semaphore(%run_scoped3A : memref<!tpu.dma_semaphore, #tpu.memory_space<semaphore_mem>>)
      %dma_wait3A_325 = arith.constant 0 : i32
      %dma_wait3A_326 = tpu.memref_slice %arg4[%add3A_100, %dma_wait3A_325] : memref<204800x64xf32, #tpu.memory_space<hbm>> -> memref<200x64xf32, #tpu.memory_space<hbm>>
      %dma_wait3A_327 = arith.constant 0 : i32
      %dma_wait3A_328 = tpu.memref_slice %arg4[%add3A_100, %dma_wait3A_327] : memref<204800x64xf32, #tpu.memory_space<hbm>> -> memref<200x64xf32, #tpu.memory_space<hbm>>
      tpu.wait_dma2 semaphore(%run_scoped3A : memref<!tpu.dma_semaphore, #tpu.memory_space<semaphore_mem>>) src(%arg6 : memref<200x64xf32, #tpu.memory_space<vmem>>) dst(%dma_wait3A_328 : memref<200x64xf32, #tpu.memory_space<hbm>>)
      tpu.yield
    }) : () -> ()
    %add3A_101 = arith.constant 2000 : i32
    %add3A_102 = arith.addi %mul3A_2, %add3A_101 : i32
    "tpu.region"() ({
      %run_scoped3A = tpu.sem_alloc : memref<!tpu.dma_semaphore, #tpu.memory_space<semaphore_mem>>
      %dma_start3A_321 = tpu.memref_slice %arg2[%add3A_102] : memref<204800xi32, #tpu.memory_space<hbm>> -> memref<200xi32, #tpu.memory_space<hbm>>
      %dma_start3A_322 = tpu.memref_slice %arg2[%add3A_102] : memref<204800xi32, #tpu.memory_space<hbm>> -> memref<200xi32, #tpu.memory_space<hbm>>
      tpu.enqueue_dma source(%dma_start3A_322 : memref<200xi32, #tpu.memory_space<hbm>>) target(%arg5 : memref<200xi32, #tpu.memory_space<vmem>>) target_semaphore(%run_scoped3A : memref<!tpu.dma_semaphore, #tpu.memory_space<semaphore_mem>>)
      %dma_wait3A_323 = tpu.memref_slice %arg2[%add3A_102] : memref<204800xi32, #tpu.memory_space<hbm>> -> memref<200xi32, #tpu.memory_space<hbm>>
      %dma_wait3A_324 = tpu.memref_slice %arg2[%add3A_102] : memref<204800xi32, #tpu.memory_space<hbm>> -> memref<200xi32, #tpu.memory_space<hbm>>
      tpu.wait_dma2 semaphore(%run_scoped3A : memref<!tpu.dma_semaphore, #tpu.memory_space<semaphore_mem>>) src(%dma_wait3A_324 : memref<200xi32, #tpu.memory_space<hbm>>) dst(%arg5 : memref<200xi32, #tpu.memory_space<vmem>>)
      tpu.yield
    }) : () -> ()
    %dma_start3A_103 = arith.constant 0 : i32
    %dma_start3A_104 = arith.constant 0 : i32
    %dma_start3A_105 = tpu.memref_slice %arg3[%dma_start3A_103, %dma_start3A_104] : memref<1000000x64xf32, #tpu.memory_space<hbm>> -> memref<1000000x64xf32, #tpu.memory_space<hbm>>
    tpu.enqueue_indirect_dma source(%dma_start3A_105 : memref<1000000x64xf32, #tpu.memory_space<hbm>>) target(%arg6 : memref<200x64xf32, #tpu.memory_space<vmem>>) offsets(%arg5 : memref<200xi32, #tpu.memory_space<vmem>>) semaphore(%arg7 : memref<!tpu.dma_semaphore, #tpu.memory_space<semaphore_mem>>)
    %dma_wait3A_106 = arith.constant 0 : i32
    %dma_wait3A_107 = arith.constant 0 : i32
    %dma_wait3A_108 = tpu.memref_slice %arg3[%dma_wait3A_106, %dma_wait3A_107] : memref<1000000x64xf32, #tpu.memory_space<hbm>> -> memref<1000000x64xf32, #tpu.memory_space<hbm>>
    tpu.wait_indirect_dma semaphore(%arg7 : memref<!tpu.dma_semaphore, #tpu.memory_space<semaphore_mem>>) src(%dma_wait3A_108 : memref<1000000x64xf32, #tpu.memory_space<hbm>>) dst(%arg6 : memref<200x64xf32, #tpu.memory_space<vmem>>)
    %add3A_109 = arith.constant 2000 : i32
    %add3A_110 = arith.addi %mul3A_2, %add3A_109 : i32
    "tpu.region"() ({
      %run_scoped3A = tpu.sem_alloc : memref<!tpu.dma_semaphore, #tpu.memory_space<semaphore_mem>>
      %dma_start3A_321 = arith.constant 0 : i32
      %dma_start3A_322 = tpu.memref_slice %arg4[%add3A_110, %dma_start3A_321] : memref<204800x64xf32, #tpu.memory_space<hbm>> -> memref<200x64xf32, #tpu.memory_space<hbm>>
      %dma_start3A_323 = arith.constant 0 : i32
      %dma_start3A_324 = tpu.memref_slice %arg4[%add3A_110, %dma_start3A_323] : memref<204800x64xf32, #tpu.memory_space<hbm>> -> memref<200x64xf32, #tpu.memory_space<hbm>>
      tpu.enqueue_dma source(%arg6 : memref<200x64xf32, #tpu.memory_space<vmem>>) target(%dma_start3A_324 : memref<200x64xf32, #tpu.memory_space<hbm>>) target_semaphore(%run_scoped3A : memref<!tpu.dma_semaphore, #tpu.memory_space<semaphore_mem>>)
      %dma_wait3A_325 = arith.constant 0 : i32
      %dma_wait3A_326 = tpu.memref_slice %arg4[%add3A_110, %dma_wait3A_325] : memref<204800x64xf32, #tpu.memory_space<hbm>> -> memref<200x64xf32, #tpu.memory_space<hbm>>
      %dma_wait3A_327 = arith.constant 0 : i32
      %dma_wait3A_328 = tpu.memref_slice %arg4[%add3A_110, %dma_wait3A_327] : memref<204800x64xf32, #tpu.memory_space<hbm>> -> memref<200x64xf32, #tpu.memory_space<hbm>>
      tpu.wait_dma2 semaphore(%run_scoped3A : memref<!tpu.dma_semaphore, #tpu.memory_space<semaphore_mem>>) src(%arg6 : memref<200x64xf32, #tpu.memory_space<vmem>>) dst(%dma_wait3A_328 : memref<200x64xf32, #tpu.memory_space<hbm>>)
      tpu.yield
    }) : () -> ()
    %add3A_111 = arith.constant 2200 : i32
    %add3A_112 = arith.addi %mul3A_2, %add3A_111 : i32
    "tpu.region"() ({
      %run_scoped3A = tpu.sem_alloc : memref<!tpu.dma_semaphore, #tpu.memory_space<semaphore_mem>>
      %dma_start3A_321 = tpu.memref_slice %arg2[%add3A_112] : memref<204800xi32, #tpu.memory_space<hbm>> -> memref<200xi32, #tpu.memory_space<hbm>>
      %dma_start3A_322 = tpu.memref_slice %arg2[%add3A_112] : memref<204800xi32, #tpu.memory_space<hbm>> -> memref<200xi32, #tpu.memory_space<hbm>>
      tpu.enqueue_dma source(%dma_start3A_322 : memref<200xi32, #tpu.memory_space<hbm>>) target(%arg5 : memref<200xi32, #tpu.memory_space<vmem>>) target_semaphore(%run_scoped3A : memref<!tpu.dma_semaphore, #tpu.memory_space<semaphore_mem>>)
      %dma_wait3A_323 = tpu.memref_slice %arg2[%add3A_112] : memref<204800xi32, #tpu.memory_space<hbm>> -> memref<200xi32, #tpu.memory_space<hbm>>
      %dma_wait3A_324 = tpu.memref_slice %arg2[%add3A_112] : memref<204800xi32, #tpu.memory_space<hbm>> -> memref<200xi32, #tpu.memory_space<hbm>>
      tpu.wait_dma2 semaphore(%run_scoped3A : memref<!tpu.dma_semaphore, #tpu.memory_space<semaphore_mem>>) src(%dma_wait3A_324 : memref<200xi32, #tpu.memory_space<hbm>>) dst(%arg5 : memref<200xi32, #tpu.memory_space<vmem>>)
      tpu.yield
    }) : () -> ()
    %dma_start3A_113 = arith.constant 0 : i32
    %dma_start3A_114 = arith.constant 0 : i32
    %dma_start3A_115 = tpu.memref_slice %arg3[%dma_start3A_113, %dma_start3A_114] : memref<1000000x64xf32, #tpu.memory_space<hbm>> -> memref<1000000x64xf32, #tpu.memory_space<hbm>>
    tpu.enqueue_indirect_dma source(%dma_start3A_115 : memref<1000000x64xf32, #tpu.memory_space<hbm>>) target(%arg6 : memref<200x64xf32, #tpu.memory_space<vmem>>) offsets(%arg5 : memref<200xi32, #tpu.memory_space<vmem>>) semaphore(%arg7 : memref<!tpu.dma_semaphore, #tpu.memory_space<semaphore_mem>>)
    %dma_wait3A_116 = arith.constant 0 : i32
    %dma_wait3A_117 = arith.constant 0 : i32
    %dma_wait3A_118 = tpu.memref_slice %arg3[%dma_wait3A_116, %dma_wait3A_117] : memref<1000000x64xf32, #tpu.memory_space<hbm>> -> memref<1000000x64xf32, #tpu.memory_space<hbm>>
    tpu.wait_indirect_dma semaphore(%arg7 : memref<!tpu.dma_semaphore, #tpu.memory_space<semaphore_mem>>) src(%dma_wait3A_118 : memref<1000000x64xf32, #tpu.memory_space<hbm>>) dst(%arg6 : memref<200x64xf32, #tpu.memory_space<vmem>>)
    %add3A_119 = arith.constant 2200 : i32
    %add3A_120 = arith.addi %mul3A_2, %add3A_119 : i32
    "tpu.region"() ({
      %run_scoped3A = tpu.sem_alloc : memref<!tpu.dma_semaphore, #tpu.memory_space<semaphore_mem>>
      %dma_start3A_321 = arith.constant 0 : i32
      %dma_start3A_322 = tpu.memref_slice %arg4[%add3A_120, %dma_start3A_321] : memref<204800x64xf32, #tpu.memory_space<hbm>> -> memref<200x64xf32, #tpu.memory_space<hbm>>
      %dma_start3A_323 = arith.constant 0 : i32
      %dma_start3A_324 = tpu.memref_slice %arg4[%add3A_120, %dma_start3A_323] : memref<204800x64xf32, #tpu.memory_space<hbm>> -> memref<200x64xf32, #tpu.memory_space<hbm>>
      tpu.enqueue_dma source(%arg6 : memref<200x64xf32, #tpu.memory_space<vmem>>) target(%dma_start3A_324 : memref<200x64xf32, #tpu.memory_space<hbm>>) target_semaphore(%run_scoped3A : memref<!tpu.dma_semaphore, #tpu.memory_space<semaphore_mem>>)
      %dma_wait3A_325 = arith.constant 0 : i32
      %dma_wait3A_326 = tpu.memref_slice %arg4[%add3A_120, %dma_wait3A_325] : memref<204800x64xf32, #tpu.memory_space<hbm>> -> memref<200x64xf32, #tpu.memory_space<hbm>>
      %dma_wait3A_327 = arith.constant 0 : i32
      %dma_wait3A_328 = tpu.memref_slice %arg4[%add3A_120, %dma_wait3A_327] : memref<204800x64xf32, #tpu.memory_space<hbm>> -> memref<200x64xf32, #tpu.memory_space<hbm>>
      tpu.wait_dma2 semaphore(%run_scoped3A : memref<!tpu.dma_semaphore, #tpu.memory_space<semaphore_mem>>) src(%arg6 : memref<200x64xf32, #tpu.memory_space<vmem>>) dst(%dma_wait3A_328 : memref<200x64xf32, #tpu.memory_space<hbm>>)
      tpu.yield
    }) : () -> ()
    %add3A_121 = arith.constant 2400 : i32
    %add3A_122 = arith.addi %mul3A_2, %add3A_121 : i32
    "tpu.region"() ({
      %run_scoped3A = tpu.sem_alloc : memref<!tpu.dma_semaphore, #tpu.memory_space<semaphore_mem>>
      %dma_start3A_321 = tpu.memref_slice %arg2[%add3A_122] : memref<204800xi32, #tpu.memory_space<hbm>> -> memref<200xi32, #tpu.memory_space<hbm>>
      %dma_start3A_322 = tpu.memref_slice %arg2[%add3A_122] : memref<204800xi32, #tpu.memory_space<hbm>> -> memref<200xi32, #tpu.memory_space<hbm>>
      tpu.enqueue_dma source(%dma_start3A_322 : memref<200xi32, #tpu.memory_space<hbm>>) target(%arg5 : memref<200xi32, #tpu.memory_space<vmem>>) target_semaphore(%run_scoped3A : memref<!tpu.dma_semaphore, #tpu.memory_space<semaphore_mem>>)
      %dma_wait3A_323 = tpu.memref_slice %arg2[%add3A_122] : memref<204800xi32, #tpu.memory_space<hbm>> -> memref<200xi32, #tpu.memory_space<hbm>>
      %dma_wait3A_324 = tpu.memref_slice %arg2[%add3A_122] : memref<204800xi32, #tpu.memory_space<hbm>> -> memref<200xi32, #tpu.memory_space<hbm>>
      tpu.wait_dma2 semaphore(%run_scoped3A : memref<!tpu.dma_semaphore, #tpu.memory_space<semaphore_mem>>) src(%dma_wait3A_324 : memref<200xi32, #tpu.memory_space<hbm>>) dst(%arg5 : memref<200xi32, #tpu.memory_space<vmem>>)
      tpu.yield
    }) : () -> ()
    %dma_start3A_123 = arith.constant 0 : i32
    %dma_start3A_124 = arith.constant 0 : i32
    %dma_start3A_125 = tpu.memref_slice %arg3[%dma_start3A_123, %dma_start3A_124] : memref<1000000x64xf32, #tpu.memory_space<hbm>> -> memref<1000000x64xf32, #tpu.memory_space<hbm>>
    tpu.enqueue_indirect_dma source(%dma_start3A_125 : memref<1000000x64xf32, #tpu.memory_space<hbm>>) target(%arg6 : memref<200x64xf32, #tpu.memory_space<vmem>>) offsets(%arg5 : memref<200xi32, #tpu.memory_space<vmem>>) semaphore(%arg7 : memref<!tpu.dma_semaphore, #tpu.memory_space<semaphore_mem>>)
    %dma_wait3A_126 = arith.constant 0 : i32
    %dma_wait3A_127 = arith.constant 0 : i32
    %dma_wait3A_128 = tpu.memref_slice %arg3[%dma_wait3A_126, %dma_wait3A_127] : memref<1000000x64xf32, #tpu.memory_space<hbm>> -> memref<1000000x64xf32, #tpu.memory_space<hbm>>
    tpu.wait_indirect_dma semaphore(%arg7 : memref<!tpu.dma_semaphore, #tpu.memory_space<semaphore_mem>>) src(%dma_wait3A_128 : memref<1000000x64xf32, #tpu.memory_space<hbm>>) dst(%arg6 : memref<200x64xf32, #tpu.memory_space<vmem>>)
    %add3A_129 = arith.constant 2400 : i32
    %add3A_130 = arith.addi %mul3A_2, %add3A_129 : i32
    "tpu.region"() ({
      %run_scoped3A = tpu.sem_alloc : memref<!tpu.dma_semaphore, #tpu.memory_space<semaphore_mem>>
      %dma_start3A_321 = arith.constant 0 : i32
      %dma_start3A_322 = tpu.memref_slice %arg4[%add3A_130, %dma_start3A_321] : memref<204800x64xf32, #tpu.memory_space<hbm>> -> memref<200x64xf32, #tpu.memory_space<hbm>>
      %dma_start3A_323 = arith.constant 0 : i32
      %dma_start3A_324 = tpu.memref_slice %arg4[%add3A_130, %dma_start3A_323] : memref<204800x64xf32, #tpu.memory_space<hbm>> -> memref<200x64xf32, #tpu.memory_space<hbm>>
      tpu.enqueue_dma source(%arg6 : memref<200x64xf32, #tpu.memory_space<vmem>>) target(%dma_start3A_324 : memref<200x64xf32, #tpu.memory_space<hbm>>) target_semaphore(%run_scoped3A : memref<!tpu.dma_semaphore, #tpu.memory_space<semaphore_mem>>)
      %dma_wait3A_325 = arith.constant 0 : i32
      %dma_wait3A_326 = tpu.memref_slice %arg4[%add3A_130, %dma_wait3A_325] : memref<204800x64xf32, #tpu.memory_space<hbm>> -> memref<200x64xf32, #tpu.memory_space<hbm>>
      %dma_wait3A_327 = arith.constant 0 : i32
      %dma_wait3A_328 = tpu.memref_slice %arg4[%add3A_130, %dma_wait3A_327] : memref<204800x64xf32, #tpu.memory_space<hbm>> -> memref<200x64xf32, #tpu.memory_space<hbm>>
      tpu.wait_dma2 semaphore(%run_scoped3A : memref<!tpu.dma_semaphore, #tpu.memory_space<semaphore_mem>>) src(%arg6 : memref<200x64xf32, #tpu.memory_space<vmem>>) dst(%dma_wait3A_328 : memref<200x64xf32, #tpu.memory_space<hbm>>)
      tpu.yield
    }) : () -> ()
    %add3A_131 = arith.constant 2600 : i32
    %add3A_132 = arith.addi %mul3A_2, %add3A_131 : i32
    "tpu.region"() ({
      %run_scoped3A = tpu.sem_alloc : memref<!tpu.dma_semaphore, #tpu.memory_space<semaphore_mem>>
      %dma_start3A_321 = tpu.memref_slice %arg2[%add3A_132] : memref<204800xi32, #tpu.memory_space<hbm>> -> memref<200xi32, #tpu.memory_space<hbm>>
      %dma_start3A_322 = tpu.memref_slice %arg2[%add3A_132] : memref<204800xi32, #tpu.memory_space<hbm>> -> memref<200xi32, #tpu.memory_space<hbm>>
      tpu.enqueue_dma source(%dma_start3A_322 : memref<200xi32, #tpu.memory_space<hbm>>) target(%arg5 : memref<200xi32, #tpu.memory_space<vmem>>) target_semaphore(%run_scoped3A : memref<!tpu.dma_semaphore, #tpu.memory_space<semaphore_mem>>)
      %dma_wait3A_323 = tpu.memref_slice %arg2[%add3A_132] : memref<204800xi32, #tpu.memory_space<hbm>> -> memref<200xi32, #tpu.memory_space<hbm>>
      %dma_wait3A_324 = tpu.memref_slice %arg2[%add3A_132] : memref<204800xi32, #tpu.memory_space<hbm>> -> memref<200xi32, #tpu.memory_space<hbm>>
      tpu.wait_dma2 semaphore(%run_scoped3A : memref<!tpu.dma_semaphore, #tpu.memory_space<semaphore_mem>>) src(%dma_wait3A_324 : memref<200xi32, #tpu.memory_space<hbm>>) dst(%arg5 : memref<200xi32, #tpu.memory_space<vmem>>)
      tpu.yield
    }) : () -> ()
    %dma_start3A_133 = arith.constant 0 : i32
    %dma_start3A_134 = arith.constant 0 : i32
    %dma_start3A_135 = tpu.memref_slice %arg3[%dma_start3A_133, %dma_start3A_134] : memref<1000000x64xf32, #tpu.memory_space<hbm>> -> memref<1000000x64xf32, #tpu.memory_space<hbm>>
    tpu.enqueue_indirect_dma source(%dma_start3A_135 : memref<1000000x64xf32, #tpu.memory_space<hbm>>) target(%arg6 : memref<200x64xf32, #tpu.memory_space<vmem>>) offsets(%arg5 : memref<200xi32, #tpu.memory_space<vmem>>) semaphore(%arg7 : memref<!tpu.dma_semaphore, #tpu.memory_space<semaphore_mem>>)
    %dma_wait3A_136 = arith.constant 0 : i32
    %dma_wait3A_137 = arith.constant 0 : i32
    %dma_wait3A_138 = tpu.memref_slice %arg3[%dma_wait3A_136, %dma_wait3A_137] : memref<1000000x64xf32, #tpu.memory_space<hbm>> -> memref<1000000x64xf32, #tpu.memory_space<hbm>>
    tpu.wait_indirect_dma semaphore(%arg7 : memref<!tpu.dma_semaphore, #tpu.memory_space<semaphore_mem>>) src(%dma_wait3A_138 : memref<1000000x64xf32, #tpu.memory_space<hbm>>) dst(%arg6 : memref<200x64xf32, #tpu.memory_space<vmem>>)
    %add3A_139 = arith.constant 2600 : i32
    %add3A_140 = arith.addi %mul3A_2, %add3A_139 : i32
    "tpu.region"() ({
      %run_scoped3A = tpu.sem_alloc : memref<!tpu.dma_semaphore, #tpu.memory_space<semaphore_mem>>
      %dma_start3A_321 = arith.constant 0 : i32
      %dma_start3A_322 = tpu.memref_slice %arg4[%add3A_140, %dma_start3A_321] : memref<204800x64xf32, #tpu.memory_space<hbm>> -> memref<200x64xf32, #tpu.memory_space<hbm>>
      %dma_start3A_323 = arith.constant 0 : i32
      %dma_start3A_324 = tpu.memref_slice %arg4[%add3A_140, %dma_start3A_323] : memref<204800x64xf32, #tpu.memory_space<hbm>> -> memref<200x64xf32, #tpu.memory_space<hbm>>
      tpu.enqueue_dma source(%arg6 : memref<200x64xf32, #tpu.memory_space<vmem>>) target(%dma_start3A_324 : memref<200x64xf32, #tpu.memory_space<hbm>>) target_semaphore(%run_scoped3A : memref<!tpu.dma_semaphore, #tpu.memory_space<semaphore_mem>>)
      %dma_wait3A_325 = arith.constant 0 : i32
      %dma_wait3A_326 = tpu.memref_slice %arg4[%add3A_140, %dma_wait3A_325] : memref<204800x64xf32, #tpu.memory_space<hbm>> -> memref<200x64xf32, #tpu.memory_space<hbm>>
      %dma_wait3A_327 = arith.constant 0 : i32
      %dma_wait3A_328 = tpu.memref_slice %arg4[%add3A_140, %dma_wait3A_327] : memref<204800x64xf32, #tpu.memory_space<hbm>> -> memref<200x64xf32, #tpu.memory_space<hbm>>
      tpu.wait_dma2 semaphore(%run_scoped3A : memref<!tpu.dma_semaphore, #tpu.memory_space<semaphore_mem>>) src(%arg6 : memref<200x64xf32, #tpu.memory_space<vmem>>) dst(%dma_wait3A_328 : memref<200x64xf32, #tpu.memory_space<hbm>>)
      tpu.yield
    }) : () -> ()
    %add3A_141 = arith.constant 2800 : i32
    %add3A_142 = arith.addi %mul3A_2, %add3A_141 : i32
    "tpu.region"() ({
      %run_scoped3A = tpu.sem_alloc : memref<!tpu.dma_semaphore, #tpu.memory_space<semaphore_mem>>
      %dma_start3A_321 = tpu.memref_slice %arg2[%add3A_142] : memref<204800xi32, #tpu.memory_space<hbm>> -> memref<200xi32, #tpu.memory_space<hbm>>
      %dma_start3A_322 = tpu.memref_slice %arg2[%add3A_142] : memref<204800xi32, #tpu.memory_space<hbm>> -> memref<200xi32, #tpu.memory_space<hbm>>
      tpu.enqueue_dma source(%dma_start3A_322 : memref<200xi32, #tpu.memory_space<hbm>>) target(%arg5 : memref<200xi32, #tpu.memory_space<vmem>>) target_semaphore(%run_scoped3A : memref<!tpu.dma_semaphore, #tpu.memory_space<semaphore_mem>>)
      %dma_wait3A_323 = tpu.memref_slice %arg2[%add3A_142] : memref<204800xi32, #tpu.memory_space<hbm>> -> memref<200xi32, #tpu.memory_space<hbm>>
      %dma_wait3A_324 = tpu.memref_slice %arg2[%add3A_142] : memref<204800xi32, #tpu.memory_space<hbm>> -> memref<200xi32, #tpu.memory_space<hbm>>
      tpu.wait_dma2 semaphore(%run_scoped3A : memref<!tpu.dma_semaphore, #tpu.memory_space<semaphore_mem>>) src(%dma_wait3A_324 : memref<200xi32, #tpu.memory_space<hbm>>) dst(%arg5 : memref<200xi32, #tpu.memory_space<vmem>>)
      tpu.yield
    }) : () -> ()
    %dma_start3A_143 = arith.constant 0 : i32
    %dma_start3A_144 = arith.constant 0 : i32
    %dma_start3A_145 = tpu.memref_slice %arg3[%dma_start3A_143, %dma_start3A_144] : memref<1000000x64xf32, #tpu.memory_space<hbm>> -> memref<1000000x64xf32, #tpu.memory_space<hbm>>
    tpu.enqueue_indirect_dma source(%dma_start3A_145 : memref<1000000x64xf32, #tpu.memory_space<hbm>>) target(%arg6 : memref<200x64xf32, #tpu.memory_space<vmem>>) offsets(%arg5 : memref<200xi32, #tpu.memory_space<vmem>>) semaphore(%arg7 : memref<!tpu.dma_semaphore, #tpu.memory_space<semaphore_mem>>)
    %dma_wait3A_146 = arith.constant 0 : i32
    %dma_wait3A_147 = arith.constant 0 : i32
    %dma_wait3A_148 = tpu.memref_slice %arg3[%dma_wait3A_146, %dma_wait3A_147] : memref<1000000x64xf32, #tpu.memory_space<hbm>> -> memref<1000000x64xf32, #tpu.memory_space<hbm>>
    tpu.wait_indirect_dma semaphore(%arg7 : memref<!tpu.dma_semaphore, #tpu.memory_space<semaphore_mem>>) src(%dma_wait3A_148 : memref<1000000x64xf32, #tpu.memory_space<hbm>>) dst(%arg6 : memref<200x64xf32, #tpu.memory_space<vmem>>)
    %add3A_149 = arith.constant 2800 : i32
    %add3A_150 = arith.addi %mul3A_2, %add3A_149 : i32
    "tpu.region"() ({
      %run_scoped3A = tpu.sem_alloc : memref<!tpu.dma_semaphore, #tpu.memory_space<semaphore_mem>>
      %dma_start3A_321 = arith.constant 0 : i32
      %dma_start3A_322 = tpu.memref_slice %arg4[%add3A_150, %dma_start3A_321] : memref<204800x64xf32, #tpu.memory_space<hbm>> -> memref<200x64xf32, #tpu.memory_space<hbm>>
      %dma_start3A_323 = arith.constant 0 : i32
      %dma_start3A_324 = tpu.memref_slice %arg4[%add3A_150, %dma_start3A_323] : memref<204800x64xf32, #tpu.memory_space<hbm>> -> memref<200x64xf32, #tpu.memory_space<hbm>>
      tpu.enqueue_dma source(%arg6 : memref<200x64xf32, #tpu.memory_space<vmem>>) target(%dma_start3A_324 : memref<200x64xf32, #tpu.memory_space<hbm>>) target_semaphore(%run_scoped3A : memref<!tpu.dma_semaphore, #tpu.memory_space<semaphore_mem>>)
      %dma_wait3A_325 = arith.constant 0 : i32
      %dma_wait3A_326 = tpu.memref_slice %arg4[%add3A_150, %dma_wait3A_325] : memref<204800x64xf32, #tpu.memory_space<hbm>> -> memref<200x64xf32, #tpu.memory_space<hbm>>
      %dma_wait3A_327 = arith.constant 0 : i32
      %dma_wait3A_328 = tpu.memref_slice %arg4[%add3A_150, %dma_wait3A_327] : memref<204800x64xf32, #tpu.memory_space<hbm>> -> memref<200x64xf32, #tpu.memory_space<hbm>>
      tpu.wait_dma2 semaphore(%run_scoped3A : memref<!tpu.dma_semaphore, #tpu.memory_space<semaphore_mem>>) src(%arg6 : memref<200x64xf32, #tpu.memory_space<vmem>>) dst(%dma_wait3A_328 : memref<200x64xf32, #tpu.memory_space<hbm>>)
      tpu.yield
    }) : () -> ()
    %add3A_151 = arith.constant 3000 : i32
    %add3A_152 = arith.addi %mul3A_2, %add3A_151 : i32
    "tpu.region"() ({
      %run_scoped3A = tpu.sem_alloc : memref<!tpu.dma_semaphore, #tpu.memory_space<semaphore_mem>>
      %dma_start3A_321 = tpu.memref_slice %arg2[%add3A_152] : memref<204800xi32, #tpu.memory_space<hbm>> -> memref<200xi32, #tpu.memory_space<hbm>>
      %dma_start3A_322 = tpu.memref_slice %arg2[%add3A_152] : memref<204800xi32, #tpu.memory_space<hbm>> -> memref<200xi32, #tpu.memory_space<hbm>>
      tpu.enqueue_dma source(%dma_start3A_322 : memref<200xi32, #tpu.memory_space<hbm>>) target(%arg5 : memref<200xi32, #tpu.memory_space<vmem>>) target_semaphore(%run_scoped3A : memref<!tpu.dma_semaphore, #tpu.memory_space<semaphore_mem>>)
      %dma_wait3A_323 = tpu.memref_slice %arg2[%add3A_152] : memref<204800xi32, #tpu.memory_space<hbm>> -> memref<200xi32, #tpu.memory_space<hbm>>
      %dma_wait3A_324 = tpu.memref_slice %arg2[%add3A_152] : memref<204800xi32, #tpu.memory_space<hbm>> -> memref<200xi32, #tpu.memory_space<hbm>>
      tpu.wait_dma2 semaphore(%run_scoped3A : memref<!tpu.dma_semaphore, #tpu.memory_space<semaphore_mem>>) src(%dma_wait3A_324 : memref<200xi32, #tpu.memory_space<hbm>>) dst(%arg5 : memref<200xi32, #tpu.memory_space<vmem>>)
      tpu.yield
    }) : () -> ()
    %dma_start3A_153 = arith.constant 0 : i32
    %dma_start3A_154 = arith.constant 0 : i32
    %dma_start3A_155 = tpu.memref_slice %arg3[%dma_start3A_153, %dma_start3A_154] : memref<1000000x64xf32, #tpu.memory_space<hbm>> -> memref<1000000x64xf32, #tpu.memory_space<hbm>>
    tpu.enqueue_indirect_dma source(%dma_start3A_155 : memref<1000000x64xf32, #tpu.memory_space<hbm>>) target(%arg6 : memref<200x64xf32, #tpu.memory_space<vmem>>) offsets(%arg5 : memref<200xi32, #tpu.memory_space<vmem>>) semaphore(%arg7 : memref<!tpu.dma_semaphore, #tpu.memory_space<semaphore_mem>>)
    %dma_wait3A_156 = arith.constant 0 : i32
    %dma_wait3A_157 = arith.constant 0 : i32
    %dma_wait3A_158 = tpu.memref_slice %arg3[%dma_wait3A_156, %dma_wait3A_157] : memref<1000000x64xf32, #tpu.memory_space<hbm>> -> memref<1000000x64xf32, #tpu.memory_space<hbm>>
    tpu.wait_indirect_dma semaphore(%arg7 : memref<!tpu.dma_semaphore, #tpu.memory_space<semaphore_mem>>) src(%dma_wait3A_158 : memref<1000000x64xf32, #tpu.memory_space<hbm>>) dst(%arg6 : memref<200x64xf32, #tpu.memory_space<vmem>>)
    %add3A_159 = arith.constant 3000 : i32
    %add3A_160 = arith.addi %mul3A_2, %add3A_159 : i32
    "tpu.region"() ({
      %run_scoped3A = tpu.sem_alloc : memref<!tpu.dma_semaphore, #tpu.memory_space<semaphore_mem>>
      %dma_start3A_321 = arith.constant 0 : i32
      %dma_start3A_322 = tpu.memref_slice %arg4[%add3A_160, %dma_start3A_321] : memref<204800x64xf32, #tpu.memory_space<hbm>> -> memref<200x64xf32, #tpu.memory_space<hbm>>
      %dma_start3A_323 = arith.constant 0 : i32
      %dma_start3A_324 = tpu.memref_slice %arg4[%add3A_160, %dma_start3A_323] : memref<204800x64xf32, #tpu.memory_space<hbm>> -> memref<200x64xf32, #tpu.memory_space<hbm>>
      tpu.enqueue_dma source(%arg6 : memref<200x64xf32, #tpu.memory_space<vmem>>) target(%dma_start3A_324 : memref<200x64xf32, #tpu.memory_space<hbm>>) target_semaphore(%run_scoped3A : memref<!tpu.dma_semaphore, #tpu.memory_space<semaphore_mem>>)
      %dma_wait3A_325 = arith.constant 0 : i32
      %dma_wait3A_326 = tpu.memref_slice %arg4[%add3A_160, %dma_wait3A_325] : memref<204800x64xf32, #tpu.memory_space<hbm>> -> memref<200x64xf32, #tpu.memory_space<hbm>>
      %dma_wait3A_327 = arith.constant 0 : i32
      %dma_wait3A_328 = tpu.memref_slice %arg4[%add3A_160, %dma_wait3A_327] : memref<204800x64xf32, #tpu.memory_space<hbm>> -> memref<200x64xf32, #tpu.memory_space<hbm>>
      tpu.wait_dma2 semaphore(%run_scoped3A : memref<!tpu.dma_semaphore, #tpu.memory_space<semaphore_mem>>) src(%arg6 : memref<200x64xf32, #tpu.memory_space<vmem>>) dst(%dma_wait3A_328 : memref<200x64xf32, #tpu.memory_space<hbm>>)
      tpu.yield
    }) : () -> ()
    %add3A_161 = arith.constant 3200 : i32
    %add3A_162 = arith.addi %mul3A_2, %add3A_161 : i32
    "tpu.region"() ({
      %run_scoped3A = tpu.sem_alloc : memref<!tpu.dma_semaphore, #tpu.memory_space<semaphore_mem>>
      %dma_start3A_321 = tpu.memref_slice %arg2[%add3A_162] : memref<204800xi32, #tpu.memory_space<hbm>> -> memref<200xi32, #tpu.memory_space<hbm>>
      %dma_start3A_322 = tpu.memref_slice %arg2[%add3A_162] : memref<204800xi32, #tpu.memory_space<hbm>> -> memref<200xi32, #tpu.memory_space<hbm>>
      tpu.enqueue_dma source(%dma_start3A_322 : memref<200xi32, #tpu.memory_space<hbm>>) target(%arg5 : memref<200xi32, #tpu.memory_space<vmem>>) target_semaphore(%run_scoped3A : memref<!tpu.dma_semaphore, #tpu.memory_space<semaphore_mem>>)
      %dma_wait3A_323 = tpu.memref_slice %arg2[%add3A_162] : memref<204800xi32, #tpu.memory_space<hbm>> -> memref<200xi32, #tpu.memory_space<hbm>>
      %dma_wait3A_324 = tpu.memref_slice %arg2[%add3A_162] : memref<204800xi32, #tpu.memory_space<hbm>> -> memref<200xi32, #tpu.memory_space<hbm>>
      tpu.wait_dma2 semaphore(%run_scoped3A : memref<!tpu.dma_semaphore, #tpu.memory_space<semaphore_mem>>) src(%dma_wait3A_324 : memref<200xi32, #tpu.memory_space<hbm>>) dst(%arg5 : memref<200xi32, #tpu.memory_space<vmem>>)
      tpu.yield
    }) : () -> ()
    %dma_start3A_163 = arith.constant 0 : i32
    %dma_start3A_164 = arith.constant 0 : i32
    %dma_start3A_165 = tpu.memref_slice %arg3[%dma_start3A_163, %dma_start3A_164] : memref<1000000x64xf32, #tpu.memory_space<hbm>> -> memref<1000000x64xf32, #tpu.memory_space<hbm>>
    tpu.enqueue_indirect_dma source(%dma_start3A_165 : memref<1000000x64xf32, #tpu.memory_space<hbm>>) target(%arg6 : memref<200x64xf32, #tpu.memory_space<vmem>>) offsets(%arg5 : memref<200xi32, #tpu.memory_space<vmem>>) semaphore(%arg7 : memref<!tpu.dma_semaphore, #tpu.memory_space<semaphore_mem>>)
    %dma_wait3A_166 = arith.constant 0 : i32
    %dma_wait3A_167 = arith.constant 0 : i32
    %dma_wait3A_168 = tpu.memref_slice %arg3[%dma_wait3A_166, %dma_wait3A_167] : memref<1000000x64xf32, #tpu.memory_space<hbm>> -> memref<1000000x64xf32, #tpu.memory_space<hbm>>
    tpu.wait_indirect_dma semaphore(%arg7 : memref<!tpu.dma_semaphore, #tpu.memory_space<semaphore_mem>>) src(%dma_wait3A_168 : memref<1000000x64xf32, #tpu.memory_space<hbm>>) dst(%arg6 : memref<200x64xf32, #tpu.memory_space<vmem>>)
    %add3A_169 = arith.constant 3200 : i32
    %add3A_170 = arith.addi %mul3A_2, %add3A_169 : i32
    "tpu.region"() ({
      %run_scoped3A = tpu.sem_alloc : memref<!tpu.dma_semaphore, #tpu.memory_space<semaphore_mem>>
      %dma_start3A_321 = arith.constant 0 : i32
      %dma_start3A_322 = tpu.memref_slice %arg4[%add3A_170, %dma_start3A_321] : memref<204800x64xf32, #tpu.memory_space<hbm>> -> memref<200x64xf32, #tpu.memory_space<hbm>>
      %dma_start3A_323 = arith.constant 0 : i32
      %dma_start3A_324 = tpu.memref_slice %arg4[%add3A_170, %dma_start3A_323] : memref<204800x64xf32, #tpu.memory_space<hbm>> -> memref<200x64xf32, #tpu.memory_space<hbm>>
      tpu.enqueue_dma source(%arg6 : memref<200x64xf32, #tpu.memory_space<vmem>>) target(%dma_start3A_324 : memref<200x64xf32, #tpu.memory_space<hbm>>) target_semaphore(%run_scoped3A : memref<!tpu.dma_semaphore, #tpu.memory_space<semaphore_mem>>)
      %dma_wait3A_325 = arith.constant 0 : i32
      %dma_wait3A_326 = tpu.memref_slice %arg4[%add3A_170, %dma_wait3A_325] : memref<204800x64xf32, #tpu.memory_space<hbm>> -> memref<200x64xf32, #tpu.memory_space<hbm>>
      %dma_wait3A_327 = arith.constant 0 : i32
      %dma_wait3A_328 = tpu.memref_slice %arg4[%add3A_170, %dma_wait3A_327] : memref<204800x64xf32, #tpu.memory_space<hbm>> -> memref<200x64xf32, #tpu.memory_space<hbm>>
      tpu.wait_dma2 semaphore(%run_scoped3A : memref<!tpu.dma_semaphore, #tpu.memory_space<semaphore_mem>>) src(%arg6 : memref<200x64xf32, #tpu.memory_space<vmem>>) dst(%dma_wait3A_328 : memref<200x64xf32, #tpu.memory_space<hbm>>)
      tpu.yield
    }) : () -> ()
    %add3A_171 = arith.constant 3400 : i32
    %add3A_172 = arith.addi %mul3A_2, %add3A_171 : i32
    "tpu.region"() ({
      %run_scoped3A = tpu.sem_alloc : memref<!tpu.dma_semaphore, #tpu.memory_space<semaphore_mem>>
      %dma_start3A_321 = tpu.memref_slice %arg2[%add3A_172] : memref<204800xi32, #tpu.memory_space<hbm>> -> memref<200xi32, #tpu.memory_space<hbm>>
      %dma_start3A_322 = tpu.memref_slice %arg2[%add3A_172] : memref<204800xi32, #tpu.memory_space<hbm>> -> memref<200xi32, #tpu.memory_space<hbm>>
      tpu.enqueue_dma source(%dma_start3A_322 : memref<200xi32, #tpu.memory_space<hbm>>) target(%arg5 : memref<200xi32, #tpu.memory_space<vmem>>) target_semaphore(%run_scoped3A : memref<!tpu.dma_semaphore, #tpu.memory_space<semaphore_mem>>)
      %dma_wait3A_323 = tpu.memref_slice %arg2[%add3A_172] : memref<204800xi32, #tpu.memory_space<hbm>> -> memref<200xi32, #tpu.memory_space<hbm>>
      %dma_wait3A_324 = tpu.memref_slice %arg2[%add3A_172] : memref<204800xi32, #tpu.memory_space<hbm>> -> memref<200xi32, #tpu.memory_space<hbm>>
      tpu.wait_dma2 semaphore(%run_scoped3A : memref<!tpu.dma_semaphore, #tpu.memory_space<semaphore_mem>>) src(%dma_wait3A_324 : memref<200xi32, #tpu.memory_space<hbm>>) dst(%arg5 : memref<200xi32, #tpu.memory_space<vmem>>)
      tpu.yield
    }) : () -> ()
    %dma_start3A_173 = arith.constant 0 : i32
    %dma_start3A_174 = arith.constant 0 : i32
    %dma_start3A_175 = tpu.memref_slice %arg3[%dma_start3A_173, %dma_start3A_174] : memref<1000000x64xf32, #tpu.memory_space<hbm>> -> memref<1000000x64xf32, #tpu.memory_space<hbm>>
    tpu.enqueue_indirect_dma source(%dma_start3A_175 : memref<1000000x64xf32, #tpu.memory_space<hbm>>) target(%arg6 : memref<200x64xf32, #tpu.memory_space<vmem>>) offsets(%arg5 : memref<200xi32, #tpu.memory_space<vmem>>) semaphore(%arg7 : memref<!tpu.dma_semaphore, #tpu.memory_space<semaphore_mem>>)
    %dma_wait3A_176 = arith.constant 0 : i32
    %dma_wait3A_177 = arith.constant 0 : i32
    %dma_wait3A_178 = tpu.memref_slice %arg3[%dma_wait3A_176, %dma_wait3A_177] : memref<1000000x64xf32, #tpu.memory_space<hbm>> -> memref<1000000x64xf32, #tpu.memory_space<hbm>>
    tpu.wait_indirect_dma semaphore(%arg7 : memref<!tpu.dma_semaphore, #tpu.memory_space<semaphore_mem>>) src(%dma_wait3A_178 : memref<1000000x64xf32, #tpu.memory_space<hbm>>) dst(%arg6 : memref<200x64xf32, #tpu.memory_space<vmem>>)
    %add3A_179 = arith.constant 3400 : i32
    %add3A_180 = arith.addi %mul3A_2, %add3A_179 : i32
    "tpu.region"() ({
      %run_scoped3A = tpu.sem_alloc : memref<!tpu.dma_semaphore, #tpu.memory_space<semaphore_mem>>
      %dma_start3A_321 = arith.constant 0 : i32
      %dma_start3A_322 = tpu.memref_slice %arg4[%add3A_180, %dma_start3A_321] : memref<204800x64xf32, #tpu.memory_space<hbm>> -> memref<200x64xf32, #tpu.memory_space<hbm>>
      %dma_start3A_323 = arith.constant 0 : i32
      %dma_start3A_324 = tpu.memref_slice %arg4[%add3A_180, %dma_start3A_323] : memref<204800x64xf32, #tpu.memory_space<hbm>> -> memref<200x64xf32, #tpu.memory_space<hbm>>
      tpu.enqueue_dma source(%arg6 : memref<200x64xf32, #tpu.memory_space<vmem>>) target(%dma_start3A_324 : memref<200x64xf32, #tpu.memory_space<hbm>>) target_semaphore(%run_scoped3A : memref<!tpu.dma_semaphore, #tpu.memory_space<semaphore_mem>>)
      %dma_wait3A_325 = arith.constant 0 : i32
      %dma_wait3A_326 = tpu.memref_slice %arg4[%add3A_180, %dma_wait3A_325] : memref<204800x64xf32, #tpu.memory_space<hbm>> -> memref<200x64xf32, #tpu.memory_space<hbm>>
      %dma_wait3A_327 = arith.constant 0 : i32
      %dma_wait3A_328 = tpu.memref_slice %arg4[%add3A_180, %dma_wait3A_327] : memref<204800x64xf32, #tpu.memory_space<hbm>> -> memref<200x64xf32, #tpu.memory_space<hbm>>
      tpu.wait_dma2 semaphore(%run_scoped3A : memref<!tpu.dma_semaphore, #tpu.memory_space<semaphore_mem>>) src(%arg6 : memref<200x64xf32, #tpu.memory_space<vmem>>) dst(%dma_wait3A_328 : memref<200x64xf32, #tpu.memory_space<hbm>>)
      tpu.yield
    }) : () -> ()
    %add3A_181 = arith.constant 3600 : i32
    %add3A_182 = arith.addi %mul3A_2, %add3A_181 : i32
    "tpu.region"() ({
      %run_scoped3A = tpu.sem_alloc : memref<!tpu.dma_semaphore, #tpu.memory_space<semaphore_mem>>
      %dma_start3A_321 = tpu.memref_slice %arg2[%add3A_182] : memref<204800xi32, #tpu.memory_space<hbm>> -> memref<200xi32, #tpu.memory_space<hbm>>
      %dma_start3A_322 = tpu.memref_slice %arg2[%add3A_182] : memref<204800xi32, #tpu.memory_space<hbm>> -> memref<200xi32, #tpu.memory_space<hbm>>
      tpu.enqueue_dma source(%dma_start3A_322 : memref<200xi32, #tpu.memory_space<hbm>>) target(%arg5 : memref<200xi32, #tpu.memory_space<vmem>>) target_semaphore(%run_scoped3A : memref<!tpu.dma_semaphore, #tpu.memory_space<semaphore_mem>>)
      %dma_wait3A_323 = tpu.memref_slice %arg2[%add3A_182] : memref<204800xi32, #tpu.memory_space<hbm>> -> memref<200xi32, #tpu.memory_space<hbm>>
      %dma_wait3A_324 = tpu.memref_slice %arg2[%add3A_182] : memref<204800xi32, #tpu.memory_space<hbm>> -> memref<200xi32, #tpu.memory_space<hbm>>
      tpu.wait_dma2 semaphore(%run_scoped3A : memref<!tpu.dma_semaphore, #tpu.memory_space<semaphore_mem>>) src(%dma_wait3A_324 : memref<200xi32, #tpu.memory_space<hbm>>) dst(%arg5 : memref<200xi32, #tpu.memory_space<vmem>>)
      tpu.yield
    }) : () -> ()
    %dma_start3A_183 = arith.constant 0 : i32
    %dma_start3A_184 = arith.constant 0 : i32
    %dma_start3A_185 = tpu.memref_slice %arg3[%dma_start3A_183, %dma_start3A_184] : memref<1000000x64xf32, #tpu.memory_space<hbm>> -> memref<1000000x64xf32, #tpu.memory_space<hbm>>
    tpu.enqueue_indirect_dma source(%dma_start3A_185 : memref<1000000x64xf32, #tpu.memory_space<hbm>>) target(%arg6 : memref<200x64xf32, #tpu.memory_space<vmem>>) offsets(%arg5 : memref<200xi32, #tpu.memory_space<vmem>>) semaphore(%arg7 : memref<!tpu.dma_semaphore, #tpu.memory_space<semaphore_mem>>)
    %dma_wait3A_186 = arith.constant 0 : i32
    %dma_wait3A_187 = arith.constant 0 : i32
    %dma_wait3A_188 = tpu.memref_slice %arg3[%dma_wait3A_186, %dma_wait3A_187] : memref<1000000x64xf32, #tpu.memory_space<hbm>> -> memref<1000000x64xf32, #tpu.memory_space<hbm>>
    tpu.wait_indirect_dma semaphore(%arg7 : memref<!tpu.dma_semaphore, #tpu.memory_space<semaphore_mem>>) src(%dma_wait3A_188 : memref<1000000x64xf32, #tpu.memory_space<hbm>>) dst(%arg6 : memref<200x64xf32, #tpu.memory_space<vmem>>)
    %add3A_189 = arith.constant 3600 : i32
    %add3A_190 = arith.addi %mul3A_2, %add3A_189 : i32
    "tpu.region"() ({
      %run_scoped3A = tpu.sem_alloc : memref<!tpu.dma_semaphore, #tpu.memory_space<semaphore_mem>>
      %dma_start3A_321 = arith.constant 0 : i32
      %dma_start3A_322 = tpu.memref_slice %arg4[%add3A_190, %dma_start3A_321] : memref<204800x64xf32, #tpu.memory_space<hbm>> -> memref<200x64xf32, #tpu.memory_space<hbm>>
      %dma_start3A_323 = arith.constant 0 : i32
      %dma_start3A_324 = tpu.memref_slice %arg4[%add3A_190, %dma_start3A_323] : memref<204800x64xf32, #tpu.memory_space<hbm>> -> memref<200x64xf32, #tpu.memory_space<hbm>>
      tpu.enqueue_dma source(%arg6 : memref<200x64xf32, #tpu.memory_space<vmem>>) target(%dma_start3A_324 : memref<200x64xf32, #tpu.memory_space<hbm>>) target_semaphore(%run_scoped3A : memref<!tpu.dma_semaphore, #tpu.memory_space<semaphore_mem>>)
      %dma_wait3A_325 = arith.constant 0 : i32
      %dma_wait3A_326 = tpu.memref_slice %arg4[%add3A_190, %dma_wait3A_325] : memref<204800x64xf32, #tpu.memory_space<hbm>> -> memref<200x64xf32, #tpu.memory_space<hbm>>
      %dma_wait3A_327 = arith.constant 0 : i32
      %dma_wait3A_328 = tpu.memref_slice %arg4[%add3A_190, %dma_wait3A_327] : memref<204800x64xf32, #tpu.memory_space<hbm>> -> memref<200x64xf32, #tpu.memory_space<hbm>>
      tpu.wait_dma2 semaphore(%run_scoped3A : memref<!tpu.dma_semaphore, #tpu.memory_space<semaphore_mem>>) src(%arg6 : memref<200x64xf32, #tpu.memory_space<vmem>>) dst(%dma_wait3A_328 : memref<200x64xf32, #tpu.memory_space<hbm>>)
      tpu.yield
    }) : () -> ()
    %add3A_191 = arith.constant 3800 : i32
    %add3A_192 = arith.addi %mul3A_2, %add3A_191 : i32
    "tpu.region"() ({
      %run_scoped3A = tpu.sem_alloc : memref<!tpu.dma_semaphore, #tpu.memory_space<semaphore_mem>>
      %dma_start3A_321 = tpu.memref_slice %arg2[%add3A_192] : memref<204800xi32, #tpu.memory_space<hbm>> -> memref<200xi32, #tpu.memory_space<hbm>>
      %dma_start3A_322 = tpu.memref_slice %arg2[%add3A_192] : memref<204800xi32, #tpu.memory_space<hbm>> -> memref<200xi32, #tpu.memory_space<hbm>>
      tpu.enqueue_dma source(%dma_start3A_322 : memref<200xi32, #tpu.memory_space<hbm>>) target(%arg5 : memref<200xi32, #tpu.memory_space<vmem>>) target_semaphore(%run_scoped3A : memref<!tpu.dma_semaphore, #tpu.memory_space<semaphore_mem>>)
      %dma_wait3A_323 = tpu.memref_slice %arg2[%add3A_192] : memref<204800xi32, #tpu.memory_space<hbm>> -> memref<200xi32, #tpu.memory_space<hbm>>
      %dma_wait3A_324 = tpu.memref_slice %arg2[%add3A_192] : memref<204800xi32, #tpu.memory_space<hbm>> -> memref<200xi32, #tpu.memory_space<hbm>>
      tpu.wait_dma2 semaphore(%run_scoped3A : memref<!tpu.dma_semaphore, #tpu.memory_space<semaphore_mem>>) src(%dma_wait3A_324 : memref<200xi32, #tpu.memory_space<hbm>>) dst(%arg5 : memref<200xi32, #tpu.memory_space<vmem>>)
      tpu.yield
    }) : () -> ()
    %dma_start3A_193 = arith.constant 0 : i32
    %dma_start3A_194 = arith.constant 0 : i32
    %dma_start3A_195 = tpu.memref_slice %arg3[%dma_start3A_193, %dma_start3A_194] : memref<1000000x64xf32, #tpu.memory_space<hbm>> -> memref<1000000x64xf32, #tpu.memory_space<hbm>>
    tpu.enqueue_indirect_dma source(%dma_start3A_195 : memref<1000000x64xf32, #tpu.memory_space<hbm>>) target(%arg6 : memref<200x64xf32, #tpu.memory_space<vmem>>) offsets(%arg5 : memref<200xi32, #tpu.memory_space<vmem>>) semaphore(%arg7 : memref<!tpu.dma_semaphore, #tpu.memory_space<semaphore_mem>>)
    %dma_wait3A_196 = arith.constant 0 : i32
    %dma_wait3A_197 = arith.constant 0 : i32
    %dma_wait3A_198 = tpu.memref_slice %arg3[%dma_wait3A_196, %dma_wait3A_197] : memref<1000000x64xf32, #tpu.memory_space<hbm>> -> memref<1000000x64xf32, #tpu.memory_space<hbm>>
    tpu.wait_indirect_dma semaphore(%arg7 : memref<!tpu.dma_semaphore, #tpu.memory_space<semaphore_mem>>) src(%dma_wait3A_198 : memref<1000000x64xf32, #tpu.memory_space<hbm>>) dst(%arg6 : memref<200x64xf32, #tpu.memory_space<vmem>>)
    %add3A_199 = arith.constant 3800 : i32
    %add3A_200 = arith.addi %mul3A_2, %add3A_199 : i32
    "tpu.region"() ({
      %run_scoped3A = tpu.sem_alloc : memref<!tpu.dma_semaphore, #tpu.memory_space<semaphore_mem>>
      %dma_start3A_321 = arith.constant 0 : i32
      %dma_start3A_322 = tpu.memref_slice %arg4[%add3A_200, %dma_start3A_321] : memref<204800x64xf32, #tpu.memory_space<hbm>> -> memref<200x64xf32, #tpu.memory_space<hbm>>
      %dma_start3A_323 = arith.constant 0 : i32
      %dma_start3A_324 = tpu.memref_slice %arg4[%add3A_200, %dma_start3A_323] : memref<204800x64xf32, #tpu.memory_space<hbm>> -> memref<200x64xf32, #tpu.memory_space<hbm>>
      tpu.enqueue_dma source(%arg6 : memref<200x64xf32, #tpu.memory_space<vmem>>) target(%dma_start3A_324 : memref<200x64xf32, #tpu.memory_space<hbm>>) target_semaphore(%run_scoped3A : memref<!tpu.dma_semaphore, #tpu.memory_space<semaphore_mem>>)
      %dma_wait3A_325 = arith.constant 0 : i32
      %dma_wait3A_326 = tpu.memref_slice %arg4[%add3A_200, %dma_wait3A_325] : memref<204800x64xf32, #tpu.memory_space<hbm>> -> memref<200x64xf32, #tpu.memory_space<hbm>>
      %dma_wait3A_327 = arith.constant 0 : i32
      %dma_wait3A_328 = tpu.memref_slice %arg4[%add3A_200, %dma_wait3A_327] : memref<204800x64xf32, #tpu.memory_space<hbm>> -> memref<200x64xf32, #tpu.memory_space<hbm>>
      tpu.wait_dma2 semaphore(%run_scoped3A : memref<!tpu.dma_semaphore, #tpu.memory_space<semaphore_mem>>) src(%arg6 : memref<200x64xf32, #tpu.memory_space<vmem>>) dst(%dma_wait3A_328 : memref<200x64xf32, #tpu.memory_space<hbm>>)
      tpu.yield
    }) : () -> ()
    %add3A_201 = arith.constant 4000 : i32
    %add3A_202 = arith.addi %mul3A_2, %add3A_201 : i32
    "tpu.region"() ({
      %run_scoped3A = tpu.sem_alloc : memref<!tpu.dma_semaphore, #tpu.memory_space<semaphore_mem>>
      %dma_start3A_321 = tpu.memref_slice %arg2[%add3A_202] : memref<204800xi32, #tpu.memory_space<hbm>> -> memref<200xi32, #tpu.memory_space<hbm>>
      %dma_start3A_322 = tpu.memref_slice %arg2[%add3A_202] : memref<204800xi32, #tpu.memory_space<hbm>> -> memref<200xi32, #tpu.memory_space<hbm>>
      tpu.enqueue_dma source(%dma_start3A_322 : memref<200xi32, #tpu.memory_space<hbm>>) target(%arg5 : memref<200xi32, #tpu.memory_space<vmem>>) target_semaphore(%run_scoped3A : memref<!tpu.dma_semaphore, #tpu.memory_space<semaphore_mem>>)
      %dma_wait3A_323 = tpu.memref_slice %arg2[%add3A_202] : memref<204800xi32, #tpu.memory_space<hbm>> -> memref<200xi32, #tpu.memory_space<hbm>>
      %dma_wait3A_324 = tpu.memref_slice %arg2[%add3A_202] : memref<204800xi32, #tpu.memory_space<hbm>> -> memref<200xi32, #tpu.memory_space<hbm>>
      tpu.wait_dma2 semaphore(%run_scoped3A : memref<!tpu.dma_semaphore, #tpu.memory_space<semaphore_mem>>) src(%dma_wait3A_324 : memref<200xi32, #tpu.memory_space<hbm>>) dst(%arg5 : memref<200xi32, #tpu.memory_space<vmem>>)
      tpu.yield
    }) : () -> ()
    %dma_start3A_203 = arith.constant 0 : i32
    %dma_start3A_204 = arith.constant 0 : i32
    %dma_start3A_205 = tpu.memref_slice %arg3[%dma_start3A_203, %dma_start3A_204] : memref<1000000x64xf32, #tpu.memory_space<hbm>> -> memref<1000000x64xf32, #tpu.memory_space<hbm>>
    tpu.enqueue_indirect_dma source(%dma_start3A_205 : memref<1000000x64xf32, #tpu.memory_space<hbm>>) target(%arg6 : memref<200x64xf32, #tpu.memory_space<vmem>>) offsets(%arg5 : memref<200xi32, #tpu.memory_space<vmem>>) semaphore(%arg7 : memref<!tpu.dma_semaphore, #tpu.memory_space<semaphore_mem>>)
    %dma_wait3A_206 = arith.constant 0 : i32
    %dma_wait3A_207 = arith.constant 0 : i32
    %dma_wait3A_208 = tpu.memref_slice %arg3[%dma_wait3A_206, %dma_wait3A_207] : memref<1000000x64xf32, #tpu.memory_space<hbm>> -> memref<1000000x64xf32, #tpu.memory_space<hbm>>
    tpu.wait_indirect_dma semaphore(%arg7 : memref<!tpu.dma_semaphore, #tpu.memory_space<semaphore_mem>>) src(%dma_wait3A_208 : memref<1000000x64xf32, #tpu.memory_space<hbm>>) dst(%arg6 : memref<200x64xf32, #tpu.memory_space<vmem>>)
    %add3A_209 = arith.constant 4000 : i32
    %add3A_210 = arith.addi %mul3A_2, %add3A_209 : i32
    "tpu.region"() ({
      %run_scoped3A = tpu.sem_alloc : memref<!tpu.dma_semaphore, #tpu.memory_space<semaphore_mem>>
      %dma_start3A_321 = arith.constant 0 : i32
      %dma_start3A_322 = tpu.memref_slice %arg4[%add3A_210, %dma_start3A_321] : memref<204800x64xf32, #tpu.memory_space<hbm>> -> memref<200x64xf32, #tpu.memory_space<hbm>>
      %dma_start3A_323 = arith.constant 0 : i32
      %dma_start3A_324 = tpu.memref_slice %arg4[%add3A_210, %dma_start3A_323] : memref<204800x64xf32, #tpu.memory_space<hbm>> -> memref<200x64xf32, #tpu.memory_space<hbm>>
      tpu.enqueue_dma source(%arg6 : memref<200x64xf32, #tpu.memory_space<vmem>>) target(%dma_start3A_324 : memref<200x64xf32, #tpu.memory_space<hbm>>) target_semaphore(%run_scoped3A : memref<!tpu.dma_semaphore, #tpu.memory_space<semaphore_mem>>)
      %dma_wait3A_325 = arith.constant 0 : i32
      %dma_wait3A_326 = tpu.memref_slice %arg4[%add3A_210, %dma_wait3A_325] : memref<204800x64xf32, #tpu.memory_space<hbm>> -> memref<200x64xf32, #tpu.memory_space<hbm>>
      %dma_wait3A_327 = arith.constant 0 : i32
      %dma_wait3A_328 = tpu.memref_slice %arg4[%add3A_210, %dma_wait3A_327] : memref<204800x64xf32, #tpu.memory_space<hbm>> -> memref<200x64xf32, #tpu.memory_space<hbm>>
      tpu.wait_dma2 semaphore(%run_scoped3A : memref<!tpu.dma_semaphore, #tpu.memory_space<semaphore_mem>>) src(%arg6 : memref<200x64xf32, #tpu.memory_space<vmem>>) dst(%dma_wait3A_328 : memref<200x64xf32, #tpu.memory_space<hbm>>)
      tpu.yield
    }) : () -> ()
    %add3A_211 = arith.constant 4200 : i32
    %add3A_212 = arith.addi %mul3A_2, %add3A_211 : i32
    "tpu.region"() ({
      %run_scoped3A = tpu.sem_alloc : memref<!tpu.dma_semaphore, #tpu.memory_space<semaphore_mem>>
      %dma_start3A_321 = tpu.memref_slice %arg2[%add3A_212] : memref<204800xi32, #tpu.memory_space<hbm>> -> memref<200xi32, #tpu.memory_space<hbm>>
      %dma_start3A_322 = tpu.memref_slice %arg2[%add3A_212] : memref<204800xi32, #tpu.memory_space<hbm>> -> memref<200xi32, #tpu.memory_space<hbm>>
      tpu.enqueue_dma source(%dma_start3A_322 : memref<200xi32, #tpu.memory_space<hbm>>) target(%arg5 : memref<200xi32, #tpu.memory_space<vmem>>) target_semaphore(%run_scoped3A : memref<!tpu.dma_semaphore, #tpu.memory_space<semaphore_mem>>)
      %dma_wait3A_323 = tpu.memref_slice %arg2[%add3A_212] : memref<204800xi32, #tpu.memory_space<hbm>> -> memref<200xi32, #tpu.memory_space<hbm>>
      %dma_wait3A_324 = tpu.memref_slice %arg2[%add3A_212] : memref<204800xi32, #tpu.memory_space<hbm>> -> memref<200xi32, #tpu.memory_space<hbm>>
      tpu.wait_dma2 semaphore(%run_scoped3A : memref<!tpu.dma_semaphore, #tpu.memory_space<semaphore_mem>>) src(%dma_wait3A_324 : memref<200xi32, #tpu.memory_space<hbm>>) dst(%arg5 : memref<200xi32, #tpu.memory_space<vmem>>)
      tpu.yield
    }) : () -> ()
    %dma_start3A_213 = arith.constant 0 : i32
    %dma_start3A_214 = arith.constant 0 : i32
    %dma_start3A_215 = tpu.memref_slice %arg3[%dma_start3A_213, %dma_start3A_214] : memref<1000000x64xf32, #tpu.memory_space<hbm>> -> memref<1000000x64xf32, #tpu.memory_space<hbm>>
    tpu.enqueue_indirect_dma source(%dma_start3A_215 : memref<1000000x64xf32, #tpu.memory_space<hbm>>) target(%arg6 : memref<200x64xf32, #tpu.memory_space<vmem>>) offsets(%arg5 : memref<200xi32, #tpu.memory_space<vmem>>) semaphore(%arg7 : memref<!tpu.dma_semaphore, #tpu.memory_space<semaphore_mem>>)
    %dma_wait3A_216 = arith.constant 0 : i32
    %dma_wait3A_217 = arith.constant 0 : i32
    %dma_wait3A_218 = tpu.memref_slice %arg3[%dma_wait3A_216, %dma_wait3A_217] : memref<1000000x64xf32, #tpu.memory_space<hbm>> -> memref<1000000x64xf32, #tpu.memory_space<hbm>>
    tpu.wait_indirect_dma semaphore(%arg7 : memref<!tpu.dma_semaphore, #tpu.memory_space<semaphore_mem>>) src(%dma_wait3A_218 : memref<1000000x64xf32, #tpu.memory_space<hbm>>) dst(%arg6 : memref<200x64xf32, #tpu.memory_space<vmem>>)
    %add3A_219 = arith.constant 4200 : i32
    %add3A_220 = arith.addi %mul3A_2, %add3A_219 : i32
    "tpu.region"() ({
      %run_scoped3A = tpu.sem_alloc : memref<!tpu.dma_semaphore, #tpu.memory_space<semaphore_mem>>
      %dma_start3A_321 = arith.constant 0 : i32
      %dma_start3A_322 = tpu.memref_slice %arg4[%add3A_220, %dma_start3A_321] : memref<204800x64xf32, #tpu.memory_space<hbm>> -> memref<200x64xf32, #tpu.memory_space<hbm>>
      %dma_start3A_323 = arith.constant 0 : i32
      %dma_start3A_324 = tpu.memref_slice %arg4[%add3A_220, %dma_start3A_323] : memref<204800x64xf32, #tpu.memory_space<hbm>> -> memref<200x64xf32, #tpu.memory_space<hbm>>
      tpu.enqueue_dma source(%arg6 : memref<200x64xf32, #tpu.memory_space<vmem>>) target(%dma_start3A_324 : memref<200x64xf32, #tpu.memory_space<hbm>>) target_semaphore(%run_scoped3A : memref<!tpu.dma_semaphore, #tpu.memory_space<semaphore_mem>>)
      %dma_wait3A_325 = arith.constant 0 : i32
      %dma_wait3A_326 = tpu.memref_slice %arg4[%add3A_220, %dma_wait3A_325] : memref<204800x64xf32, #tpu.memory_space<hbm>> -> memref<200x64xf32, #tpu.memory_space<hbm>>
      %dma_wait3A_327 = arith.constant 0 : i32
      %dma_wait3A_328 = tpu.memref_slice %arg4[%add3A_220, %dma_wait3A_327] : memref<204800x64xf32, #tpu.memory_space<hbm>> -> memref<200x64xf32, #tpu.memory_space<hbm>>
      tpu.wait_dma2 semaphore(%run_scoped3A : memref<!tpu.dma_semaphore, #tpu.memory_space<semaphore_mem>>) src(%arg6 : memref<200x64xf32, #tpu.memory_space<vmem>>) dst(%dma_wait3A_328 : memref<200x64xf32, #tpu.memory_space<hbm>>)
      tpu.yield
    }) : () -> ()
    %add3A_221 = arith.constant 4400 : i32
    %add3A_222 = arith.addi %mul3A_2, %add3A_221 : i32
    "tpu.region"() ({
      %run_scoped3A = tpu.sem_alloc : memref<!tpu.dma_semaphore, #tpu.memory_space<semaphore_mem>>
      %dma_start3A_321 = tpu.memref_slice %arg2[%add3A_222] : memref<204800xi32, #tpu.memory_space<hbm>> -> memref<200xi32, #tpu.memory_space<hbm>>
      %dma_start3A_322 = tpu.memref_slice %arg2[%add3A_222] : memref<204800xi32, #tpu.memory_space<hbm>> -> memref<200xi32, #tpu.memory_space<hbm>>
      tpu.enqueue_dma source(%dma_start3A_322 : memref<200xi32, #tpu.memory_space<hbm>>) target(%arg5 : memref<200xi32, #tpu.memory_space<vmem>>) target_semaphore(%run_scoped3A : memref<!tpu.dma_semaphore, #tpu.memory_space<semaphore_mem>>)
      %dma_wait3A_323 = tpu.memref_slice %arg2[%add3A_222] : memref<204800xi32, #tpu.memory_space<hbm>> -> memref<200xi32, #tpu.memory_space<hbm>>
      %dma_wait3A_324 = tpu.memref_slice %arg2[%add3A_222] : memref<204800xi32, #tpu.memory_space<hbm>> -> memref<200xi32, #tpu.memory_space<hbm>>
      tpu.wait_dma2 semaphore(%run_scoped3A : memref<!tpu.dma_semaphore, #tpu.memory_space<semaphore_mem>>) src(%dma_wait3A_324 : memref<200xi32, #tpu.memory_space<hbm>>) dst(%arg5 : memref<200xi32, #tpu.memory_space<vmem>>)
      tpu.yield
    }) : () -> ()
    %dma_start3A_223 = arith.constant 0 : i32
    %dma_start3A_224 = arith.constant 0 : i32
    %dma_start3A_225 = tpu.memref_slice %arg3[%dma_start3A_223, %dma_start3A_224] : memref<1000000x64xf32, #tpu.memory_space<hbm>> -> memref<1000000x64xf32, #tpu.memory_space<hbm>>
    tpu.enqueue_indirect_dma source(%dma_start3A_225 : memref<1000000x64xf32, #tpu.memory_space<hbm>>) target(%arg6 : memref<200x64xf32, #tpu.memory_space<vmem>>) offsets(%arg5 : memref<200xi32, #tpu.memory_space<vmem>>) semaphore(%arg7 : memref<!tpu.dma_semaphore, #tpu.memory_space<semaphore_mem>>)
    %dma_wait3A_226 = arith.constant 0 : i32
    %dma_wait3A_227 = arith.constant 0 : i32
    %dma_wait3A_228 = tpu.memref_slice %arg3[%dma_wait3A_226, %dma_wait3A_227] : memref<1000000x64xf32, #tpu.memory_space<hbm>> -> memref<1000000x64xf32, #tpu.memory_space<hbm>>
    tpu.wait_indirect_dma semaphore(%arg7 : memref<!tpu.dma_semaphore, #tpu.memory_space<semaphore_mem>>) src(%dma_wait3A_228 : memref<1000000x64xf32, #tpu.memory_space<hbm>>) dst(%arg6 : memref<200x64xf32, #tpu.memory_space<vmem>>)
    %add3A_229 = arith.constant 4400 : i32
    %add3A_230 = arith.addi %mul3A_2, %add3A_229 : i32
    "tpu.region"() ({
      %run_scoped3A = tpu.sem_alloc : memref<!tpu.dma_semaphore, #tpu.memory_space<semaphore_mem>>
      %dma_start3A_321 = arith.constant 0 : i32
      %dma_start3A_322 = tpu.memref_slice %arg4[%add3A_230, %dma_start3A_321] : memref<204800x64xf32, #tpu.memory_space<hbm>> -> memref<200x64xf32, #tpu.memory_space<hbm>>
      %dma_start3A_323 = arith.constant 0 : i32
      %dma_start3A_324 = tpu.memref_slice %arg4[%add3A_230, %dma_start3A_323] : memref<204800x64xf32, #tpu.memory_space<hbm>> -> memref<200x64xf32, #tpu.memory_space<hbm>>
      tpu.enqueue_dma source(%arg6 : memref<200x64xf32, #tpu.memory_space<vmem>>) target(%dma_start3A_324 : memref<200x64xf32, #tpu.memory_space<hbm>>) target_semaphore(%run_scoped3A : memref<!tpu.dma_semaphore, #tpu.memory_space<semaphore_mem>>)
      %dma_wait3A_325 = arith.constant 0 : i32
      %dma_wait3A_326 = tpu.memref_slice %arg4[%add3A_230, %dma_wait3A_325] : memref<204800x64xf32, #tpu.memory_space<hbm>> -> memref<200x64xf32, #tpu.memory_space<hbm>>
      %dma_wait3A_327 = arith.constant 0 : i32
      %dma_wait3A_328 = tpu.memref_slice %arg4[%add3A_230, %dma_wait3A_327] : memref<204800x64xf32, #tpu.memory_space<hbm>> -> memref<200x64xf32, #tpu.memory_space<hbm>>
      tpu.wait_dma2 semaphore(%run_scoped3A : memref<!tpu.dma_semaphore, #tpu.memory_space<semaphore_mem>>) src(%arg6 : memref<200x64xf32, #tpu.memory_space<vmem>>) dst(%dma_wait3A_328 : memref<200x64xf32, #tpu.memory_space<hbm>>)
      tpu.yield
    }) : () -> ()
    %add3A_231 = arith.constant 4600 : i32
    %add3A_232 = arith.addi %mul3A_2, %add3A_231 : i32
    "tpu.region"() ({
      %run_scoped3A = tpu.sem_alloc : memref<!tpu.dma_semaphore, #tpu.memory_space<semaphore_mem>>
      %dma_start3A_321 = tpu.memref_slice %arg2[%add3A_232] : memref<204800xi32, #tpu.memory_space<hbm>> -> memref<200xi32, #tpu.memory_space<hbm>>
      %dma_start3A_322 = tpu.memref_slice %arg2[%add3A_232] : memref<204800xi32, #tpu.memory_space<hbm>> -> memref<200xi32, #tpu.memory_space<hbm>>
      tpu.enqueue_dma source(%dma_start3A_322 : memref<200xi32, #tpu.memory_space<hbm>>) target(%arg5 : memref<200xi32, #tpu.memory_space<vmem>>) target_semaphore(%run_scoped3A : memref<!tpu.dma_semaphore, #tpu.memory_space<semaphore_mem>>)
      %dma_wait3A_323 = tpu.memref_slice %arg2[%add3A_232] : memref<204800xi32, #tpu.memory_space<hbm>> -> memref<200xi32, #tpu.memory_space<hbm>>
      %dma_wait3A_324 = tpu.memref_slice %arg2[%add3A_232] : memref<204800xi32, #tpu.memory_space<hbm>> -> memref<200xi32, #tpu.memory_space<hbm>>
      tpu.wait_dma2 semaphore(%run_scoped3A : memref<!tpu.dma_semaphore, #tpu.memory_space<semaphore_mem>>) src(%dma_wait3A_324 : memref<200xi32, #tpu.memory_space<hbm>>) dst(%arg5 : memref<200xi32, #tpu.memory_space<vmem>>)
      tpu.yield
    }) : () -> ()
    %dma_start3A_233 = arith.constant 0 : i32
    %dma_start3A_234 = arith.constant 0 : i32
    %dma_start3A_235 = tpu.memref_slice %arg3[%dma_start3A_233, %dma_start3A_234] : memref<1000000x64xf32, #tpu.memory_space<hbm>> -> memref<1000000x64xf32, #tpu.memory_space<hbm>>
    tpu.enqueue_indirect_dma source(%dma_start3A_235 : memref<1000000x64xf32, #tpu.memory_space<hbm>>) target(%arg6 : memref<200x64xf32, #tpu.memory_space<vmem>>) offsets(%arg5 : memref<200xi32, #tpu.memory_space<vmem>>) semaphore(%arg7 : memref<!tpu.dma_semaphore, #tpu.memory_space<semaphore_mem>>)
    %dma_wait3A_236 = arith.constant 0 : i32
    %dma_wait3A_237 = arith.constant 0 : i32
    %dma_wait3A_238 = tpu.memref_slice %arg3[%dma_wait3A_236, %dma_wait3A_237] : memref<1000000x64xf32, #tpu.memory_space<hbm>> -> memref<1000000x64xf32, #tpu.memory_space<hbm>>
    tpu.wait_indirect_dma semaphore(%arg7 : memref<!tpu.dma_semaphore, #tpu.memory_space<semaphore_mem>>) src(%dma_wait3A_238 : memref<1000000x64xf32, #tpu.memory_space<hbm>>) dst(%arg6 : memref<200x64xf32, #tpu.memory_space<vmem>>)
    %add3A_239 = arith.constant 4600 : i32
    %add3A_240 = arith.addi %mul3A_2, %add3A_239 : i32
    "tpu.region"() ({
      %run_scoped3A = tpu.sem_alloc : memref<!tpu.dma_semaphore, #tpu.memory_space<semaphore_mem>>
      %dma_start3A_321 = arith.constant 0 : i32
      %dma_start3A_322 = tpu.memref_slice %arg4[%add3A_240, %dma_start3A_321] : memref<204800x64xf32, #tpu.memory_space<hbm>> -> memref<200x64xf32, #tpu.memory_space<hbm>>
      %dma_start3A_323 = arith.constant 0 : i32
      %dma_start3A_324 = tpu.memref_slice %arg4[%add3A_240, %dma_start3A_323] : memref<204800x64xf32, #tpu.memory_space<hbm>> -> memref<200x64xf32, #tpu.memory_space<hbm>>
      tpu.enqueue_dma source(%arg6 : memref<200x64xf32, #tpu.memory_space<vmem>>) target(%dma_start3A_324 : memref<200x64xf32, #tpu.memory_space<hbm>>) target_semaphore(%run_scoped3A : memref<!tpu.dma_semaphore, #tpu.memory_space<semaphore_mem>>)
      %dma_wait3A_325 = arith.constant 0 : i32
      %dma_wait3A_326 = tpu.memref_slice %arg4[%add3A_240, %dma_wait3A_325] : memref<204800x64xf32, #tpu.memory_space<hbm>> -> memref<200x64xf32, #tpu.memory_space<hbm>>
      %dma_wait3A_327 = arith.constant 0 : i32
      %dma_wait3A_328 = tpu.memref_slice %arg4[%add3A_240, %dma_wait3A_327] : memref<204800x64xf32, #tpu.memory_space<hbm>> -> memref<200x64xf32, #tpu.memory_space<hbm>>
      tpu.wait_dma2 semaphore(%run_scoped3A : memref<!tpu.dma_semaphore, #tpu.memory_space<semaphore_mem>>) src(%arg6 : memref<200x64xf32, #tpu.memory_space<vmem>>) dst(%dma_wait3A_328 : memref<200x64xf32, #tpu.memory_space<hbm>>)
      tpu.yield
    }) : () -> ()
    %add3A_241 = arith.constant 4800 : i32
    %add3A_242 = arith.addi %mul3A_2, %add3A_241 : i32
    "tpu.region"() ({
      %run_scoped3A = tpu.sem_alloc : memref<!tpu.dma_semaphore, #tpu.memory_space<semaphore_mem>>
      %dma_start3A_321 = tpu.memref_slice %arg2[%add3A_242] : memref<204800xi32, #tpu.memory_space<hbm>> -> memref<200xi32, #tpu.memory_space<hbm>>
      %dma_start3A_322 = tpu.memref_slice %arg2[%add3A_242] : memref<204800xi32, #tpu.memory_space<hbm>> -> memref<200xi32, #tpu.memory_space<hbm>>
      tpu.enqueue_dma source(%dma_start3A_322 : memref<200xi32, #tpu.memory_space<hbm>>) target(%arg5 : memref<200xi32, #tpu.memory_space<vmem>>) target_semaphore(%run_scoped3A : memref<!tpu.dma_semaphore, #tpu.memory_space<semaphore_mem>>)
      %dma_wait3A_323 = tpu.memref_slice %arg2[%add3A_242] : memref<204800xi32, #tpu.memory_space<hbm>> -> memref<200xi32, #tpu.memory_space<hbm>>
      %dma_wait3A_324 = tpu.memref_slice %arg2[%add3A_242] : memref<204800xi32, #tpu.memory_space<hbm>> -> memref<200xi32, #tpu.memory_space<hbm>>
      tpu.wait_dma2 semaphore(%run_scoped3A : memref<!tpu.dma_semaphore, #tpu.memory_space<semaphore_mem>>) src(%dma_wait3A_324 : memref<200xi32, #tpu.memory_space<hbm>>) dst(%arg5 : memref<200xi32, #tpu.memory_space<vmem>>)
      tpu.yield
    }) : () -> ()
    %dma_start3A_243 = arith.constant 0 : i32
    %dma_start3A_244 = arith.constant 0 : i32
    %dma_start3A_245 = tpu.memref_slice %arg3[%dma_start3A_243, %dma_start3A_244] : memref<1000000x64xf32, #tpu.memory_space<hbm>> -> memref<1000000x64xf32, #tpu.memory_space<hbm>>
    tpu.enqueue_indirect_dma source(%dma_start3A_245 : memref<1000000x64xf32, #tpu.memory_space<hbm>>) target(%arg6 : memref<200x64xf32, #tpu.memory_space<vmem>>) offsets(%arg5 : memref<200xi32, #tpu.memory_space<vmem>>) semaphore(%arg7 : memref<!tpu.dma_semaphore, #tpu.memory_space<semaphore_mem>>)
    %dma_wait3A_246 = arith.constant 0 : i32
    %dma_wait3A_247 = arith.constant 0 : i32
    %dma_wait3A_248 = tpu.memref_slice %arg3[%dma_wait3A_246, %dma_wait3A_247] : memref<1000000x64xf32, #tpu.memory_space<hbm>> -> memref<1000000x64xf32, #tpu.memory_space<hbm>>
    tpu.wait_indirect_dma semaphore(%arg7 : memref<!tpu.dma_semaphore, #tpu.memory_space<semaphore_mem>>) src(%dma_wait3A_248 : memref<1000000x64xf32, #tpu.memory_space<hbm>>) dst(%arg6 : memref<200x64xf32, #tpu.memory_space<vmem>>)
    %add3A_249 = arith.constant 4800 : i32
    %add3A_250 = arith.addi %mul3A_2, %add3A_249 : i32
    "tpu.region"() ({
      %run_scoped3A = tpu.sem_alloc : memref<!tpu.dma_semaphore, #tpu.memory_space<semaphore_mem>>
      %dma_start3A_321 = arith.constant 0 : i32
      %dma_start3A_322 = tpu.memref_slice %arg4[%add3A_250, %dma_start3A_321] : memref<204800x64xf32, #tpu.memory_space<hbm>> -> memref<200x64xf32, #tpu.memory_space<hbm>>
      %dma_start3A_323 = arith.constant 0 : i32
      %dma_start3A_324 = tpu.memref_slice %arg4[%add3A_250, %dma_start3A_323] : memref<204800x64xf32, #tpu.memory_space<hbm>> -> memref<200x64xf32, #tpu.memory_space<hbm>>
      tpu.enqueue_dma source(%arg6 : memref<200x64xf32, #tpu.memory_space<vmem>>) target(%dma_start3A_324 : memref<200x64xf32, #tpu.memory_space<hbm>>) target_semaphore(%run_scoped3A : memref<!tpu.dma_semaphore, #tpu.memory_space<semaphore_mem>>)
      %dma_wait3A_325 = arith.constant 0 : i32
      %dma_wait3A_326 = tpu.memref_slice %arg4[%add3A_250, %dma_wait3A_325] : memref<204800x64xf32, #tpu.memory_space<hbm>> -> memref<200x64xf32, #tpu.memory_space<hbm>>
      %dma_wait3A_327 = arith.constant 0 : i32
      %dma_wait3A_328 = tpu.memref_slice %arg4[%add3A_250, %dma_wait3A_327] : memref<204800x64xf32, #tpu.memory_space<hbm>> -> memref<200x64xf32, #tpu.memory_space<hbm>>
      tpu.wait_dma2 semaphore(%run_scoped3A : memref<!tpu.dma_semaphore, #tpu.memory_space<semaphore_mem>>) src(%arg6 : memref<200x64xf32, #tpu.memory_space<vmem>>) dst(%dma_wait3A_328 : memref<200x64xf32, #tpu.memory_space<hbm>>)
      tpu.yield
    }) : () -> ()
    %add3A_251 = arith.constant 5000 : i32
    %add3A_252 = arith.addi %mul3A_2, %add3A_251 : i32
    "tpu.region"() ({
      %run_scoped3A = tpu.sem_alloc : memref<!tpu.dma_semaphore, #tpu.memory_space<semaphore_mem>>
      %dma_start3A_321 = tpu.memref_slice %arg2[%add3A_252] : memref<204800xi32, #tpu.memory_space<hbm>> -> memref<200xi32, #tpu.memory_space<hbm>>
      %dma_start3A_322 = tpu.memref_slice %arg2[%add3A_252] : memref<204800xi32, #tpu.memory_space<hbm>> -> memref<200xi32, #tpu.memory_space<hbm>>
      tpu.enqueue_dma source(%dma_start3A_322 : memref<200xi32, #tpu.memory_space<hbm>>) target(%arg5 : memref<200xi32, #tpu.memory_space<vmem>>) target_semaphore(%run_scoped3A : memref<!tpu.dma_semaphore, #tpu.memory_space<semaphore_mem>>)
      %dma_wait3A_323 = tpu.memref_slice %arg2[%add3A_252] : memref<204800xi32, #tpu.memory_space<hbm>> -> memref<200xi32, #tpu.memory_space<hbm>>
      %dma_wait3A_324 = tpu.memref_slice %arg2[%add3A_252] : memref<204800xi32, #tpu.memory_space<hbm>> -> memref<200xi32, #tpu.memory_space<hbm>>
      tpu.wait_dma2 semaphore(%run_scoped3A : memref<!tpu.dma_semaphore, #tpu.memory_space<semaphore_mem>>) src(%dma_wait3A_324 : memref<200xi32, #tpu.memory_space<hbm>>) dst(%arg5 : memref<200xi32, #tpu.memory_space<vmem>>)
      tpu.yield
    }) : () -> ()
    %dma_start3A_253 = arith.constant 0 : i32
    %dma_start3A_254 = arith.constant 0 : i32
    %dma_start3A_255 = tpu.memref_slice %arg3[%dma_start3A_253, %dma_start3A_254] : memref<1000000x64xf32, #tpu.memory_space<hbm>> -> memref<1000000x64xf32, #tpu.memory_space<hbm>>
    tpu.enqueue_indirect_dma source(%dma_start3A_255 : memref<1000000x64xf32, #tpu.memory_space<hbm>>) target(%arg6 : memref<200x64xf32, #tpu.memory_space<vmem>>) offsets(%arg5 : memref<200xi32, #tpu.memory_space<vmem>>) semaphore(%arg7 : memref<!tpu.dma_semaphore, #tpu.memory_space<semaphore_mem>>)
    %dma_wait3A_256 = arith.constant 0 : i32
    %dma_wait3A_257 = arith.constant 0 : i32
    %dma_wait3A_258 = tpu.memref_slice %arg3[%dma_wait3A_256, %dma_wait3A_257] : memref<1000000x64xf32, #tpu.memory_space<hbm>> -> memref<1000000x64xf32, #tpu.memory_space<hbm>>
    tpu.wait_indirect_dma semaphore(%arg7 : memref<!tpu.dma_semaphore, #tpu.memory_space<semaphore_mem>>) src(%dma_wait3A_258 : memref<1000000x64xf32, #tpu.memory_space<hbm>>) dst(%arg6 : memref<200x64xf32, #tpu.memory_space<vmem>>)
    %add3A_259 = arith.constant 5000 : i32
    %add3A_260 = arith.addi %mul3A_2, %add3A_259 : i32
    "tpu.region"() ({
      %run_scoped3A = tpu.sem_alloc : memref<!tpu.dma_semaphore, #tpu.memory_space<semaphore_mem>>
      %dma_start3A_321 = arith.constant 0 : i32
      %dma_start3A_322 = tpu.memref_slice %arg4[%add3A_260, %dma_start3A_321] : memref<204800x64xf32, #tpu.memory_space<hbm>> -> memref<200x64xf32, #tpu.memory_space<hbm>>
      %dma_start3A_323 = arith.constant 0 : i32
      %dma_start3A_324 = tpu.memref_slice %arg4[%add3A_260, %dma_start3A_323] : memref<204800x64xf32, #tpu.memory_space<hbm>> -> memref<200x64xf32, #tpu.memory_space<hbm>>
      tpu.enqueue_dma source(%arg6 : memref<200x64xf32, #tpu.memory_space<vmem>>) target(%dma_start3A_324 : memref<200x64xf32, #tpu.memory_space<hbm>>) target_semaphore(%run_scoped3A : memref<!tpu.dma_semaphore, #tpu.memory_space<semaphore_mem>>)
      %dma_wait3A_325 = arith.constant 0 : i32
      %dma_wait3A_326 = tpu.memref_slice %arg4[%add3A_260, %dma_wait3A_325] : memref<204800x64xf32, #tpu.memory_space<hbm>> -> memref<200x64xf32, #tpu.memory_space<hbm>>
      %dma_wait3A_327 = arith.constant 0 : i32
      %dma_wait3A_328 = tpu.memref_slice %arg4[%add3A_260, %dma_wait3A_327] : memref<204800x64xf32, #tpu.memory_space<hbm>> -> memref<200x64xf32, #tpu.memory_space<hbm>>
      tpu.wait_dma2 semaphore(%run_scoped3A : memref<!tpu.dma_semaphore, #tpu.memory_space<semaphore_mem>>) src(%arg6 : memref<200x64xf32, #tpu.memory_space<vmem>>) dst(%dma_wait3A_328 : memref<200x64xf32, #tpu.memory_space<hbm>>)
      tpu.yield
    }) : () -> ()
    %add3A_261 = arith.constant 5200 : i32
    %add3A_262 = arith.addi %mul3A_2, %add3A_261 : i32
    "tpu.region"() ({
      %run_scoped3A = tpu.sem_alloc : memref<!tpu.dma_semaphore, #tpu.memory_space<semaphore_mem>>
      %dma_start3A_321 = tpu.memref_slice %arg2[%add3A_262] : memref<204800xi32, #tpu.memory_space<hbm>> -> memref<200xi32, #tpu.memory_space<hbm>>
      %dma_start3A_322 = tpu.memref_slice %arg2[%add3A_262] : memref<204800xi32, #tpu.memory_space<hbm>> -> memref<200xi32, #tpu.memory_space<hbm>>
      tpu.enqueue_dma source(%dma_start3A_322 : memref<200xi32, #tpu.memory_space<hbm>>) target(%arg5 : memref<200xi32, #tpu.memory_space<vmem>>) target_semaphore(%run_scoped3A : memref<!tpu.dma_semaphore, #tpu.memory_space<semaphore_mem>>)
      %dma_wait3A_323 = tpu.memref_slice %arg2[%add3A_262] : memref<204800xi32, #tpu.memory_space<hbm>> -> memref<200xi32, #tpu.memory_space<hbm>>
      %dma_wait3A_324 = tpu.memref_slice %arg2[%add3A_262] : memref<204800xi32, #tpu.memory_space<hbm>> -> memref<200xi32, #tpu.memory_space<hbm>>
      tpu.wait_dma2 semaphore(%run_scoped3A : memref<!tpu.dma_semaphore, #tpu.memory_space<semaphore_mem>>) src(%dma_wait3A_324 : memref<200xi32, #tpu.memory_space<hbm>>) dst(%arg5 : memref<200xi32, #tpu.memory_space<vmem>>)
      tpu.yield
    }) : () -> ()
    %dma_start3A_263 = arith.constant 0 : i32
    %dma_start3A_264 = arith.constant 0 : i32
    %dma_start3A_265 = tpu.memref_slice %arg3[%dma_start3A_263, %dma_start3A_264] : memref<1000000x64xf32, #tpu.memory_space<hbm>> -> memref<1000000x64xf32, #tpu.memory_space<hbm>>
    tpu.enqueue_indirect_dma source(%dma_start3A_265 : memref<1000000x64xf32, #tpu.memory_space<hbm>>) target(%arg6 : memref<200x64xf32, #tpu.memory_space<vmem>>) offsets(%arg5 : memref<200xi32, #tpu.memory_space<vmem>>) semaphore(%arg7 : memref<!tpu.dma_semaphore, #tpu.memory_space<semaphore_mem>>)
    %dma_wait3A_266 = arith.constant 0 : i32
    %dma_wait3A_267 = arith.constant 0 : i32
    %dma_wait3A_268 = tpu.memref_slice %arg3[%dma_wait3A_266, %dma_wait3A_267] : memref<1000000x64xf32, #tpu.memory_space<hbm>> -> memref<1000000x64xf32, #tpu.memory_space<hbm>>
    tpu.wait_indirect_dma semaphore(%arg7 : memref<!tpu.dma_semaphore, #tpu.memory_space<semaphore_mem>>) src(%dma_wait3A_268 : memref<1000000x64xf32, #tpu.memory_space<hbm>>) dst(%arg6 : memref<200x64xf32, #tpu.memory_space<vmem>>)
    %add3A_269 = arith.constant 5200 : i32
    %add3A_270 = arith.addi %mul3A_2, %add3A_269 : i32
    "tpu.region"() ({
      %run_scoped3A = tpu.sem_alloc : memref<!tpu.dma_semaphore, #tpu.memory_space<semaphore_mem>>
      %dma_start3A_321 = arith.constant 0 : i32
      %dma_start3A_322 = tpu.memref_slice %arg4[%add3A_270, %dma_start3A_321] : memref<204800x64xf32, #tpu.memory_space<hbm>> -> memref<200x64xf32, #tpu.memory_space<hbm>>
      %dma_start3A_323 = arith.constant 0 : i32
      %dma_start3A_324 = tpu.memref_slice %arg4[%add3A_270, %dma_start3A_323] : memref<204800x64xf32, #tpu.memory_space<hbm>> -> memref<200x64xf32, #tpu.memory_space<hbm>>
      tpu.enqueue_dma source(%arg6 : memref<200x64xf32, #tpu.memory_space<vmem>>) target(%dma_start3A_324 : memref<200x64xf32, #tpu.memory_space<hbm>>) target_semaphore(%run_scoped3A : memref<!tpu.dma_semaphore, #tpu.memory_space<semaphore_mem>>)
      %dma_wait3A_325 = arith.constant 0 : i32
      %dma_wait3A_326 = tpu.memref_slice %arg4[%add3A_270, %dma_wait3A_325] : memref<204800x64xf32, #tpu.memory_space<hbm>> -> memref<200x64xf32, #tpu.memory_space<hbm>>
      %dma_wait3A_327 = arith.constant 0 : i32
      %dma_wait3A_328 = tpu.memref_slice %arg4[%add3A_270, %dma_wait3A_327] : memref<204800x64xf32, #tpu.memory_space<hbm>> -> memref<200x64xf32, #tpu.memory_space<hbm>>
      tpu.wait_dma2 semaphore(%run_scoped3A : memref<!tpu.dma_semaphore, #tpu.memory_space<semaphore_mem>>) src(%arg6 : memref<200x64xf32, #tpu.memory_space<vmem>>) dst(%dma_wait3A_328 : memref<200x64xf32, #tpu.memory_space<hbm>>)
      tpu.yield
    }) : () -> ()
    %add3A_271 = arith.constant 5400 : i32
    %add3A_272 = arith.addi %mul3A_2, %add3A_271 : i32
    "tpu.region"() ({
      %run_scoped3A = tpu.sem_alloc : memref<!tpu.dma_semaphore, #tpu.memory_space<semaphore_mem>>
      %dma_start3A_321 = tpu.memref_slice %arg2[%add3A_272] : memref<204800xi32, #tpu.memory_space<hbm>> -> memref<200xi32, #tpu.memory_space<hbm>>
      %dma_start3A_322 = tpu.memref_slice %arg2[%add3A_272] : memref<204800xi32, #tpu.memory_space<hbm>> -> memref<200xi32, #tpu.memory_space<hbm>>
      tpu.enqueue_dma source(%dma_start3A_322 : memref<200xi32, #tpu.memory_space<hbm>>) target(%arg5 : memref<200xi32, #tpu.memory_space<vmem>>) target_semaphore(%run_scoped3A : memref<!tpu.dma_semaphore, #tpu.memory_space<semaphore_mem>>)
      %dma_wait3A_323 = tpu.memref_slice %arg2[%add3A_272] : memref<204800xi32, #tpu.memory_space<hbm>> -> memref<200xi32, #tpu.memory_space<hbm>>
      %dma_wait3A_324 = tpu.memref_slice %arg2[%add3A_272] : memref<204800xi32, #tpu.memory_space<hbm>> -> memref<200xi32, #tpu.memory_space<hbm>>
      tpu.wait_dma2 semaphore(%run_scoped3A : memref<!tpu.dma_semaphore, #tpu.memory_space<semaphore_mem>>) src(%dma_wait3A_324 : memref<200xi32, #tpu.memory_space<hbm>>) dst(%arg5 : memref<200xi32, #tpu.memory_space<vmem>>)
      tpu.yield
    }) : () -> ()
    %dma_start3A_273 = arith.constant 0 : i32
    %dma_start3A_274 = arith.constant 0 : i32
    %dma_start3A_275 = tpu.memref_slice %arg3[%dma_start3A_273, %dma_start3A_274] : memref<1000000x64xf32, #tpu.memory_space<hbm>> -> memref<1000000x64xf32, #tpu.memory_space<hbm>>
    tpu.enqueue_indirect_dma source(%dma_start3A_275 : memref<1000000x64xf32, #tpu.memory_space<hbm>>) target(%arg6 : memref<200x64xf32, #tpu.memory_space<vmem>>) offsets(%arg5 : memref<200xi32, #tpu.memory_space<vmem>>) semaphore(%arg7 : memref<!tpu.dma_semaphore, #tpu.memory_space<semaphore_mem>>)
    %dma_wait3A_276 = arith.constant 0 : i32
    %dma_wait3A_277 = arith.constant 0 : i32
    %dma_wait3A_278 = tpu.memref_slice %arg3[%dma_wait3A_276, %dma_wait3A_277] : memref<1000000x64xf32, #tpu.memory_space<hbm>> -> memref<1000000x64xf32, #tpu.memory_space<hbm>>
    tpu.wait_indirect_dma semaphore(%arg7 : memref<!tpu.dma_semaphore, #tpu.memory_space<semaphore_mem>>) src(%dma_wait3A_278 : memref<1000000x64xf32, #tpu.memory_space<hbm>>) dst(%arg6 : memref<200x64xf32, #tpu.memory_space<vmem>>)
    %add3A_279 = arith.constant 5400 : i32
    %add3A_280 = arith.addi %mul3A_2, %add3A_279 : i32
    "tpu.region"() ({
      %run_scoped3A = tpu.sem_alloc : memref<!tpu.dma_semaphore, #tpu.memory_space<semaphore_mem>>
      %dma_start3A_321 = arith.constant 0 : i32
      %dma_start3A_322 = tpu.memref_slice %arg4[%add3A_280, %dma_start3A_321] : memref<204800x64xf32, #tpu.memory_space<hbm>> -> memref<200x64xf32, #tpu.memory_space<hbm>>
      %dma_start3A_323 = arith.constant 0 : i32
      %dma_start3A_324 = tpu.memref_slice %arg4[%add3A_280, %dma_start3A_323] : memref<204800x64xf32, #tpu.memory_space<hbm>> -> memref<200x64xf32, #tpu.memory_space<hbm>>
      tpu.enqueue_dma source(%arg6 : memref<200x64xf32, #tpu.memory_space<vmem>>) target(%dma_start3A_324 : memref<200x64xf32, #tpu.memory_space<hbm>>) target_semaphore(%run_scoped3A : memref<!tpu.dma_semaphore, #tpu.memory_space<semaphore_mem>>)
      %dma_wait3A_325 = arith.constant 0 : i32
      %dma_wait3A_326 = tpu.memref_slice %arg4[%add3A_280, %dma_wait3A_325] : memref<204800x64xf32, #tpu.memory_space<hbm>> -> memref<200x64xf32, #tpu.memory_space<hbm>>
      %dma_wait3A_327 = arith.constant 0 : i32
      %dma_wait3A_328 = tpu.memref_slice %arg4[%add3A_280, %dma_wait3A_327] : memref<204800x64xf32, #tpu.memory_space<hbm>> -> memref<200x64xf32, #tpu.memory_space<hbm>>
      tpu.wait_dma2 semaphore(%run_scoped3A : memref<!tpu.dma_semaphore, #tpu.memory_space<semaphore_mem>>) src(%arg6 : memref<200x64xf32, #tpu.memory_space<vmem>>) dst(%dma_wait3A_328 : memref<200x64xf32, #tpu.memory_space<hbm>>)
      tpu.yield
    }) : () -> ()
    %add3A_281 = arith.constant 5600 : i32
    %add3A_282 = arith.addi %mul3A_2, %add3A_281 : i32
    "tpu.region"() ({
      %run_scoped3A = tpu.sem_alloc : memref<!tpu.dma_semaphore, #tpu.memory_space<semaphore_mem>>
      %dma_start3A_321 = tpu.memref_slice %arg2[%add3A_282] : memref<204800xi32, #tpu.memory_space<hbm>> -> memref<200xi32, #tpu.memory_space<hbm>>
      %dma_start3A_322 = tpu.memref_slice %arg2[%add3A_282] : memref<204800xi32, #tpu.memory_space<hbm>> -> memref<200xi32, #tpu.memory_space<hbm>>
      tpu.enqueue_dma source(%dma_start3A_322 : memref<200xi32, #tpu.memory_space<hbm>>) target(%arg5 : memref<200xi32, #tpu.memory_space<vmem>>) target_semaphore(%run_scoped3A : memref<!tpu.dma_semaphore, #tpu.memory_space<semaphore_mem>>)
      %dma_wait3A_323 = tpu.memref_slice %arg2[%add3A_282] : memref<204800xi32, #tpu.memory_space<hbm>> -> memref<200xi32, #tpu.memory_space<hbm>>
      %dma_wait3A_324 = tpu.memref_slice %arg2[%add3A_282] : memref<204800xi32, #tpu.memory_space<hbm>> -> memref<200xi32, #tpu.memory_space<hbm>>
      tpu.wait_dma2 semaphore(%run_scoped3A : memref<!tpu.dma_semaphore, #tpu.memory_space<semaphore_mem>>) src(%dma_wait3A_324 : memref<200xi32, #tpu.memory_space<hbm>>) dst(%arg5 : memref<200xi32, #tpu.memory_space<vmem>>)
      tpu.yield
    }) : () -> ()
    %dma_start3A_283 = arith.constant 0 : i32
    %dma_start3A_284 = arith.constant 0 : i32
    %dma_start3A_285 = tpu.memref_slice %arg3[%dma_start3A_283, %dma_start3A_284] : memref<1000000x64xf32, #tpu.memory_space<hbm>> -> memref<1000000x64xf32, #tpu.memory_space<hbm>>
    tpu.enqueue_indirect_dma source(%dma_start3A_285 : memref<1000000x64xf32, #tpu.memory_space<hbm>>) target(%arg6 : memref<200x64xf32, #tpu.memory_space<vmem>>) offsets(%arg5 : memref<200xi32, #tpu.memory_space<vmem>>) semaphore(%arg7 : memref<!tpu.dma_semaphore, #tpu.memory_space<semaphore_mem>>)
    %dma_wait3A_286 = arith.constant 0 : i32
    %dma_wait3A_287 = arith.constant 0 : i32
    %dma_wait3A_288 = tpu.memref_slice %arg3[%dma_wait3A_286, %dma_wait3A_287] : memref<1000000x64xf32, #tpu.memory_space<hbm>> -> memref<1000000x64xf32, #tpu.memory_space<hbm>>
    tpu.wait_indirect_dma semaphore(%arg7 : memref<!tpu.dma_semaphore, #tpu.memory_space<semaphore_mem>>) src(%dma_wait3A_288 : memref<1000000x64xf32, #tpu.memory_space<hbm>>) dst(%arg6 : memref<200x64xf32, #tpu.memory_space<vmem>>)
    %add3A_289 = arith.constant 5600 : i32
    %add3A_290 = arith.addi %mul3A_2, %add3A_289 : i32
    "tpu.region"() ({
      %run_scoped3A = tpu.sem_alloc : memref<!tpu.dma_semaphore, #tpu.memory_space<semaphore_mem>>
      %dma_start3A_321 = arith.constant 0 : i32
      %dma_start3A_322 = tpu.memref_slice %arg4[%add3A_290, %dma_start3A_321] : memref<204800x64xf32, #tpu.memory_space<hbm>> -> memref<200x64xf32, #tpu.memory_space<hbm>>
      %dma_start3A_323 = arith.constant 0 : i32
      %dma_start3A_324 = tpu.memref_slice %arg4[%add3A_290, %dma_start3A_323] : memref<204800x64xf32, #tpu.memory_space<hbm>> -> memref<200x64xf32, #tpu.memory_space<hbm>>
      tpu.enqueue_dma source(%arg6 : memref<200x64xf32, #tpu.memory_space<vmem>>) target(%dma_start3A_324 : memref<200x64xf32, #tpu.memory_space<hbm>>) target_semaphore(%run_scoped3A : memref<!tpu.dma_semaphore, #tpu.memory_space<semaphore_mem>>)
      %dma_wait3A_325 = arith.constant 0 : i32
      %dma_wait3A_326 = tpu.memref_slice %arg4[%add3A_290, %dma_wait3A_325] : memref<204800x64xf32, #tpu.memory_space<hbm>> -> memref<200x64xf32, #tpu.memory_space<hbm>>
      %dma_wait3A_327 = arith.constant 0 : i32
      %dma_wait3A_328 = tpu.memref_slice %arg4[%add3A_290, %dma_wait3A_327] : memref<204800x64xf32, #tpu.memory_space<hbm>> -> memref<200x64xf32, #tpu.memory_space<hbm>>
      tpu.wait_dma2 semaphore(%run_scoped3A : memref<!tpu.dma_semaphore, #tpu.memory_space<semaphore_mem>>) src(%arg6 : memref<200x64xf32, #tpu.memory_space<vmem>>) dst(%dma_wait3A_328 : memref<200x64xf32, #tpu.memory_space<hbm>>)
      tpu.yield
    }) : () -> ()
    %add3A_291 = arith.constant 5800 : i32
    %add3A_292 = arith.addi %mul3A_2, %add3A_291 : i32
    "tpu.region"() ({
      %run_scoped3A = tpu.sem_alloc : memref<!tpu.dma_semaphore, #tpu.memory_space<semaphore_mem>>
      %dma_start3A_321 = tpu.memref_slice %arg2[%add3A_292] : memref<204800xi32, #tpu.memory_space<hbm>> -> memref<200xi32, #tpu.memory_space<hbm>>
      %dma_start3A_322 = tpu.memref_slice %arg2[%add3A_292] : memref<204800xi32, #tpu.memory_space<hbm>> -> memref<200xi32, #tpu.memory_space<hbm>>
      tpu.enqueue_dma source(%dma_start3A_322 : memref<200xi32, #tpu.memory_space<hbm>>) target(%arg5 : memref<200xi32, #tpu.memory_space<vmem>>) target_semaphore(%run_scoped3A : memref<!tpu.dma_semaphore, #tpu.memory_space<semaphore_mem>>)
      %dma_wait3A_323 = tpu.memref_slice %arg2[%add3A_292] : memref<204800xi32, #tpu.memory_space<hbm>> -> memref<200xi32, #tpu.memory_space<hbm>>
      %dma_wait3A_324 = tpu.memref_slice %arg2[%add3A_292] : memref<204800xi32, #tpu.memory_space<hbm>> -> memref<200xi32, #tpu.memory_space<hbm>>
      tpu.wait_dma2 semaphore(%run_scoped3A : memref<!tpu.dma_semaphore, #tpu.memory_space<semaphore_mem>>) src(%dma_wait3A_324 : memref<200xi32, #tpu.memory_space<hbm>>) dst(%arg5 : memref<200xi32, #tpu.memory_space<vmem>>)
      tpu.yield
    }) : () -> ()
    %dma_start3A_293 = arith.constant 0 : i32
    %dma_start3A_294 = arith.constant 0 : i32
    %dma_start3A_295 = tpu.memref_slice %arg3[%dma_start3A_293, %dma_start3A_294] : memref<1000000x64xf32, #tpu.memory_space<hbm>> -> memref<1000000x64xf32, #tpu.memory_space<hbm>>
    tpu.enqueue_indirect_dma source(%dma_start3A_295 : memref<1000000x64xf32, #tpu.memory_space<hbm>>) target(%arg6 : memref<200x64xf32, #tpu.memory_space<vmem>>) offsets(%arg5 : memref<200xi32, #tpu.memory_space<vmem>>) semaphore(%arg7 : memref<!tpu.dma_semaphore, #tpu.memory_space<semaphore_mem>>)
    %dma_wait3A_296 = arith.constant 0 : i32
    %dma_wait3A_297 = arith.constant 0 : i32
    %dma_wait3A_298 = tpu.memref_slice %arg3[%dma_wait3A_296, %dma_wait3A_297] : memref<1000000x64xf32, #tpu.memory_space<hbm>> -> memref<1000000x64xf32, #tpu.memory_space<hbm>>
    tpu.wait_indirect_dma semaphore(%arg7 : memref<!tpu.dma_semaphore, #tpu.memory_space<semaphore_mem>>) src(%dma_wait3A_298 : memref<1000000x64xf32, #tpu.memory_space<hbm>>) dst(%arg6 : memref<200x64xf32, #tpu.memory_space<vmem>>)
    %add3A_299 = arith.constant 5800 : i32
    %add3A_300 = arith.addi %mul3A_2, %add3A_299 : i32
    "tpu.region"() ({
      %run_scoped3A = tpu.sem_alloc : memref<!tpu.dma_semaphore, #tpu.memory_space<semaphore_mem>>
      %dma_start3A_321 = arith.constant 0 : i32
      %dma_start3A_322 = tpu.memref_slice %arg4[%add3A_300, %dma_start3A_321] : memref<204800x64xf32, #tpu.memory_space<hbm>> -> memref<200x64xf32, #tpu.memory_space<hbm>>
      %dma_start3A_323 = arith.constant 0 : i32
      %dma_start3A_324 = tpu.memref_slice %arg4[%add3A_300, %dma_start3A_323] : memref<204800x64xf32, #tpu.memory_space<hbm>> -> memref<200x64xf32, #tpu.memory_space<hbm>>
      tpu.enqueue_dma source(%arg6 : memref<200x64xf32, #tpu.memory_space<vmem>>) target(%dma_start3A_324 : memref<200x64xf32, #tpu.memory_space<hbm>>) target_semaphore(%run_scoped3A : memref<!tpu.dma_semaphore, #tpu.memory_space<semaphore_mem>>)
      %dma_wait3A_325 = arith.constant 0 : i32
      %dma_wait3A_326 = tpu.memref_slice %arg4[%add3A_300, %dma_wait3A_325] : memref<204800x64xf32, #tpu.memory_space<hbm>> -> memref<200x64xf32, #tpu.memory_space<hbm>>
      %dma_wait3A_327 = arith.constant 0 : i32
      %dma_wait3A_328 = tpu.memref_slice %arg4[%add3A_300, %dma_wait3A_327] : memref<204800x64xf32, #tpu.memory_space<hbm>> -> memref<200x64xf32, #tpu.memory_space<hbm>>
      tpu.wait_dma2 semaphore(%run_scoped3A : memref<!tpu.dma_semaphore, #tpu.memory_space<semaphore_mem>>) src(%arg6 : memref<200x64xf32, #tpu.memory_space<vmem>>) dst(%dma_wait3A_328 : memref<200x64xf32, #tpu.memory_space<hbm>>)
      tpu.yield
    }) : () -> ()
    %add3A_301 = arith.constant 6000 : i32
    %add3A_302 = arith.addi %mul3A_2, %add3A_301 : i32
    "tpu.region"() ({
      %run_scoped3A = tpu.sem_alloc : memref<!tpu.dma_semaphore, #tpu.memory_space<semaphore_mem>>
      %dma_start3A_321 = tpu.memref_slice %arg2[%add3A_302] : memref<204800xi32, #tpu.memory_space<hbm>> -> memref<200xi32, #tpu.memory_space<hbm>>
      %dma_start3A_322 = tpu.memref_slice %arg2[%add3A_302] : memref<204800xi32, #tpu.memory_space<hbm>> -> memref<200xi32, #tpu.memory_space<hbm>>
      tpu.enqueue_dma source(%dma_start3A_322 : memref<200xi32, #tpu.memory_space<hbm>>) target(%arg5 : memref<200xi32, #tpu.memory_space<vmem>>) target_semaphore(%run_scoped3A : memref<!tpu.dma_semaphore, #tpu.memory_space<semaphore_mem>>)
      %dma_wait3A_323 = tpu.memref_slice %arg2[%add3A_302] : memref<204800xi32, #tpu.memory_space<hbm>> -> memref<200xi32, #tpu.memory_space<hbm>>
      %dma_wait3A_324 = tpu.memref_slice %arg2[%add3A_302] : memref<204800xi32, #tpu.memory_space<hbm>> -> memref<200xi32, #tpu.memory_space<hbm>>
      tpu.wait_dma2 semaphore(%run_scoped3A : memref<!tpu.dma_semaphore, #tpu.memory_space<semaphore_mem>>) src(%dma_wait3A_324 : memref<200xi32, #tpu.memory_space<hbm>>) dst(%arg5 : memref<200xi32, #tpu.memory_space<vmem>>)
      tpu.yield
    }) : () -> ()
    %dma_start3A_303 = arith.constant 0 : i32
    %dma_start3A_304 = arith.constant 0 : i32
    %dma_start3A_305 = tpu.memref_slice %arg3[%dma_start3A_303, %dma_start3A_304] : memref<1000000x64xf32, #tpu.memory_space<hbm>> -> memref<1000000x64xf32, #tpu.memory_space<hbm>>
    tpu.enqueue_indirect_dma source(%dma_start3A_305 : memref<1000000x64xf32, #tpu.memory_space<hbm>>) target(%arg6 : memref<200x64xf32, #tpu.memory_space<vmem>>) offsets(%arg5 : memref<200xi32, #tpu.memory_space<vmem>>) semaphore(%arg7 : memref<!tpu.dma_semaphore, #tpu.memory_space<semaphore_mem>>)
    %dma_wait3A_306 = arith.constant 0 : i32
    %dma_wait3A_307 = arith.constant 0 : i32
    %dma_wait3A_308 = tpu.memref_slice %arg3[%dma_wait3A_306, %dma_wait3A_307] : memref<1000000x64xf32, #tpu.memory_space<hbm>> -> memref<1000000x64xf32, #tpu.memory_space<hbm>>
    tpu.wait_indirect_dma semaphore(%arg7 : memref<!tpu.dma_semaphore, #tpu.memory_space<semaphore_mem>>) src(%dma_wait3A_308 : memref<1000000x64xf32, #tpu.memory_space<hbm>>) dst(%arg6 : memref<200x64xf32, #tpu.memory_space<vmem>>)
    %add3A_309 = arith.constant 6000 : i32
    %add3A_310 = arith.addi %mul3A_2, %add3A_309 : i32
    "tpu.region"() ({
      %run_scoped3A = tpu.sem_alloc : memref<!tpu.dma_semaphore, #tpu.memory_space<semaphore_mem>>
      %dma_start3A_321 = arith.constant 0 : i32
      %dma_start3A_322 = tpu.memref_slice %arg4[%add3A_310, %dma_start3A_321] : memref<204800x64xf32, #tpu.memory_space<hbm>> -> memref<200x64xf32, #tpu.memory_space<hbm>>
      %dma_start3A_323 = arith.constant 0 : i32
      %dma_start3A_324 = tpu.memref_slice %arg4[%add3A_310, %dma_start3A_323] : memref<204800x64xf32, #tpu.memory_space<hbm>> -> memref<200x64xf32, #tpu.memory_space<hbm>>
      tpu.enqueue_dma source(%arg6 : memref<200x64xf32, #tpu.memory_space<vmem>>) target(%dma_start3A_324 : memref<200x64xf32, #tpu.memory_space<hbm>>) target_semaphore(%run_scoped3A : memref<!tpu.dma_semaphore, #tpu.memory_space<semaphore_mem>>)
      %dma_wait3A_325 = arith.constant 0 : i32
      %dma_wait3A_326 = tpu.memref_slice %arg4[%add3A_310, %dma_wait3A_325] : memref<204800x64xf32, #tpu.memory_space<hbm>> -> memref<200x64xf32, #tpu.memory_space<hbm>>
      %dma_wait3A_327 = arith.constant 0 : i32
      %dma_wait3A_328 = tpu.memref_slice %arg4[%add3A_310, %dma_wait3A_327] : memref<204800x64xf32, #tpu.memory_space<hbm>> -> memref<200x64xf32, #tpu.memory_space<hbm>>
      tpu.wait_dma2 semaphore(%run_scoped3A : memref<!tpu.dma_semaphore, #tpu.memory_space<semaphore_mem>>) src(%arg6 : memref<200x64xf32, #tpu.memory_space<vmem>>) dst(%dma_wait3A_328 : memref<200x64xf32, #tpu.memory_space<hbm>>)
      tpu.yield
    }) : () -> ()
    %add3A_311 = arith.constant 6200 : i32
    %add3A_312 = arith.addi %mul3A_2, %add3A_311 : i32
    "tpu.region"() ({
      %run_scoped3A = tpu.sem_alloc : memref<!tpu.dma_semaphore, #tpu.memory_space<semaphore_mem>>
      %dma_start3A_321 = tpu.memref_slice %arg2[%add3A_312] : memref<204800xi32, #tpu.memory_space<hbm>> -> memref<200xi32, #tpu.memory_space<hbm>>
      %dma_start3A_322 = tpu.memref_slice %arg2[%add3A_312] : memref<204800xi32, #tpu.memory_space<hbm>> -> memref<200xi32, #tpu.memory_space<hbm>>
      tpu.enqueue_dma source(%dma_start3A_322 : memref<200xi32, #tpu.memory_space<hbm>>) target(%arg5 : memref<200xi32, #tpu.memory_space<vmem>>) target_semaphore(%run_scoped3A : memref<!tpu.dma_semaphore, #tpu.memory_space<semaphore_mem>>)
      %dma_wait3A_323 = tpu.memref_slice %arg2[%add3A_312] : memref<204800xi32, #tpu.memory_space<hbm>> -> memref<200xi32, #tpu.memory_space<hbm>>
      %dma_wait3A_324 = tpu.memref_slice %arg2[%add3A_312] : memref<204800xi32, #tpu.memory_space<hbm>> -> memref<200xi32, #tpu.memory_space<hbm>>
      tpu.wait_dma2 semaphore(%run_scoped3A : memref<!tpu.dma_semaphore, #tpu.memory_space<semaphore_mem>>) src(%dma_wait3A_324 : memref<200xi32, #tpu.memory_space<hbm>>) dst(%arg5 : memref<200xi32, #tpu.memory_space<vmem>>)
      tpu.yield
    }) : () -> ()
    %dma_start3A_313 = arith.constant 0 : i32
    %dma_start3A_314 = arith.constant 0 : i32
    %dma_start3A_315 = tpu.memref_slice %arg3[%dma_start3A_313, %dma_start3A_314] : memref<1000000x64xf32, #tpu.memory_space<hbm>> -> memref<1000000x64xf32, #tpu.memory_space<hbm>>
    tpu.enqueue_indirect_dma source(%dma_start3A_315 : memref<1000000x64xf32, #tpu.memory_space<hbm>>) target(%arg6 : memref<200x64xf32, #tpu.memory_space<vmem>>) offsets(%arg5 : memref<200xi32, #tpu.memory_space<vmem>>) semaphore(%arg7 : memref<!tpu.dma_semaphore, #tpu.memory_space<semaphore_mem>>)
    %dma_wait3A_316 = arith.constant 0 : i32
    %dma_wait3A_317 = arith.constant 0 : i32
    %dma_wait3A_318 = tpu.memref_slice %arg3[%dma_wait3A_316, %dma_wait3A_317] : memref<1000000x64xf32, #tpu.memory_space<hbm>> -> memref<1000000x64xf32, #tpu.memory_space<hbm>>
    tpu.wait_indirect_dma semaphore(%arg7 : memref<!tpu.dma_semaphore, #tpu.memory_space<semaphore_mem>>) src(%dma_wait3A_318 : memref<1000000x64xf32, #tpu.memory_space<hbm>>) dst(%arg6 : memref<200x64xf32, #tpu.memory_space<vmem>>)
    %add3A_319 = arith.constant 6200 : i32
    %add3A_320 = arith.addi %mul3A_2, %add3A_319 : i32
    "tpu.region"() ({
      %run_scoped3A = tpu.sem_alloc : memref<!tpu.dma_semaphore, #tpu.memory_space<semaphore_mem>>
      %dma_start3A_321 = arith.constant 0 : i32
      %dma_start3A_322 = tpu.memref_slice %arg4[%add3A_320, %dma_start3A_321] : memref<204800x64xf32, #tpu.memory_space<hbm>> -> memref<200x64xf32, #tpu.memory_space<hbm>>
      %dma_start3A_323 = arith.constant 0 : i32
      %dma_start3A_324 = tpu.memref_slice %arg4[%add3A_320, %dma_start3A_323] : memref<204800x64xf32, #tpu.memory_space<hbm>> -> memref<200x64xf32, #tpu.memory_space<hbm>>
      tpu.enqueue_dma source(%arg6 : memref<200x64xf32, #tpu.memory_space<vmem>>) target(%dma_start3A_324 : memref<200x64xf32, #tpu.memory_space<hbm>>) target_semaphore(%run_scoped3A : memref<!tpu.dma_semaphore, #tpu.memory_space<semaphore_mem>>)
      %dma_wait3A_325 = arith.constant 0 : i32
      %dma_wait3A_326 = tpu.memref_slice %arg4[%add3A_320, %dma_wait3A_325] : memref<204800x64xf32, #tpu.memory_space<hbm>> -> memref<200x64xf32, #tpu.memory_space<hbm>>
      %dma_wait3A_327 = arith.constant 0 : i32
      %dma_wait3A_328 = tpu.memref_slice %arg4[%add3A_320, %dma_wait3A_327] : memref<204800x64xf32, #tpu.memory_space<hbm>> -> memref<200x64xf32, #tpu.memory_space<hbm>>
      tpu.wait_dma2 semaphore(%run_scoped3A : memref<!tpu.dma_semaphore, #tpu.memory_space<semaphore_mem>>) src(%arg6 : memref<200x64xf32, #tpu.memory_space<vmem>>) dst(%dma_wait3A_328 : memref<200x64xf32, #tpu.memory_space<hbm>>)
      tpu.yield
    }) : () -> ()
    return
  }
}

</mosaic_0001>

<sc_bundles>
// kernel: _embed.3.cloned.1.call-start
scs
__scs_entry_jumppad:
0x0: {  	(pc) =	sbr.rel $0x88, $3  }
0x1: {  	(tag) =	ssettag $0x0;
	lr =	simm.s32 $0x1  }
0x2: {  	[smem:$0x3F9F] =	sst lr;
	_ =	strace $0xD0000000  }
0x3: {  	_ = 	snop  }
0x4: {  	_ = 	snop  }
0x5: {  	_ = 	snop  }
0x6: {  	_ = 	snop  }
0x7: {  	_ = 	snop  }
__scs_overlays_trampoline_lowered:
0x8: {  	[smem:$0x3FAE] =	sst s0  }
0x9: {  	[smem:$0x3FAF] =	sst s1  }
0xa: {  	[smem:$0x3FB0] =	sst s2  }
0xb: {  	[smem:$0x3FB1] =	sst s3  }
0xc: {  	[smem:$0x3FB2] =	sst s4  }
0xd: {  	[smem:$0x3FB3] =	sst s5  }
0xe: {  	[smem:$0x3FB4] =	sst s6  }
0xf: {  	[smem:$0x3FB5] =	sst s7  }
0x10: {  	[smem:$0x3FB6] =	sst s8  }
0x11: {  	[smem:$0x3FB7] =	sst s9;
	s0 =	simm.s32 @!p0 $0x0  }
0x12: {  	s1 =	sld [smem:$0x3F9D];
	s0 =	simm.s32 @p0 $0x1  }
0x13: {  	[smem:$0x3FB8] =	sst s0;
	s0 =	simm.s32 @!p1 $0x0  }
0x14: {  	s2 =	sld [smem:$0x3F9C];
	s0 =	simm.s32 @p1 $0x1  }
0x15: {  	[smem:$0x3FB9] =	sst s0;
	s0 =	simm.s32 @!p2 $0x0  }
0x16: {  	s3 =	sld [smem:$0x3FDB];
	s0 =	simm.s32 @p2 $0x1  }
0x17: {  	s4 =	simm.s32 $0x1BF5;
	[smem:$0x3FBB] =	sst s0  }
0x18: {  	s0 =	sld [smem:$0x3F9E];
	_ =	swait.ge [sflag:s4], $0x0  }
0x19: {  	s7 =	sld [smem:$0x3F9F]  }
0x1a: {  	s8 =	sadd.s32 $0xFFFFE003, lr  }
0x1b: {  	s9 =	sadd.s32 $0xFFFFFEF7, lr;
	s5 =	simm.s32 $0xFFFFFFFF;
	p2 =	slt.u32 s8, $0xFFFFF086  }
0x1c: {  	p1 =	slt.u32 s9, $0xF7A;
	s5 =	simm.s32 @!p2 $0x0  }
0x1d: {  	s5 =	simm.s32 @p1 $0x1;
	p0 =	seq.s32 s7, s2  }
0x1e: {  	s7 =	smul.u32 @!p0 $0xF7A, s2;
	p2 =	seq.s32 @!p0 s5, $0x0  }
0x1f: {  	s9 =	smul.u32 $0xF7A, s1;
	s8 =	simm.s32 @!p0 $0x1BF5;
	p2 =	por !p2, p0  }
0x20: {  	[sflag:s8] =	ssyncset.s32 @!p0 $0xFFFFF086;
	s6 =	sadd.s32 @!p0 s3, s7;
	s7 =	simm.s32 @!p0 $0x108  }
0x21: {  	s3 =	sadd.s32 s3, s9;
	s6 =	sadd.s32 @!p0 $0x88, s6;
	s7 =	simm.s32 @p2 $0x1082  }
0x22: {  	[simem:s7], [sflag:s8] =	dma.local @!p0 [hbm:s6], $0xF7A  }
0x23: {  	s9 =	sor.u32 $0xD0000000, s2;
	s6 =	simm.s32 $0x108;
	_ =	swait.ge @!p0 [sflag:s8], $0x0  }
0x24: {  	s3 =	sadd.s32 $0x88, s3;
	s6 =	simm.s32 @!p1 $0x1082;
	[sflag:s4] =	ssyncset.s32 $0xFFFFF086  }
0x25: {  	[simem:s6], [sflag:s4] =	dma.local [hbm:s3], $0xF7A  }
0x26: {  	[smem:$0x3F9F] =	sst s1;
	(tag) =	ssettag s2;
	_ =	strace s9  }
0x27: {  	s1 =	sld [smem:$0x3FAF]  }
0x28: {  	s2 =	sld [smem:$0x3FB0]  }
0x29: {  	s4 =	sld [smem:$0x3FB2]  }
0x2a: {  	p0 =	seq.s32 s5, $0x0;
	s5 =	sld [smem:$0x3FB3]  }
0x2b: {  	s6 =	sld [smem:$0x3FB4]  }
0x2c: {  	s7 =	sld [smem:$0x3FB5]  }
0x2d: {  	s3 =	simm.s32 $0x108;
	s8 =	sld [smem:$0x3FB6]  }
0x2e: {  	s3 =	simm.s32 @!p0 $0x1082;
	s9 =	sld [smem:$0x3FB7]  }
0x2f: {  	lr =	sadd.s32 s0, s3;
	s0 =	sld [smem:$0x3FAE]  }
0x30: {  	s3 =	sld [smem:$0x3FB1]  }
0x31: {  	[smem:$0x3FBA] =	sst s10  }
0x32: {  	s10 =	sld [smem:$0x3FB8];
	_ =	sdelay $0x3  }
0x33: {  	p0 =	seq.s32 s10, $0x1;
	s10 =	sld [smem:$0x3FBA];
	_ =	sdelay $0x3  }
0x34: {  	[smem:$0x3FBA] =	sst s10  }
0x35: {  	s10 =	sld [smem:$0x3FB9];
	_ =	sdelay $0x3  }
0x36: {  	p1 =	seq.s32 s10, $0x1;
	s10 =	sld [smem:$0x3FBA];
	_ =	sdelay $0x3  }
0x37: {  	[smem:$0x3FBA] =	sst s10  }
0x38: {  	s10 =	sld [smem:$0x3FBB]  }
0x39: {  	_ = 	snop;
	(pc) =	sbr.ind lr, $3  }
0x3a: {  	_ = 	snop  }
0x3b: {  	_ = 	snop  }
0x3c: {  	p2 =	seq.s32 s10, $0x1;
	s10 =	sld [smem:$0x3FBA]  }
0x3d: {  	_ =	shalt  }
0x3e: {  	_ =	shalt  }
0x3f: {  	_ =	shalt  }
0x40: {  	_ =	shalt  }
0x41: {  	_ =	shalt  }
0x42: {  	_ =	shalt  }
0x43: {  	_ =	shalt  }
0x44: {  	_ =	shalt  }
0x45: {  	_ =	shalt  }
0x46: {  	_ =	shalt  }
0x47: {  	_ =	shalt  }
0x48: {  	_ =	shalt  }
0x49: {  	_ =	shalt  }
0x4a: {  	_ =	shalt  }
0x4b: {  	_ =	shalt  }
0x4c: {  	_ =	shalt  }
0x4d: {  	_ =	shalt  }
0x4e: {  	_ =	shalt  }
0x4f: {  	_ =	shalt  }
0x50: {  	_ =	shalt  }
0x51: {  	_ =	shalt  }
0x52: {  	_ =	shalt  }
0x53: {  	_ =	shalt  }
0x54: {  	_ =	shalt  }
0x55: {  	_ =	shalt  }
0x56: {  	_ =	shalt  }
0x57: {  	_ =	shalt  }
0x58: {  	_ =	shalt  }
0x59: {  	_ =	shalt  }
0x5a: {  	_ =	shalt  }
0x5b: {  	_ =	shalt  }
0x5c: {  	_ =	shalt  }
0x5d: {  	_ =	shalt  }
0x5e: {  	_ =	shalt  }
0x5f: {  	_ =	shalt  }
0x60: {  	_ =	shalt  }
0x61: {  	_ =	shalt  }
0x62: {  	_ =	shalt  }
0x63: {  	_ =	shalt  }
0x64: {  	_ =	shalt  }
0x65: {  	_ =	shalt  }
0x66: {  	_ =	shalt  }
0x67: {  	_ =	shalt  }
0x68: {  	_ =	shalt  }
0x69: {  	_ =	shalt  }
0x6a: {  	_ =	shalt  }
0x6b: {  	_ =	shalt  }
0x6c: {  	_ =	shalt  }
0x6d: {  	_ =	shalt  }
0x6e: {  	_ =	shalt  }
0x6f: {  	_ =	shalt  }
0x70: {  	_ =	shalt  }
0x71: {  	_ =	shalt  }
0x72: {  	_ =	shalt  }
0x73: {  	_ =	shalt  }
0x74: {  	_ =	shalt  }
0x75: {  	_ =	shalt  }
0x76: {  	_ =	shalt  }
0x77: {  	_ =	shalt  }
0x78: {  	_ =	shalt  }
0x79: {  	_ =	shalt  }
0x7a: {  	_ =	shalt  }
0x7b: {  	_ =	shalt  }
0x7c: {  	_ =	shalt  }
0x7d: {  	_ =	shalt  }
0x7e: {  	_ =	shalt  }
0x7f: {  	_ =	shalt  }
0x80: {  	_ =	shalt  }
0x81: {  	_ =	shalt  }
0x82: {  	_ =	shalt  }
0x83: {  	_ =	shalt  }
0x84: {  	_ =	shalt  }
0x85: {  	_ =	shalt  }
0x86: {  	_ =	shalt  }
0x87: {  	_ =	shalt  }
.Lfunc_end0:
.L_simem_size_0:
called_computation.1_lowered:
.L_overlay_start_0:
0x88: {  	s2 =	sld [smem:$0x3FD9]  }
0x89: {  	s3 =	sld [smem:$0x3FFE];
	_ =	sdelay $0x1  }
0x8a: {  	s1 =	srdreg.scid  }
0x8b: {  	s0 =	sand.u32 $0x1, s1  }
0x8c: {  	s17 =	sshll.u32 s0, $0xA;
	s2 =	sadd.s32 s3, s2  }
0x8d: {  	s2 =	sadd.s32 s2, s17  }
0x8e: {  	[smem:$0x3FC6] =	sst s2  }
0x8f: {  	_ = 	snop  }
0x90: {  	s2 =	sld [smem:$0x3FC9]  }
0x91: {  	s18 =	sld [smem:$0x3FD0];
	(tm) =	ssettm $0x1  }
0x92: {  	s4 =	sld [smem:$0x3FFB];
	_ =	sdelay $0x3  }
0x93: {  	_ =	strace s4  }
0x94: {  	s4 =	sld [smem:$0x3FFC];
	_ =	sdelay $0x3  }
0x95: {  	_ =	strace s4  }
0x96: {  	s4 =	sld [smem:$0x3FFD];
	_ =	sdelay $0x3  }
0x97: {  	_ =	strace s4  }
0x98: {  	_ =	strace $0x8FFFFFFF  }
0x99: {  	s19 =	sld [smem:$0x3FDB];
	_ =	sdelay $0x1  }
0x9a: {  	s5 =	simm.s32 $_scs_section_size  }
0x9b: {  	s6 =	simm.s32 $_size__tile_overlayer_lowered;
	s7 =	simm.s32 $_tile_overlayer_lowered  }
0x9c: {  	s22 =	simm.s32 $0x1BFF;
	s21 =	sshll.u32 s7, $0x1;
	s4 =	sadd.s32 s5, s19  }
0x9d: {  	s8 =	simm.s32 $0x0;
	s20 =	sshll.u32 s6, $0x1;
	s6 =	sadd.s32 s21, s4  }
0x9e: {  	[timem:s8], [sflag:s22] =	dma.local [hbm:s6], s20  }
0x9f: {  	_ =	swait.ge [sflag:s22], s20  }
0xa0: {  	s5 =	ssub.s32 $0x0, s20;
	[sflag:s22] =	ssyncset.done $0x0  }
0xa1: {  	[sflag:s22] =	ssyncadd.s32 s5;
	_ =	sdelay $0x1  }
0xa2: {  	s23 =	simm.s32 $0x1B8B  }
0xa3: {  	_ =	swait.ge [sflag:s23], $0x1  }
0xa4: {  	[sflag:s23] =	ssyncset.done $0x0  }
0xa5: {  	s25 =	simm.s32 $0x1B8E;
	s24 =	sld [smem:$0x3FFE];
	[sflag:s23] =	ssyncadd.s32 $0xFFFFFFFF  }
0xa6: {  	s26 =	simm.s32 $execute0_lowered;
	[smem:$0x3FD2] =	sst s25  }
0xa7: {  	s6 =	sshll.u32 s26, $0x1;
	_ =	strace $0x80000046;
	[dreg:$0x1] =	wrdreg $0xFFFFFFFF  }
0xa8: {  	s28 =	simm.s32 $_size_execute0_lowered;
	s4 =	sadd.s32 s4, s6;
	[dreg:$0x0] =	wrdreg $0x0  }
0xa9: {  	s6 =	sshll.u32 s28, $0x1;
	[dreg:$0x2] =	wrdreg s4  }
0xaa: {  	[dreg:$0x3] =	wrdreg s6  }
0xab: {  	[dreg:$0x4] =	wrdreg $0xC0  }
0xac: {  	_ =	task [dreg:s8], $0x5FFFF  }
0xad: {  	[dreg:$0x1] =	wrdreg $0xFFFFFFFF  }
0xae: {  	[dreg:$0x0] =	wrdreg $0x60  }
0xaf: {  	[dreg:$0x2] =	wrdreg s2  }
0xb0: {  	[dreg:$0x3] =	wrdreg s24  }
0xb1: {  	[dreg:$0x4] =	wrdreg s18  }
0xb2: {  	[dreg:$0x5] =	wrdreg $0x9  }
0xb3: {  	_ =	task.clear_ibuf [dreg:s8], $0x6FFFF;
	_ =	strace $0x90000046  }
0xb4: {  	s29 =	simm.s32 $0x9;
	_ =	strace $0x80000048  }
0xb5: {  	_ =	swait.ge [sflag:s29], $0x1  }
0xb6: {  	[sflag:s29] =	ssyncadd.s32 $0xFFFFFFFF  }
0xb7: {  	_ =	strace $0x90000048  }
0xb8: {  	_ =	sfence  }
0xb9: {  	s30 =	sld [smem:$0x0];
	_ =	sdelay $0x2  }
0xba: {  	s31 =	sshll.u32 s1, $0xD;
	s1 =	sshrl.u32 s1, $0x2  }
0xbb: {  	s3 =	sand.u32 $0x4000, s31;
	s1 =	sadd.s32 s1, s30  }
0xbc: {  	s0 =	sor.u32 s3, s0;
	s1 =	sshll.u32 s1, $0x11  }
0xbd: {  	s0 =	sor.u32 s1, s0  }
0xbe: {  	s0 =	sadd.s32 $0x8F2B, s0  }
0xbf: {  	[sflag:s0] =	ssyncadd.remote.s32 $0x1  }
0xc0: {  	_ =	sfence.sel $0xFFFF  }
0xc1: {  	[dreg:$0x0] =	wrdreg $0xFFFFFFFF;
	(pc) =	sbr.abs _section_cstart, $3  }
0xc2: {  	[dreg:$0x1] =	wrdreg $0xFFFFFFFF  }
0xc3: {  	_ =	task.clear_ibuf [dreg:s8], $0x2FFFF;
	_ =	strace $0x9FFFFFFF  }
0xc4: {  	(tm) =	ssettm $0x7FFFFFFF  }
0xc5: {  	_ =	shalt  }
tec
execute0_lowered:
.L_overlay_start_1:
0x0: {  	(tag) =	ssettag $0x1  }
0x1: {  	s0 =	srdreg.scid;
	s1 =	stileid.u32  }
0x2: {  	s30 =	rddreg [dreg:$0x0];
	s2 =	sand.u32 $0x1, s0;
	s14 =	sshll.u32 s1, $0x1  }
0x3: {  	s4 =	rddreg [dreg:$0x1];
	s3 =	sor.u32 s2, s14  }
0x4: {  	[smem:$0x7FD] =	sst s2;
	s2 =	simm.s32 $0x0;
	s0 =	smul.u32 $0x1900, s3  }
0x5: {  	[smem:$0x7FF] =	sst s2;
	s3 =	smul.u32 $0xC800, s3  }
0x6: {  	s1 =	rddreg [dreg:$0x2];
	_ =	strace $0x80000047;
	s5 =	sshrl.u32 s0, $0x3  }
0x7: {  	s3 =	sadd.s32 s1, s3;
	s15 =	sor.u32 $0xC8, s0;
	s6 =	sadd.s32 $0x190, s0  }
0x8: {  	s22 =	sadd.s32 $0x258, s0;
	s24 =	sadd.s32 $0x320, s0;
	s8 =	sadd.s32 $0x3E8, s0  }
0x9: {  	s10 =	sadd.s32 $0x4B0, s0;
	s5 =	sadd.s32 s30, s5;
	[dreg:$0x5] =	wrdreg s3  }
0xa: {  	s16 =	sshrl.u32 s15, $0x3;
	s18 =	sshrl.u32 s6, $0x3;
	s20 =	sshll.u32 s6, $0x3  }
0xb: {  	s23 =	sshrl.u32 s22, $0x3;
	s26 =	sshrl.u32 s24, $0x3;
	s6 =	sshll.u32 s24, $0x3  }
0xc: {  	s9 =	sshrl.u32 s8, $0x3;
	s12 =	sshrl.u32 s10, $0x3;
	s14 =	sshll.u32 s10, $0x3  }
0xd: {  	s24 =	sadd.s32 $0x708, s0;
	[dreg:$0x4] =	wrdreg s5;
	s3 =	sadd.s32 s30, s16  }
0xe: {  	s5 =	sshll.u32 s15, $0x3;
	s19 =	sadd.s32 s30, s18;
	s21 =	sadd.s32 s1, s20  }
0xf: {  	s7 =	sadd.s32 s1, s6;
	s13 =	sadd.s32 s30, s12;
	[dreg:$0x6] =	wrdreg s3  }
0x10: {  	s15 =	sadd.s32 s1, s14;
	s16 =	sadd.s32 $0x578, s0;
	[dreg:$0x8] =	wrdreg s19  }
0x11: {  	s18 =	sadd.s32 $0x640, s0;
	s12 =	sadd.s32 $0x898, s0;
	[dreg:$0x9] =	wrdreg s21  }
0x12: {  	s14 =	sadd.s32 $0x960, s0;
	s6 =	sadd.s32 $0xBB8, s0;
	[dreg:$0xd] =	wrdreg s7  }
0x13: {  	s17 =	sadd.s32 s1, s5;
	s3 =	sadd.s32 s30, s23;
	[dreg:$0x10] =	wrdreg s13  }
0x14: {  	s5 =	sshll.u32 s22, $0x3;
	[dreg:$0x11] =	wrdreg s15;
	s20 =	sshrl.u32 s18, $0x3  }
0x15: {  	s22 =	sshll.u32 s18, $0x3;
	s13 =	sshrl.u32 s12, $0x3;
	[dreg:$0x7] =	wrdreg s17  }
0x16: {  	s18 =	sshll.u32 s14, $0x3;
	[dreg:$0xa] =	wrdreg s3;
	s25 =	sadd.s32 s1, s5  }
0x17: {  	s5 =	sadd.s32 s30, s26;
	s3 =	sadd.s32 s30, s9;
	[dreg:$0xb] =	wrdreg s25  }
0x18: {  	s17 =	sshrl.u32 s16, $0x3;
	s21 =	sadd.s32 s30, s20;
	[dreg:$0xc] =	wrdreg s5  }
0x19: {  	s23 =	sadd.s32 s1, s22;
	s26 =	sadd.s32 $0x7D0, s0;
	[dreg:$0xe] =	wrdreg s3  }
0x1a: {  	s20 =	sadd.s32 $0xA28, s0;
	s22 =	sadd.s32 $0xAF0, s0;
	[dreg:$0x14] =	wrdreg s21  }
0x1b: {  	s5 =	sshll.u32 s8, $0x3;
	s3 =	sadd.s32 s30, s17;
	[dreg:$0x15] =	wrdreg s23  }
0x1c: {  	s25 =	sshrl.u32 s24, $0x3;
	s11 =	sadd.s32 s1, s5;
	[dreg:$0x12] =	wrdreg s3  }
0x1d: {  	s8 =	sshrl.u32 s26, $0x3;
	s3 =	sadd.s32 s30, s25;
	[dreg:$0xf] =	wrdreg s11  }
0x1e: {  	s5 =	sshll.u32 s16, $0x3;
	s9 =	sadd.s32 s30, s8;
	[dreg:$0x16] =	wrdreg s3  }
0x1f: {  	s10 =	sshll.u32 s26, $0x3;
	s19 =	sadd.s32 s1, s5;
	[dreg:$0x18] =	wrdreg s9  }
0x20: {  	s21 =	sshrl.u32 s20, $0x3;
	s11 =	sadd.s32 s1, s10;
	[dreg:$0x13] =	wrdreg s19  }
0x21: {  	s16 =	sshrl.u32 s14, $0x3;
	s3 =	sadd.s32 s30, s13;
	[dreg:$0x19] =	wrdreg s11  }
0x22: {  	s26 =	sshll.u32 s22, $0x3;
	s17 =	sadd.s32 s30, s16;
	[dreg:$0x1a] =	wrdreg s3  }
0x23: {  	s5 =	sshll.u32 s24, $0x3;
	s24 =	sshrl.u32 s22, $0x3;
	[dreg:$0x1c] =	wrdreg s17  }
0x24: {  	s7 =	sadd.s32 s1, s5;
	s25 =	sadd.s32 s30, s24;
	s24 =	rddreg [dreg:$0x4]  }
0x25: {  	s8 =	sadd.s32 $0xC80, s0;
	s19 =	sadd.s32 s1, s18;
	[dreg:$0x17] =	wrdreg s7  }
0x26: {  	s14 =	sadd.s32 $0xD48, s0;
	s3 =	sadd.s32 s30, s21;
	[dreg:$0x1d] =	wrdreg s19  }
0x27: {  	s10 =	sshrl.u32 s8, $0x3;
	s16 =	sadd.s32 $0xE10, s0;
	[dreg:$0x1e] =	wrdreg s3  }
0x28: {  	s5 =	sshll.u32 s12, $0x3;
	s11 =	sadd.s32 s30, s10;
	[smem:$0x7F1] =	sst s25  }
0x29: {  	s12 =	sshll.u32 s8, $0x3;
	s15 =	sadd.s32 s1, s5;
	[smem:$0x7F5] =	sst s11  }
0x2a: {  	[tilespmem:s2], [sflag:$0x2] =	stream.linear.gather [hbm4b:s24+s2], $0xC8, $0x38;
	[tilespmem:$0x32C8] =	vst v63  }
0x2b: {  	s18 =	sshrl.u32 s16, $0x3;
	s13 =	sadd.s32 s1, s12;
	[dreg:$0x1b] =	wrdreg s15  }
0x2c: {  	s5 =	sshll.u32 s20, $0x3;
	s19 =	sadd.s32 s30, s18;
	[smem:$0x7F6] =	sst s13  }
0x2d: {  	s22 =	sadd.s32 $0xED8, s0;
	s23 =	sadd.s32 s1, s5;
	[smem:$0x7F9] =	sst s19  }
0x2e: {  	s7 =	sshrl.u32 s6, $0x3;
	s5 =	sadd.s32 s1, s26;
	[dreg:$0x1f] =	wrdreg s23  }
0x2f: {  	s20 =	sshll.u32 s16, $0x3;
	s3 =	sadd.s32 s30, s7;
	[smem:$0x7F2] =	sst s5  }
0x30: {  	s15 =	sshrl.u32 s14, $0x3;
	s21 =	sadd.s32 s1, s20;
	[smem:$0x7F3] =	sst s3  }
0x31: {  	s5 =	sshll.u32 s6, $0x3;
	s3 =	sadd.s32 s30, s15;
	[smem:$0x7FA] =	sst s21  }
0x32: {  	s23 =	sshrl.u32 s22, $0x3;
	s9 =	sadd.s32 s1, s5;
	[smem:$0x7F7] =	sst s3  }
0x33: {  	s5 =	sshll.u32 s14, $0x3;
	s3 =	sadd.s32 s30, s23;
	[smem:$0x7F4] =	sst s9  }
0x34: {  	s17 =	sadd.s32 s1, s5;
	s5 =	sshll.u32 s22, $0x3;
	[smem:$0x7FB] =	sst s3  }
0x35: {  	[smem:$0x7F8] =	sst s17;
	s25 =	sadd.s32 s1, s5  }
0x36: {  	s3 =	simm.s32 $0x2;
	[smem:$0x7FC] =	sst s25  }
0x37: {  	_ =	swait.ge [sflag:s3], $0xC8  }
0x38: {  	s4 =	sadd.s32 $0xF42C00, s4;
	[sflag:s3] =	ssyncset.done $0x0  }
0x39: {  	s6 =	simm.s32 $0x1;
	s5 =	simm.s32 $0xC8;
	[sflag:s3] =	ssyncadd.s32 $0xFFFFFF38  }
0x3a: {  	[tilespmem:s5], [sflag:$0x1] =	stream.indirect.gather [hbm4b:s4+s5], $0x40, s2, s5, $0xb8;
	[tilespmem:$0x32C8] =	vst v63  }
0x3b: {  	_ =	swait.ge [sflag:s6], $0x3200  }
0x3c: {  	[sflag:s6] =	ssyncset.done $0x0  }
0x3d: {  	s7 =	rddreg [dreg:$0x5];
	[sflag:s6] =	ssyncadd.s32 $0xFFFFCE00  }
0x3e: {  	[hbm4b:s7+s2] =	stream.linear.scatter [tilespmem:s5], [sflag:$0x2], $0x3200, $0x38;
	[tilespmem:$0x32C8] =	vst v63  }
0x3f: {  	_ =	swait.ge [sflag:s3], $0x3200  }
0x40: {  	[sflag:s3] =	ssyncset.done $0x0  }
0x41: {  	s26 =	rddreg [dreg:$0x6];
	[sflag:s3] =	ssyncadd.s32 $0xFFFFCE00  }
0x42: {  	[tilespmem:s2], [sflag:$0x2] =	stream.linear.gather [hbm4b:s26+s2], $0xC8, $0x38;
	[tilespmem:$0x32C8] =	vst v63  }
0x43: {  	_ =	swait.ge [sflag:s3], $0xC8  }
0x44: {  	[sflag:s3] =	ssyncset.done $0x0  }
0x45: {  	[sflag:s3] =	ssyncadd.s32 $0xFFFFFF38  }
0x46: {  	[tilespmem:s5], [sflag:$0x1] =	stream.indirect.gather [hbm4b:s4+s5], $0x40, s2, s5, $0xb8;
	[tilespmem:$0x32C8] =	vst v63  }
0x47: {  	_ =	swait.ge [sflag:s6], $0x3200  }
0x48: {  	[sflag:s6] =	ssyncset.done $0x0  }
0x49: {  	s8 =	rddreg [dreg:$0x7];
	[sflag:s6] =	ssyncadd.s32 $0xFFFFCE00  }
0x4a: {  	[hbm4b:s8+s2] =	stream.linear.scatter [tilespmem:s5], [sflag:$0x2], $0x3200, $0x38;
	[tilespmem:$0x32C8] =	vst v63  }
0x4b: {  	_ =	swait.ge [sflag:s3], $0x3200  }
0x4c: {  	[sflag:s3] =	ssyncset.done $0x0  }
0x4d: {  	s9 =	rddreg [dreg:$0x8];
	[sflag:s3] =	ssyncadd.s32 $0xFFFFCE00  }
0x4e: {  	[tilespmem:s2], [sflag:$0x2] =	stream.linear.gather [hbm4b:s9+s2], $0xC8, $0x38;
	[tilespmem:$0x32C8] =	vst v63  }
0x4f: {  	_ =	swait.ge [sflag:s3], $0xC8  }
0x50: {  	[sflag:s3] =	ssyncset.done $0x0  }
0x51: {  	[sflag:s3] =	ssyncadd.s32 $0xFFFFFF38  }
0x52: {  	[tilespmem:s5], [sflag:$0x1] =	stream.indirect.gather [hbm4b:s4+s5], $0x40, s2, s5, $0xb8;
	[tilespmem:$0x32C8] =	vst v63  }
0x53: {  	_ =	swait.ge [sflag:s6], $0x3200  }
0x54: {  	[sflag:s6] =	ssyncset.done $0x0  }
0x55: {  	s10 =	rddreg [dreg:$0x9];
	[sflag:s6] =	ssyncadd.s32 $0xFFFFCE00  }
0x56: {  	[hbm4b:s10+s2] =	stream.linear.scatter [tilespmem:s5], [sflag:$0x2], $0x3200, $0x38;
	[tilespmem:$0x32C8] =	vst v63  }
0x57: {  	_ =	swait.ge [sflag:s3], $0x3200  }
0x58: {  	[sflag:s3] =	ssyncset.done $0x0  }
0x59: {  	s11 =	rddreg [dreg:$0xa];
	[sflag:s3] =	ssyncadd.s32 $0xFFFFCE00  }
0x5a: {  	[tilespmem:s2], [sflag:$0x2] =	stream.linear.gather [hbm4b:s11+s2], $0xC8, $0x38;
	[tilespmem:$0x32C8] =	vst v63  }
0x5b: {  	_ =	swait.ge [sflag:s3], $0xC8  }
0x5c: {  	[sflag:s3] =	ssyncset.done $0x0  }
0x5d: {  	[sflag:s3] =	ssyncadd.s32 $0xFFFFFF38  }
0x5e: {  	[tilespmem:s5], [sflag:$0x1] =	stream.indirect.gather [hbm4b:s4+s5], $0x40, s2, s5, $0xb8;
	[tilespmem:$0x32C8] =	vst v63  }
0x5f: {  	_ =	swait.ge [sflag:s6], $0x3200  }
0x60: {  	[sflag:s6] =	ssyncset.done $0x0  }
0x61: {  	s12 =	rddreg [dreg:$0xb];
	[sflag:s6] =	ssyncadd.s32 $0xFFFFCE00  }
0x62: {  	[hbm4b:s12+s2] =	stream.linear.scatter [tilespmem:s5], [sflag:$0x2], $0x3200, $0x38;
	[tilespmem:$0x32C8] =	vst v63  }
0x63: {  	_ =	swait.ge [sflag:s3], $0x3200  }
0x64: {  	[sflag:s3] =	ssyncset.done $0x0  }
0x65: {  	s13 =	rddreg [dreg:$0xc];
	[sflag:s3] =	ssyncadd.s32 $0xFFFFCE00  }
0x66: {  	[tilespmem:s2], [sflag:$0x2] =	stream.linear.gather [hbm4b:s13+s2], $0xC8, $0x38;
	[tilespmem:$0x32C8] =	vst v63  }
0x67: {  	_ =	swait.ge [sflag:s3], $0xC8  }
0x68: {  	[sflag:s3] =	ssyncset.done $0x0  }
0x69: {  	[sflag:s3] =	ssyncadd.s32 $0xFFFFFF38  }
0x6a: {  	[tilespmem:s5], [sflag:$0x1] =	stream.indirect.gather [hbm4b:s4+s5], $0x40, s2, s5, $0xb8;
	[tilespmem:$0x32C8] =	vst v63  }
0x6b: {  	_ =	swait.ge [sflag:s6], $0x3200  }
0x6c: {  	[sflag:s6] =	ssyncset.done $0x0  }
0x6d: {  	s14 =	rddreg [dreg:$0xd];
	[sflag:s6] =	ssyncadd.s32 $0xFFFFCE00  }
0x6e: {  	[hbm4b:s14+s2] =	stream.linear.scatter [tilespmem:s5], [sflag:$0x2], $0x3200, $0x38;
	[tilespmem:$0x32C8] =	vst v63  }
0x6f: {  	_ =	swait.ge [sflag:s3], $0x3200  }
0x70: {  	[sflag:s3] =	ssyncset.done $0x0  }
0x71: {  	s15 =	rddreg [dreg:$0xe];
	[sflag:s3] =	ssyncadd.s32 $0xFFFFCE00  }
0x72: {  	[tilespmem:s2], [sflag:$0x2] =	stream.linear.gather [hbm4b:s15+s2], $0xC8, $0x38;
	[tilespmem:$0x32C8] =	vst v63  }
0x73: {  	_ =	swait.ge [sflag:s3], $0xC8  }
0x74: {  	[sflag:s3] =	ssyncset.done $0x0  }
0x75: {  	[sflag:s3] =	ssyncadd.s32 $0xFFFFFF38  }
0x76: {  	[tilespmem:s5], [sflag:$0x1] =	stream.indirect.gather [hbm4b:s4+s5], $0x40, s2, s5, $0xb8;
	[tilespmem:$0x32C8] =	vst v63  }
0x77: {  	_ =	swait.ge [sflag:s6], $0x3200  }
0x78: {  	[sflag:s6] =	ssyncset.done $0x0  }
0x79: {  	s16 =	rddreg [dreg:$0xf];
	[sflag:s6] =	ssyncadd.s32 $0xFFFFCE00  }
0x7a: {  	[hbm4b:s16+s2] =	stream.linear.scatter [tilespmem:s5], [sflag:$0x2], $0x3200, $0x38;
	[tilespmem:$0x32C8] =	vst v63  }
0x7b: {  	_ =	swait.ge [sflag:s3], $0x3200  }
0x7c: {  	[sflag:s3] =	ssyncset.done $0x0  }
0x7d: {  	s17 =	rddreg [dreg:$0x10];
	[sflag:s3] =	ssyncadd.s32 $0xFFFFCE00  }
0x7e: {  	[tilespmem:s2], [sflag:$0x2] =	stream.linear.gather [hbm4b:s17+s2], $0xC8, $0x38;
	[tilespmem:$0x32C8] =	vst v63  }
0x7f: {  	_ =	swait.ge [sflag:s3], $0xC8  }
0x80: {  	[sflag:s3] =	ssyncset.done $0x0  }
0x81: {  	[sflag:s3] =	ssyncadd.s32 $0xFFFFFF38  }
0x82: {  	[tilespmem:s5], [sflag:$0x1] =	stream.indirect.gather [hbm4b:s4+s5], $0x40, s2, s5, $0xb8;
	[tilespmem:$0x32C8] =	vst v63  }
0x83: {  	_ =	swait.ge [sflag:s6], $0x3200  }
0x84: {  	[sflag:s6] =	ssyncset.done $0x0  }
0x85: {  	s18 =	rddreg [dreg:$0x11];
	[sflag:s6] =	ssyncadd.s32 $0xFFFFCE00  }
0x86: {  	[hbm4b:s18+s2] =	stream.linear.scatter [tilespmem:s5], [sflag:$0x2], $0x3200, $0x38;
	[tilespmem:$0x32C8] =	vst v63  }
0x87: {  	_ =	swait.ge [sflag:s3], $0x3200  }
0x88: {  	[sflag:s3] =	ssyncset.done $0x0  }
0x89: {  	s19 =	rddreg [dreg:$0x12];
	[sflag:s3] =	ssyncadd.s32 $0xFFFFCE00  }
0x8a: {  	[tilespmem:s2], [sflag:$0x2] =	stream.linear.gather [hbm4b:s19+s2], $0xC8, $0x38;
	[tilespmem:$0x32C8] =	vst v63  }
0x8b: {  	_ =	swait.ge [sflag:s3], $0xC8  }
0x8c: {  	[sflag:s3] =	ssyncset.done $0x0  }
0x8d: {  	[sflag:s3] =	ssyncadd.s32 $0xFFFFFF38  }
0x8e: {  	[tilespmem:s5], [sflag:$0x1] =	stream.indirect.gather [hbm4b:s4+s5], $0x40, s2, s5, $0xb8;
	[tilespmem:$0x32C8] =	vst v63  }
0x8f: {  	_ =	swait.ge [sflag:s6], $0x3200  }
0x90: {  	[sflag:s6] =	ssyncset.done $0x0  }
0x91: {  	s20 =	rddreg [dreg:$0x13];
	[sflag:s6] =	ssyncadd.s32 $0xFFFFCE00  }
0x92: {  	[hbm4b:s20+s2] =	stream.linear.scatter [tilespmem:s5], [sflag:$0x2], $0x3200, $0x38;
	[tilespmem:$0x32C8] =	vst v63  }
0x93: {  	_ =	swait.ge [sflag:s3], $0x3200  }
0x94: {  	[sflag:s3] =	ssyncset.done $0x0  }
0x95: {  	s21 =	rddreg [dreg:$0x14];
	[sflag:s3] =	ssyncadd.s32 $0xFFFFCE00  }
0x96: {  	[tilespmem:s2], [sflag:$0x2] =	stream.linear.gather [hbm4b:s21+s2], $0xC8, $0x38;
	[tilespmem:$0x32C8] =	vst v63  }
0x97: {  	_ =	swait.ge [sflag:s3], $0xC8  }
0x98: {  	[sflag:s3] =	ssyncset.done $0x0  }
0x99: {  	[sflag:s3] =	ssyncadd.s32 $0xFFFFFF38  }
0x9a: {  	[tilespmem:s5], [sflag:$0x1] =	stream.indirect.gather [hbm4b:s4+s5], $0x40, s2, s5, $0xb8;
	[tilespmem:$0x32C8] =	vst v63  }
0x9b: {  	_ =	swait.ge [sflag:s6], $0x3200  }
0x9c: {  	[sflag:s6] =	ssyncset.done $0x0  }
0x9d: {  	s22 =	rddreg [dreg:$0x15];
	[sflag:s6] =	ssyncadd.s32 $0xFFFFCE00  }
0x9e: {  	[hbm4b:s22+s2] =	stream.linear.scatter [tilespmem:s5], [sflag:$0x2], $0x3200, $0x38;
	[tilespmem:$0x32C8] =	vst v63  }
0x9f: {  	_ =	swait.ge [sflag:s3], $0x3200  }
0xa0: {  	[sflag:s3] =	ssyncset.done $0x0  }
0xa1: {  	s23 =	rddreg [dreg:$0x16];
	[sflag:s3] =	ssyncadd.s32 $0xFFFFCE00  }
0xa2: {  	[tilespmem:s2], [sflag:$0x2] =	stream.linear.gather [hbm4b:s23+s2], $0xC8, $0x38;
	[tilespmem:$0x32C8] =	vst v63  }
0xa3: {  	_ =	swait.ge [sflag:s3], $0xC8  }
0xa4: {  	[sflag:s3] =	ssyncset.done $0x0  }
0xa5: {  	[sflag:s3] =	ssyncadd.s32 $0xFFFFFF38  }
0xa6: {  	[tilespmem:s5], [sflag:$0x1] =	stream.indirect.gather [hbm4b:s4+s5], $0x40, s2, s5, $0xb8;
	[tilespmem:$0x32C8] =	vst v63  }
0xa7: {  	_ =	swait.ge [sflag:s6], $0x3200  }
0xa8: {  	[sflag:s6] =	ssyncset.done $0x0  }
0xa9: {  	s24 =	rddreg [dreg:$0x17];
	[sflag:s6] =	ssyncadd.s32 $0xFFFFCE00  }
0xaa: {  	[hbm4b:s24+s2] =	stream.linear.scatter [tilespmem:s5], [sflag:$0x2], $0x3200, $0x38;
	[tilespmem:$0x32C8] =	vst v63  }
0xab: {  	_ =	swait.ge [sflag:s3], $0x3200  }
0xac: {  	[sflag:s3] =	ssyncset.done $0x0  }
0xad: {  	s25 =	rddreg [dreg:$0x18];
	[sflag:s3] =	ssyncadd.s32 $0xFFFFCE00  }
0xae: {  	[tilespmem:s2], [sflag:$0x2] =	stream.linear.gather [hbm4b:s25+s2], $0xC8, $0x38;
	[tilespmem:$0x32C8] =	vst v63  }
0xaf: {  	_ =	swait.ge [sflag:s3], $0xC8  }
0xb0: {  	[sflag:s3] =	ssyncset.done $0x0  }
0xb1: {  	[sflag:s3] =	ssyncadd.s32 $0xFFFFFF38  }
0xb2: {  	[tilespmem:s5], [sflag:$0x1] =	stream.indirect.gather [hbm4b:s4+s5], $0x40, s2, s5, $0xb8;
	[tilespmem:$0x32C8] =	vst v63  }
0xb3: {  	_ =	swait.ge [sflag:s6], $0x3200  }
0xb4: {  	[sflag:s6] =	ssyncset.done $0x0  }
0xb5: {  	s26 =	rddreg [dreg:$0x19];
	[sflag:s6] =	ssyncadd.s32 $0xFFFFCE00  }
0xb6: {  	[hbm4b:s26+s2] =	stream.linear.scatter [tilespmem:s5], [sflag:$0x2], $0x3200, $0x38;
	[tilespmem:$0x32C8] =	vst v63  }
0xb7: {  	_ =	swait.ge [sflag:s3], $0x3200  }
0xb8: {  	[sflag:s3] =	ssyncset.done $0x0  }
0xb9: {  	s8 =	rddreg [dreg:$0x1a];
	[sflag:s3] =	ssyncadd.s32 $0xFFFFCE00  }
0xba: {  	[tilespmem:s2], [sflag:$0x2] =	stream.linear.gather [hbm4b:s8+s2], $0xC8, $0x38;
	[tilespmem:$0x32C8] =	vst v63  }
0xbb: {  	_ =	swait.ge [sflag:s3], $0xC8  }
0xbc: {  	[sflag:s3] =	ssyncset.done $0x0  }
0xbd: {  	[sflag:s3] =	ssyncadd.s32 $0xFFFFFF38  }
0xbe: {  	[tilespmem:s5], [sflag:$0x1] =	stream.indirect.gather [hbm4b:s4+s5], $0x40, s2, s5, $0xb8;
	[tilespmem:$0x32C8] =	vst v63  }
0xbf: {  	_ =	swait.ge [sflag:s6], $0x3200  }
0xc0: {  	[sflag:s6] =	ssyncset.done $0x0  }
0xc1: {  	s9 =	rddreg [dreg:$0x1b];
	[sflag:s6] =	ssyncadd.s32 $0xFFFFCE00  }
0xc2: {  	[hbm4b:s9+s2] =	stream.linear.scatter [tilespmem:s5], [sflag:$0x2], $0x3200, $0x38;
	[tilespmem:$0x32C8] =	vst v63  }
0xc3: {  	_ =	swait.ge [sflag:s3], $0x3200  }
0xc4: {  	[sflag:s3] =	ssyncset.done $0x0  }
0xc5: {  	s10 =	rddreg [dreg:$0x1c];
	[sflag:s3] =	ssyncadd.s32 $0xFFFFCE00  }
0xc6: {  	[tilespmem:s2], [sflag:$0x2] =	stream.linear.gather [hbm4b:s10+s2], $0xC8, $0x38;
	[tilespmem:$0x32C8] =	vst v63  }
0xc7: {  	_ =	swait.ge [sflag:s3], $0xC8  }
0xc8: {  	[sflag:s3] =	ssyncset.done $0x0  }
0xc9: {  	[sflag:s3] =	ssyncadd.s32 $0xFFFFFF38  }
0xca: {  	[tilespmem:s5], [sflag:$0x1] =	stream.indirect.gather [hbm4b:s4+s5], $0x40, s2, s5, $0xb8;
	[tilespmem:$0x32C8] =	vst v63  }
0xcb: {  	_ =	swait.ge [sflag:s6], $0x3200  }
0xcc: {  	[sflag:s6] =	ssyncset.done $0x0  }
0xcd: {  	s11 =	rddreg [dreg:$0x1d];
	[sflag:s6] =	ssyncadd.s32 $0xFFFFCE00  }
0xce: {  	[hbm4b:s11+s2] =	stream.linear.scatter [tilespmem:s5], [sflag:$0x2], $0x3200, $0x38;
	[tilespmem:$0x32C8] =	vst v63  }
0xcf: {  	_ =	swait.ge [sflag:s3], $0x3200  }
0xd0: {  	[sflag:s3] =	ssyncset.done $0x0  }
0xd1: {  	s12 =	rddreg [dreg:$0x1e];
	[sflag:s3] =	ssyncadd.s32 $0xFFFFCE00  }
0xd2: {  	[tilespmem:s2], [sflag:$0x2] =	stream.linear.gather [hbm4b:s12+s2], $0xC8, $0x38;
	[tilespmem:$0x32C8] =	vst v63  }
0xd3: {  	_ =	swait.ge [sflag:s3], $0xC8  }
0xd4: {  	[sflag:s3] =	ssyncset.done $0x0  }
0xd5: {  	[sflag:s3] =	ssyncadd.s32 $0xFFFFFF38  }
0xd6: {  	[tilespmem:s5], [sflag:$0x1] =	stream.indirect.gather [hbm4b:s4+s5], $0x40, s2, s5, $0xb8;
	[tilespmem:$0x32C8] =	vst v63  }
0xd7: {  	_ =	swait.ge [sflag:s6], $0x3200  }
0xd8: {  	[sflag:s6] =	ssyncset.done $0x0  }
0xd9: {  	s13 =	rddreg [dreg:$0x1f];
	[sflag:s6] =	ssyncadd.s32 $0xFFFFCE00  }
0xda: {  	[hbm4b:s13+s2] =	stream.linear.scatter [tilespmem:s5], [sflag:$0x2], $0x3200, $0x38;
	[tilespmem:$0x32C8] =	vst v63  }
0xdb: {  	_ =	swait.ge [sflag:s3], $0x3200  }
0xdc: {  	s14 =	sld [smem:$0x7F1]  }
0xdd: {  	[sflag:s3] =	ssyncset.done $0x0  }
0xde: {  	[sflag:s3] =	ssyncadd.s32 $0xFFFFCE00  }
0xdf: {  	[tilespmem:s2], [sflag:$0x2] =	stream.linear.gather [hbm4b:s14+s2], $0xC8, $0x38;
	[tilespmem:$0x32C8] =	vst v63  }
0xe0: {  	_ =	swait.ge [sflag:s3], $0xC8  }
0xe1: {  	[sflag:s3] =	ssyncset.done $0x0  }
0xe2: {  	[sflag:s3] =	ssyncadd.s32 $0xFFFFFF38  }
0xe3: {  	[tilespmem:s5], [sflag:$0x1] =	stream.indirect.gather [hbm4b:s4+s5], $0x40, s2, s5, $0xb8;
	[tilespmem:$0x32C8] =	vst v63  }
0xe4: {  	_ =	swait.ge [sflag:s6], $0x3200  }
0xe5: {  	s15 =	sld [smem:$0x7F2]  }
0xe6: {  	[sflag:s6] =	ssyncset.done $0x0  }
0xe7: {  	[sflag:s6] =	ssyncadd.s32 $0xFFFFCE00  }
0xe8: {  	[hbm4b:s15+s2] =	stream.linear.scatter [tilespmem:s5], [sflag:$0x2], $0x3200, $0x38;
	[tilespmem:$0x32C8] =	vst v63  }
0xe9: {  	_ =	swait.ge [sflag:s3], $0x3200  }
0xea: {  	s16 =	sld [smem:$0x7F3]  }
0xeb: {  	[sflag:s3] =	ssyncset.done $0x0  }
0xec: {  	[sflag:s3] =	ssyncadd.s32 $0xFFFFCE00  }
0xed: {  	[tilespmem:s2], [sflag:$0x2] =	stream.linear.gather [hbm4b:s16+s2], $0xC8, $0x38;
	[tilespmem:$0x32C8] =	vst v63  }
0xee: {  	_ =	swait.ge [sflag:s3], $0xC8  }
0xef: {  	[sflag:s3] =	ssyncset.done $0x0  }
0xf0: {  	[sflag:s3] =	ssyncadd.s32 $0xFFFFFF38  }
0xf1: {  	[tilespmem:s5], [sflag:$0x1] =	stream.indirect.gather [hbm4b:s4+s5], $0x40, s2, s5, $0xb8;
	[tilespmem:$0x32C8] =	vst v63  }
0xf2: {  	_ =	swait.ge [sflag:s6], $0x3200  }
0xf3: {  	s17 =	sld [smem:$0x7F4]  }
0xf4: {  	[sflag:s6] =	ssyncset.done $0x0  }
0xf5: {  	[sflag:s6] =	ssyncadd.s32 $0xFFFFCE00  }
0xf6: {  	[hbm4b:s17+s2] =	stream.linear.scatter [tilespmem:s5], [sflag:$0x2], $0x3200, $0x38;
	[tilespmem:$0x32C8] =	vst v63  }
0xf7: {  	_ =	swait.ge [sflag:s3], $0x3200  }
0xf8: {  	s18 =	sld [smem:$0x7F5]  }
0xf9: {  	[sflag:s3] =	ssyncset.done $0x0  }
0xfa: {  	[sflag:s3] =	ssyncadd.s32 $0xFFFFCE00  }
0xfb: {  	[tilespmem:s2], [sflag:$0x2] =	stream.linear.gather [hbm4b:s18+s2], $0xC8, $0x38;
	[tilespmem:$0x32C8] =	vst v63  }
0xfc: {  	_ =	swait.ge [sflag:s3], $0xC8  }
0xfd: {  	[sflag:s3] =	ssyncset.done $0x0  }
0xfe: {  	[sflag:s3] =	ssyncadd.s32 $0xFFFFFF38  }
0xff: {  	[tilespmem:s5], [sflag:$0x1] =	stream.indirect.gather [hbm4b:s4+s5], $0x40, s2, s5, $0xb8;
	[tilespmem:$0x32C8] =	vst v63  }
0x100: {  	_ =	swait.ge [sflag:s6], $0x3200  }
0x101: {  	s19 =	sld [smem:$0x7F6]  }
0x102: {  	[sflag:s6] =	ssyncset.done $0x0  }
0x103: {  	[sflag:s6] =	ssyncadd.s32 $0xFFFFCE00  }
0x104: {  	[hbm4b:s19+s2] =	stream.linear.scatter [tilespmem:s5], [sflag:$0x2], $0x3200, $0x38;
	[tilespmem:$0x32C8] =	vst v63  }
0x105: {  	_ =	swait.ge [sflag:s3], $0x3200  }
0x106: {  	s20 =	sld [smem:$0x7F7]  }
0x107: {  	[sflag:s3] =	ssyncset.done $0x0  }
0x108: {  	[sflag:s3] =	ssyncadd.s32 $0xFFFFCE00  }
0x109: {  	[tilespmem:s2], [sflag:$0x2] =	stream.linear.gather [hbm4b:s20+s2], $0xC8, $0x38;
	[tilespmem:$0x32C8] =	vst v63  }
0x10a: {  	_ =	swait.ge [sflag:s3], $0xC8  }
0x10b: {  	[sflag:s3] =	ssyncset.done $0x0  }
0x10c: {  	[sflag:s3] =	ssyncadd.s32 $0xFFFFFF38  }
0x10d: {  	[tilespmem:s5], [sflag:$0x1] =	stream.indirect.gather [hbm4b:s4+s5], $0x40, s2, s5, $0xb8;
	[tilespmem:$0x32C8] =	vst v63  }
0x10e: {  	_ =	swait.ge [sflag:s6], $0x3200  }
0x10f: {  	s21 =	sld [smem:$0x7F8]  }
0x110: {  	[sflag:s6] =	ssyncset.done $0x0  }
0x111: {  	[sflag:s6] =	ssyncadd.s32 $0xFFFFCE00  }
0x112: {  	[hbm4b:s21+s2] =	stream.linear.scatter [tilespmem:s5], [sflag:$0x2], $0x3200, $0x38;
	[tilespmem:$0x32C8] =	vst v63  }
0x113: {  	_ =	swait.ge [sflag:s3], $0x3200  }
0x114: {  	s22 =	sld [smem:$0x7F9]  }
0x115: {  	[sflag:s3] =	ssyncset.done $0x0  }
0x116: {  	[sflag:s3] =	ssyncadd.s32 $0xFFFFCE00  }
0x117: {  	[tilespmem:s2], [sflag:$0x2] =	stream.linear.gather [hbm4b:s22+s2], $0xC8, $0x38;
	[tilespmem:$0x32C8] =	vst v63  }
0x118: {  	_ =	swait.ge [sflag:s3], $0xC8  }
0x119: {  	[sflag:s3] =	ssyncset.done $0x0  }
0x11a: {  	[sflag:s3] =	ssyncadd.s32 $0xFFFFFF38  }
0x11b: {  	[tilespmem:s5], [sflag:$0x1] =	stream.indirect.gather [hbm4b:s4+s5], $0x40, s2, s5, $0xb8;
	[tilespmem:$0x32C8] =	vst v63  }
0x11c: {  	_ =	swait.ge [sflag:s6], $0x3200  }
0x11d: {  	s23 =	sld [smem:$0x7FA]  }
0x11e: {  	[sflag:s6] =	ssyncset.done $0x0  }
0x11f: {  	[sflag:s6] =	ssyncadd.s32 $0xFFFFCE00  }
0x120: {  	[hbm4b:s23+s2] =	stream.linear.scatter [tilespmem:s5], [sflag:$0x2], $0x3200, $0x38;
	[tilespmem:$0x32C8] =	vst v63  }
0x121: {  	_ =	swait.ge [sflag:s3], $0x3200  }
0x122: {  	s24 =	sld [smem:$0x7FB]  }
0x123: {  	[sflag:s3] =	ssyncset.done $0x0  }
0x124: {  	[sflag:s3] =	ssyncadd.s32 $0xFFFFCE00  }
0x125: {  	[tilespmem:s2], [sflag:$0x2] =	stream.linear.gather [hbm4b:s24+s2], $0xC8, $0x38;
	[tilespmem:$0x32C8] =	vst v63  }
0x126: {  	_ =	swait.ge [sflag:s3], $0xC8  }
0x127: {  	[sflag:s3] =	ssyncset.done $0x0  }
0x128: {  	[sflag:s3] =	ssyncadd.s32 $0xFFFFFF38  }
0x129: {  	[tilespmem:s5], [sflag:$0x1] =	stream.indirect.gather [hbm4b:s4+s5], $0x40, s2, s5, $0xb8;
	[tilespmem:$0x32C8] =	vst v63  }
0x12a: {  	_ =	swait.ge [sflag:s6], $0x3200  }
0x12b: {  	s25 =	sld [smem:$0x7FC]  }
0x12c: {  	[sflag:s6] =	ssyncset.done $0x0  }
0x12d: {  	[sflag:s6] =	ssyncadd.s32 $0xFFFFCE00  }
0x12e: {  	[hbm4b:s25+s2] =	stream.linear.scatter [tilespmem:s5], [sflag:$0x2], $0x3200, $0x38;
	[tilespmem:$0x32C8] =	vst v63  }
0x12f: {  	s8 =	sadd.s32 $0xFA0, s0;
	_ =	swait.ge [sflag:s3], $0x3200  }
0x130: {  	s26 =	sshrl.u32 s8, $0x3;
	[sflag:s3] =	ssyncset.done $0x0  }
0x131: {  	s7 =	sadd.s32 s30, s26;
	[sflag:s3] =	ssyncadd.s32 $0xFFFFCE00  }
0x132: {  	[tilespmem:s2], [sflag:$0x2] =	stream.linear.gather [hbm4b:s7+s2], $0xC8, $0x38;
	[tilespmem:$0x32C8] =	vst v63  }
0x133: {  	_ =	swait.ge [sflag:s3], $0xC8  }
0x134: {  	[sflag:s3] =	ssyncset.done $0x0  }
0x135: {  	[sflag:s3] =	ssyncadd.s32 $0xFFFFFF38  }
0x136: {  	[tilespmem:s5], [sflag:$0x1] =	stream.indirect.gather [hbm4b:s4+s5], $0x40, s2, s5, $0xb8;
	[tilespmem:$0x32C8] =	vst v63  }
0x137: {  	_ =	swait.ge [sflag:s6], $0x3200  }
0x138: {  	s8 =	sshll.u32 s8, $0x3;
	[sflag:s6] =	ssyncset.done $0x0  }
0x139: {  	s8 =	sadd.s32 s1, s8;
	[sflag:s6] =	ssyncadd.s32 $0xFFFFCE00  }
0x13a: {  	[hbm4b:s8+s2] =	stream.linear.scatter [tilespmem:s5], [sflag:$0x2], $0x3200, $0x38;
	[tilespmem:$0x32C8] =	vst v63  }
0x13b: {  	s10 =	sadd.s32 $0x1068, s0;
	_ =	swait.ge [sflag:s3], $0x3200  }
0x13c: {  	s9 =	sshrl.u32 s10, $0x3;
	[sflag:s3] =	ssyncset.done $0x0  }
0x13d: {  	s9 =	sadd.s32 s30, s9;
	[sflag:s3] =	ssyncadd.s32 $0xFFFFCE00  }
0x13e: {  	[tilespmem:s2], [sflag:$0x2] =	stream.linear.gather [hbm4b:s9+s2], $0xC8, $0x38;
	[tilespmem:$0x32C8] =	vst v63  }
0x13f: {  	_ =	swait.ge [sflag:s3], $0xC8  }
0x140: {  	[sflag:s3] =	ssyncset.done $0x0  }
0x141: {  	[sflag:s3] =	ssyncadd.s32 $0xFFFFFF38  }
0x142: {  	[tilespmem:s5], [sflag:$0x1] =	stream.indirect.gather [hbm4b:s4+s5], $0x40, s2, s5, $0xb8;
	[tilespmem:$0x32C8] =	vst v63  }
0x143: {  	_ =	swait.ge [sflag:s6], $0x3200  }
0x144: {  	s10 =	sshll.u32 s10, $0x3;
	[sflag:s6] =	ssyncset.done $0x0  }
0x145: {  	s10 =	sadd.s32 s1, s10;
	[sflag:s6] =	ssyncadd.s32 $0xFFFFCE00  }
0x146: {  	[hbm4b:s10+s2] =	stream.linear.scatter [tilespmem:s5], [sflag:$0x2], $0x3200, $0x38;
	[tilespmem:$0x32C8] =	vst v63  }
0x147: {  	s12 =	sadd.s32 $0x1130, s0;
	_ =	swait.ge [sflag:s3], $0x3200  }
0x148: {  	s11 =	sshrl.u32 s12, $0x3;
	[sflag:s3] =	ssyncset.done $0x0  }
0x149: {  	s11 =	sadd.s32 s30, s11;
	[sflag:s3] =	ssyncadd.s32 $0xFFFFCE00  }
0x14a: {  	[tilespmem:s2], [sflag:$0x2] =	stream.linear.gather [hbm4b:s11+s2], $0xC8, $0x38;
	[tilespmem:$0x32C8] =	vst v63  }
0x14b: {  	_ =	swait.ge [sflag:s3], $0xC8  }
0x14c: {  	[sflag:s3] =	ssyncset.done $0x0  }
0x14d: {  	[sflag:s3] =	ssyncadd.s32 $0xFFFFFF38  }
0x14e: {  	[tilespmem:s5], [sflag:$0x1] =	stream.indirect.gather [hbm4b:s4+s5], $0x40, s2, s5, $0xb8;
	[tilespmem:$0x32C8] =	vst v63  }
0x14f: {  	_ =	swait.ge [sflag:s6], $0x3200  }
0x150: {  	s12 =	sshll.u32 s12, $0x3;
	[sflag:s6] =	ssyncset.done $0x0  }
0x151: {  	s12 =	sadd.s32 s1, s12;
	[sflag:s6] =	ssyncadd.s32 $0xFFFFCE00  }
0x152: {  	[hbm4b:s12+s2] =	stream.linear.scatter [tilespmem:s5], [sflag:$0x2], $0x3200, $0x38;
	[tilespmem:$0x32C8] =	vst v63  }
0x153: {  	s14 =	sadd.s32 $0x11F8, s0;
	_ =	swait.ge [sflag:s3], $0x3200  }
0x154: {  	s13 =	sshrl.u32 s14, $0x3;
	[sflag:s3] =	ssyncset.done $0x0  }
0x155: {  	s13 =	sadd.s32 s30, s13;
	[sflag:s3] =	ssyncadd.s32 $0xFFFFCE00  }
0x156: {  	[tilespmem:s2], [sflag:$0x2] =	stream.linear.gather [hbm4b:s13+s2], $0xC8, $0x38;
	[tilespmem:$0x32C8] =	vst v63  }
0x157: {  	_ =	swait.ge [sflag:s3], $0xC8  }
0x158: {  	[sflag:s3] =	ssyncset.done $0x0  }
0x159: {  	[sflag:s3] =	ssyncadd.s32 $0xFFFFFF38  }
0x15a: {  	[tilespmem:s5], [sflag:$0x1] =	stream.indirect.gather [hbm4b:s4+s5], $0x40, s2, s5, $0xb8;
	[tilespmem:$0x32C8] =	vst v63  }
0x15b: {  	_ =	swait.ge [sflag:s6], $0x3200  }
0x15c: {  	s14 =	sshll.u32 s14, $0x3;
	[sflag:s6] =	ssyncset.done $0x0  }
0x15d: {  	s14 =	sadd.s32 s1, s14;
	[sflag:s6] =	ssyncadd.s32 $0xFFFFCE00  }
0x15e: {  	[hbm4b:s14+s2] =	stream.linear.scatter [tilespmem:s5], [sflag:$0x2], $0x3200, $0x38;
	[tilespmem:$0x32C8] =	vst v63  }
0x15f: {  	s16 =	sadd.s32 $0x12C0, s0;
	_ =	swait.ge [sflag:s3], $0x3200  }
0x160: {  	s15 =	sshrl.u32 s16, $0x3;
	[sflag:s3] =	ssyncset.done $0x0  }
0x161: {  	s15 =	sadd.s32 s30, s15;
	[sflag:s3] =	ssyncadd.s32 $0xFFFFCE00  }
0x162: {  	[tilespmem:s2], [sflag:$0x2] =	stream.linear.gather [hbm4b:s15+s2], $0xC8, $0x38;
	[tilespmem:$0x32C8] =	vst v63  }
0x163: {  	_ =	swait.ge [sflag:s3], $0xC8  }
0x164: {  	[sflag:s3] =	ssyncset.done $0x0  }
0x165: {  	[sflag:s3] =	ssyncadd.s32 $0xFFFFFF38  }
0x166: {  	[tilespmem:s5], [sflag:$0x1] =	stream.indirect.gather [hbm4b:s4+s5], $0x40, s2, s5, $0xb8;
	[tilespmem:$0x32C8] =	vst v63  }
0x167: {  	_ =	swait.ge [sflag:s6], $0x3200  }
0x168: {  	s16 =	sshll.u32 s16, $0x3;
	[sflag:s6] =	ssyncset.done $0x0  }
0x169: {  	s16 =	sadd.s32 s1, s16;
	[sflag:s6] =	ssyncadd.s32 $0xFFFFCE00  }
0x16a: {  	[hbm4b:s16+s2] =	stream.linear.scatter [tilespmem:s5], [sflag:$0x2], $0x3200, $0x38;
	[tilespmem:$0x32C8] =	vst v63  }
0x16b: {  	s18 =	sadd.s32 $0x1388, s0;
	_ =	swait.ge [sflag:s3], $0x3200  }
0x16c: {  	s17 =	sshrl.u32 s18, $0x3;
	[sflag:s3] =	ssyncset.done $0x0  }
0x16d: {  	s17 =	sadd.s32 s30, s17;
	[sflag:s3] =	ssyncadd.s32 $0xFFFFCE00  }
0x16e: {  	[tilespmem:s2], [sflag:$0x2] =	stream.linear.gather [hbm4b:s17+s2], $0xC8, $0x38;
	[tilespmem:$0x32C8] =	vst v63  }
0x16f: {  	_ =	swait.ge [sflag:s3], $0xC8  }
0x170: {  	[sflag:s3] =	ssyncset.done $0x0  }
0x171: {  	[sflag:s3] =	ssyncadd.s32 $0xFFFFFF38  }
0x172: {  	[tilespmem:s5], [sflag:$0x1] =	stream.indirect.gather [hbm4b:s4+s5], $0x40, s2, s5, $0xb8;
	[tilespmem:$0x32C8] =	vst v63  }
0x173: {  	_ =	swait.ge [sflag:s6], $0x3200  }
0x174: {  	s18 =	sshll.u32 s18, $0x3;
	[sflag:s6] =	ssyncset.done $0x0  }
0x175: {  	s18 =	sadd.s32 s1, s18;
	[sflag:s6] =	ssyncadd.s32 $0xFFFFCE00  }
0x176: {  	[hbm4b:s18+s2] =	stream.linear.scatter [tilespmem:s5], [sflag:$0x2], $0x3200, $0x38;
	[tilespmem:$0x32C8] =	vst v63  }
0x177: {  	s20 =	sadd.s32 $0x1450, s0;
	_ =	swait.ge [sflag:s3], $0x3200  }
0x178: {  	s19 =	sshrl.u32 s20, $0x3;
	[sflag:s3] =	ssyncset.done $0x0  }
0x179: {  	s19 =	sadd.s32 s30, s19;
	[sflag:s3] =	ssyncadd.s32 $0xFFFFCE00  }
0x17a: {  	[tilespmem:s2], [sflag:$0x2] =	stream.linear.gather [hbm4b:s19+s2], $0xC8, $0x38;
	[tilespmem:$0x32C8] =	vst v63  }
0x17b: {  	_ =	swait.ge [sflag:s3], $0xC8  }
0x17c: {  	[sflag:s3] =	ssyncset.done $0x0  }
0x17d: {  	[sflag:s3] =	ssyncadd.s32 $0xFFFFFF38  }
0x17e: {  	[tilespmem:s5], [sflag:$0x1] =	stream.indirect.gather [hbm4b:s4+s5], $0x40, s2, s5, $0xb8;
	[tilespmem:$0x32C8] =	vst v63  }
0x17f: {  	_ =	swait.ge [sflag:s6], $0x3200  }
0x180: {  	s20 =	sshll.u32 s20, $0x3;
	[sflag:s6] =	ssyncset.done $0x0  }
0x181: {  	s20 =	sadd.s32 s1, s20;
	[sflag:s6] =	ssyncadd.s32 $0xFFFFCE00  }
0x182: {  	[hbm4b:s20+s2] =	stream.linear.scatter [tilespmem:s5], [sflag:$0x2], $0x3200, $0x38;
	[tilespmem:$0x32C8] =	vst v63  }
0x183: {  	s22 =	sadd.s32 $0x1518, s0;
	_ =	swait.ge [sflag:s3], $0x3200  }
0x184: {  	s21 =	sshrl.u32 s22, $0x3;
	[sflag:s3] =	ssyncset.done $0x0  }
0x185: {  	s21 =	sadd.s32 s30, s21;
	[sflag:s3] =	ssyncadd.s32 $0xFFFFCE00  }
0x186: {  	[tilespmem:s2], [sflag:$0x2] =	stream.linear.gather [hbm4b:s21+s2], $0xC8, $0x38;
	[tilespmem:$0x32C8] =	vst v63  }
0x187: {  	_ =	swait.ge [sflag:s3], $0xC8  }
0x188: {  	[sflag:s3] =	ssyncset.done $0x0  }
0x189: {  	[sflag:s3] =	ssyncadd.s32 $0xFFFFFF38  }
0x18a: {  	[tilespmem:s5], [sflag:$0x1] =	stream.indirect.gather [hbm4b:s4+s5], $0x40, s2, s5, $0xb8;
	[tilespmem:$0x32C8] =	vst v63  }
0x18b: {  	_ =	swait.ge [sflag:s6], $0x3200  }
0x18c: {  	s22 =	sshll.u32 s22, $0x3;
	[sflag:s6] =	ssyncset.done $0x0  }
0x18d: {  	s22 =	sadd.s32 s1, s22;
	[sflag:s6] =	ssyncadd.s32 $0xFFFFCE00  }
0x18e: {  	[hbm4b:s22+s2] =	stream.linear.scatter [tilespmem:s5], [sflag:$0x2], $0x3200, $0x38;
	[tilespmem:$0x32C8] =	vst v63  }
0x18f: {  	s24 =	sadd.s32 $0x15E0, s0;
	_ =	swait.ge [sflag:s3], $0x3200  }
0x190: {  	s23 =	sshrl.u32 s24, $0x3;
	[sflag:s3] =	ssyncset.done $0x0  }
0x191: {  	s23 =	sadd.s32 s30, s23;
	[sflag:s3] =	ssyncadd.s32 $0xFFFFCE00  }
0x192: {  	[tilespmem:s2], [sflag:$0x2] =	stream.linear.gather [hbm4b:s23+s2], $0xC8, $0x38;
	[tilespmem:$0x32C8] =	vst v63  }
0x193: {  	_ =	swait.ge [sflag:s3], $0xC8  }
0x194: {  	[sflag:s3] =	ssyncset.done $0x0  }
0x195: {  	[sflag:s3] =	ssyncadd.s32 $0xFFFFFF38  }
0x196: {  	[tilespmem:s5], [sflag:$0x1] =	stream.indirect.gather [hbm4b:s4+s5], $0x40, s2, s5, $0xb8;
	[tilespmem:$0x32C8] =	vst v63  }
0x197: {  	_ =	swait.ge [sflag:s6], $0x3200  }
0x198: {  	s24 =	sshll.u32 s24, $0x3;
	[sflag:s6] =	ssyncset.done $0x0  }
0x199: {  	s24 =	sadd.s32 s1, s24;
	[sflag:s6] =	ssyncadd.s32 $0xFFFFCE00  }
0x19a: {  	[hbm4b:s24+s2] =	stream.linear.scatter [tilespmem:s5], [sflag:$0x2], $0x3200, $0x38;
	[tilespmem:$0x32C8] =	vst v63  }
0x19b: {  	s26 =	sadd.s32 $0x16A8, s0;
	_ =	swait.ge [sflag:s3], $0x3200  }
0x19c: {  	s25 =	sshrl.u32 s26, $0x3;
	[sflag:s3] =	ssyncset.done $0x0  }
0x19d: {  	s25 =	sadd.s32 s30, s25;
	[sflag:s3] =	ssyncadd.s32 $0xFFFFCE00  }
0x19e: {  	[tilespmem:s2], [sflag:$0x2] =	stream.linear.gather [hbm4b:s25+s2], $0xC8, $0x38;
	[tilespmem:$0x32C8] =	vst v63  }
0x19f: {  	_ =	swait.ge [sflag:s3], $0xC8  }
0x1a0: {  	[sflag:s3] =	ssyncset.done $0x0  }
0x1a1: {  	[sflag:s3] =	ssyncadd.s32 $0xFFFFFF38  }
0x1a2: {  	[tilespmem:s5], [sflag:$0x1] =	stream.indirect.gather [hbm4b:s4+s5], $0x40, s2, s5, $0xb8;
	[tilespmem:$0x32C8] =	vst v63  }
0x1a3: {  	_ =	swait.ge [sflag:s6], $0x3200  }
0x1a4: {  	s26 =	sshll.u32 s26, $0x3;
	[sflag:s6] =	ssyncset.done $0x0  }
0x1a5: {  	s26 =	sadd.s32 s1, s26;
	[sflag:s6] =	ssyncadd.s32 $0xFFFFCE00  }
0x1a6: {  	[hbm4b:s26+s2] =	stream.linear.scatter [tilespmem:s5], [sflag:$0x2], $0x3200, $0x38;
	[tilespmem:$0x32C8] =	vst v63  }
0x1a7: {  	s29 =	sadd.s32 $0x1770, s0;
	_ =	swait.ge [sflag:s3], $0x3200  }
0x1a8: {  	s28 =	sshrl.u32 s29, $0x3;
	[sflag:s3] =	ssyncset.done $0x0  }
0x1a9: {  	s28 =	sadd.s32 s30, s28;
	[sflag:s3] =	ssyncadd.s32 $0xFFFFCE00  }
0x1aa: {  	[tilespmem:s2], [sflag:$0x2] =	stream.linear.gather [hbm4b:s28+s2], $0xC8, $0x38;
	[tilespmem:$0x32C8] =	vst v63  }
0x1ab: {  	_ =	swait.ge [sflag:s3], $0xC8  }
0x1ac: {  	[sflag:s3] =	ssyncset.done $0x0  }
0x1ad: {  	[sflag:s3] =	ssyncadd.s32 $0xFFFFFF38  }
0x1ae: {  	[tilespmem:s5], [sflag:$0x1] =	stream.indirect.gather [hbm4b:s4+s5], $0x40, s2, s5, $0xb8;
	[tilespmem:$0x32C8] =	vst v63  }
0x1af: {  	_ =	swait.ge [sflag:s6], $0x3200  }
0x1b0: {  	s29 =	sshll.u32 s29, $0x3;
	[sflag:s6] =	ssyncset.done $0x0  }
0x1b1: {  	s29 =	sadd.s32 s1, s29;
	[sflag:s6] =	ssyncadd.s32 $0xFFFFCE00  }
0x1b2: {  	[hbm4b:s29+s2] =	stream.linear.scatter [tilespmem:s5], [sflag:$0x2], $0x3200, $0x38;
	[tilespmem:$0x32C8] =	vst v63  }
0x1b3: {  	s0 =	sadd.s32 $0x1838, s0;
	_ =	swait.ge [sflag:s3], $0x3200  }
0x1b4: {  	s31 =	sshrl.u32 s0, $0x3;
	[sflag:s3] =	ssyncset.done $0x0  }
0x1b5: {  	s30 =	sadd.s32 s30, s31;
	[sflag:s3] =	ssyncadd.s32 $0xFFFFCE00  }
0x1b6: {  	[tilespmem:s2], [sflag:$0x2] =	stream.linear.gather [hbm4b:s30+s2], $0xC8, $0x38;
	[tilespmem:$0x32C8] =	vst v63  }
0x1b7: {  	_ =	swait.ge [sflag:s3], $0xC8  }
0x1b8: {  	[sflag:s3] =	ssyncset.done $0x0;
	s1 =	sld [smem:$0x7FD]  }
0x1b9: {  	[sflag:s3] =	ssyncadd.s32 $0xFFFFFF38  }
0x1ba: {  	[tilespmem:s5], [sflag:$0x1] =	stream.indirect.gather [hbm4b:s4+s5], $0x40, s2, s5, $0xb8;
	[tilespmem:$0x32C8] =	vst v63  }
0x1bb: {  	s31 =	ssub.s32 $0x2, s1  }
0x1bc: {  	s1 =	sshrl.u32 s31, $0x1  }
0x1bd: {  	s1 =	ssub.s32 s31, s1  }
0x1be: {  	s1 =	smax.u32 s1, $0x1  }
0x1bf: {  	_ =	swait.ge [sflag:s6], $0x3200;
	p0 =	sne.s32 s1, $0x1  }
.Ltmp0:
0x1c0: {  	[sflag:s6] =	ssyncset.done $0x0;
	(pc) =	sbr.rel @!p0 .LBB2_2-.Ltmp0, $4  }
0x1c1: {  	s0 =	sshll.u32 s0, $0x3;
	s31 =	rddreg [dreg:$0x2]  }
0x1c2: {  	[sflag:s6] =	ssyncadd.s32 $0xFFFFCE00;
	s31 =	sadd.s32 s31, s0  }
0x1c3: {  	[hbm4b:s31+s2] =	stream.linear.scatter [tilespmem:s5], [sflag:$0x2], $0x3200, $0x38;
	[tilespmem:$0x32C8] =	vst v63  }
0x1c4: {  	s1 =	sadd.s32 $0xFFFFFFFF, s1;
	_ =	swait.ge [sflag:s3], $0x3200  }
.LBB2_1:
0x1c5: {  	[sflag:s3] =	ssyncset.done $0x0  }
0x1c6: {  	s0 =	rddreg [dreg:$0x4];
	[sflag:s3] =	ssyncadd.s32 $0xFFFFCE00  }
0x1c7: {  	[tilespmem:s2], [sflag:$0x2] =	stream.linear.gather [hbm4b:s0+s2], $0xC8, $0x38;
	[tilespmem:$0x32C8] =	vst v63  }
0x1c8: {  	_ =	swait.ge [sflag:s3], $0xC8  }
0x1c9: {  	[sflag:s3] =	ssyncset.done $0x0  }
0x1ca: {  	[sflag:s3] =	ssyncadd.s32 $0xFFFFFF38  }
0x1cb: {  	[tilespmem:s5], [sflag:$0x1] =	stream.indirect.gather [hbm4b:s4+s5], $0x40, s2, s5, $0xb8;
	[tilespmem:$0x32C8] =	vst v63  }
0x1cc: {  	_ =	swait.ge [sflag:s6], $0x3200  }
0x1cd: {  	[sflag:s6] =	ssyncset.done $0x0  }
0x1ce: {  	s0 =	rddreg [dreg:$0x5];
	[sflag:s6] =	ssyncadd.s32 $0xFFFFCE00  }
0x1cf: {  	[hbm4b:s0+s2] =	stream.linear.scatter [tilespmem:s5], [sflag:$0x2], $0x3200, $0x38;
	[tilespmem:$0x32C8] =	vst v63  }
0x1d0: {  	_ =	swait.ge [sflag:s3], $0x3200  }
0x1d1: {  	[sflag:s3] =	ssyncset.done $0x0  }
0x1d2: {  	s0 =	rddreg [dreg:$0x6];
	[sflag:s3] =	ssyncadd.s32 $0xFFFFCE00  }
0x1d3: {  	[tilespmem:s2], [sflag:$0x2] =	stream.linear.gather [hbm4b:s0+s2], $0xC8, $0x38;
	[tilespmem:$0x32C8] =	vst v63  }
0x1d4: {  	_ =	swait.ge [sflag:s3], $0xC8  }
0x1d5: {  	[sflag:s3] =	ssyncset.done $0x0  }
0x1d6: {  	[sflag:s3] =	ssyncadd.s32 $0xFFFFFF38  }
0x1d7: {  	[tilespmem:s5], [sflag:$0x1] =	stream.indirect.gather [hbm4b:s4+s5], $0x40, s2, s5, $0xb8;
	[tilespmem:$0x32C8] =	vst v63  }
0x1d8: {  	_ =	swait.ge [sflag:s6], $0x3200  }
0x1d9: {  	[sflag:s6] =	ssyncset.done $0x0  }
0x1da: {  	s0 =	rddreg [dreg:$0x7];
	[sflag:s6] =	ssyncadd.s32 $0xFFFFCE00  }
0x1db: {  	[hbm4b:s0+s2] =	stream.linear.scatter [tilespmem:s5], [sflag:$0x2], $0x3200, $0x38;
	[tilespmem:$0x32C8] =	vst v63  }
0x1dc: {  	_ =	swait.ge [sflag:s3], $0x3200  }
0x1dd: {  	[sflag:s3] =	ssyncset.done $0x0  }
0x1de: {  	s0 =	rddreg [dreg:$0x8];
	[sflag:s3] =	ssyncadd.s32 $0xFFFFCE00  }
0x1df: {  	[tilespmem:s2], [sflag:$0x2] =	stream.linear.gather [hbm4b:s0+s2], $0xC8, $0x38;
	[tilespmem:$0x32C8] =	vst v63  }
0x1e0: {  	_ =	swait.ge [sflag:s3], $0xC8  }
0x1e1: {  	[sflag:s3] =	ssyncset.done $0x0  }
0x1e2: {  	[sflag:s3] =	ssyncadd.s32 $0xFFFFFF38  }
0x1e3: {  	[tilespmem:s5], [sflag:$0x1] =	stream.indirect.gather [hbm4b:s4+s5], $0x40, s2, s5, $0xb8;
	[tilespmem:$0x32C8] =	vst v63  }
0x1e4: {  	_ =	swait.ge [sflag:s6], $0x3200  }
0x1e5: {  	[sflag:s6] =	ssyncset.done $0x0  }
0x1e6: {  	s0 =	rddreg [dreg:$0x9];
	[sflag:s6] =	ssyncadd.s32 $0xFFFFCE00  }
0x1e7: {  	[hbm4b:s0+s2] =	stream.linear.scatter [tilespmem:s5], [sflag:$0x2], $0x3200, $0x38;
	[tilespmem:$0x32C8] =	vst v63  }
0x1e8: {  	_ =	swait.ge [sflag:s3], $0x3200  }
0x1e9: {  	[sflag:s3] =	ssyncset.done $0x0  }
0x1ea: {  	s0 =	rddreg [dreg:$0xa];
	[sflag:s3] =	ssyncadd.s32 $0xFFFFCE00  }
0x1eb: {  	[tilespmem:s2], [sflag:$0x2] =	stream.linear.gather [hbm4b:s0+s2], $0xC8, $0x38;
	[tilespmem:$0x32C8] =	vst v63  }
0x1ec: {  	_ =	swait.ge [sflag:s3], $0xC8  }
0x1ed: {  	[sflag:s3] =	ssyncset.done $0x0  }
0x1ee: {  	[sflag:s3] =	ssyncadd.s32 $0xFFFFFF38  }
0x1ef: {  	[tilespmem:s5], [sflag:$0x1] =	stream.indirect.gather [hbm4b:s4+s5], $0x40, s2, s5, $0xb8;
	[tilespmem:$0x32C8] =	vst v63  }
0x1f0: {  	_ =	swait.ge [sflag:s6], $0x3200  }
0x1f1: {  	[sflag:s6] =	ssyncset.done $0x0  }
0x1f2: {  	s0 =	rddreg [dreg:$0xb];
	[sflag:s6] =	ssyncadd.s32 $0xFFFFCE00  }
0x1f3: {  	[hbm4b:s0+s2] =	stream.linear.scatter [tilespmem:s5], [sflag:$0x2], $0x3200, $0x38;
	[tilespmem:$0x32C8] =	vst v63  }
0x1f4: {  	_ =	swait.ge [sflag:s3], $0x3200  }
0x1f5: {  	[sflag:s3] =	ssyncset.done $0x0  }
0x1f6: {  	s0 =	rddreg [dreg:$0xc];
	[sflag:s3] =	ssyncadd.s32 $0xFFFFCE00  }
0x1f7: {  	[tilespmem:s2], [sflag:$0x2] =	stream.linear.gather [hbm4b:s0+s2], $0xC8, $0x38;
	[tilespmem:$0x32C8] =	vst v63  }
0x1f8: {  	_ =	swait.ge [sflag:s3], $0xC8  }
0x1f9: {  	[sflag:s3] =	ssyncset.done $0x0  }
0x1fa: {  	[sflag:s3] =	ssyncadd.s32 $0xFFFFFF38  }
0x1fb: {  	[tilespmem:s5], [sflag:$0x1] =	stream.indirect.gather [hbm4b:s4+s5], $0x40, s2, s5, $0xb8;
	[tilespmem:$0x32C8] =	vst v63  }
0x1fc: {  	_ =	swait.ge [sflag:s6], $0x3200  }
0x1fd: {  	[sflag:s6] =	ssyncset.done $0x0  }
0x1fe: {  	s0 =	rddreg [dreg:$0xd];
	[sflag:s6] =	ssyncadd.s32 $0xFFFFCE00  }
0x1ff: {  	[hbm4b:s0+s2] =	stream.linear.scatter [tilespmem:s5], [sflag:$0x2], $0x3200, $0x38;
	[tilespmem:$0x32C8] =	vst v63  }
0x200: {  	_ =	swait.ge [sflag:s3], $0x3200  }
0x201: {  	[sflag:s3] =	ssyncset.done $0x0  }
0x202: {  	s0 =	rddreg [dreg:$0xe];
	[sflag:s3] =	ssyncadd.s32 $0xFFFFCE00  }
0x203: {  	[tilespmem:s2], [sflag:$0x2] =	stream.linear.gather [hbm4b:s0+s2], $0xC8, $0x38;
	[tilespmem:$0x32C8] =	vst v63  }
0x204: {  	_ =	swait.ge [sflag:s3], $0xC8  }
0x205: {  	[sflag:s3] =	ssyncset.done $0x0  }
0x206: {  	[sflag:s3] =	ssyncadd.s32 $0xFFFFFF38  }
0x207: {  	[tilespmem:s5], [sflag:$0x1] =	stream.indirect.gather [hbm4b:s4+s5], $0x40, s2, s5, $0xb8;
	[tilespmem:$0x32C8] =	vst v63  }
0x208: {  	_ =	swait.ge [sflag:s6], $0x3200  }
0x209: {  	[sflag:s6] =	ssyncset.done $0x0  }
0x20a: {  	s0 =	rddreg [dreg:$0xf];
	[sflag:s6] =	ssyncadd.s32 $0xFFFFCE00  }
0x20b: {  	[hbm4b:s0+s2] =	stream.linear.scatter [tilespmem:s5], [sflag:$0x2], $0x3200, $0x38;
	[tilespmem:$0x32C8] =	vst v63  }
0x20c: {  	_ =	swait.ge [sflag:s3], $0x3200  }
0x20d: {  	[sflag:s3] =	ssyncset.done $0x0  }
0x20e: {  	s0 =	rddreg [dreg:$0x10];
	[sflag:s3] =	ssyncadd.s32 $0xFFFFCE00  }
0x20f: {  	[tilespmem:s2], [sflag:$0x2] =	stream.linear.gather [hbm4b:s0+s2], $0xC8, $0x38;
	[tilespmem:$0x32C8] =	vst v63  }
0x210: {  	_ =	swait.ge [sflag:s3], $0xC8  }
0x211: {  	[sflag:s3] =	ssyncset.done $0x0  }
0x212: {  	[sflag:s3] =	ssyncadd.s32 $0xFFFFFF38  }
0x213: {  	[tilespmem:s5], [sflag:$0x1] =	stream.indirect.gather [hbm4b:s4+s5], $0x40, s2, s5, $0xb8;
	[tilespmem:$0x32C8] =	vst v63  }
0x214: {  	_ =	swait.ge [sflag:s6], $0x3200  }
0x215: {  	[sflag:s6] =	ssyncset.done $0x0  }
0x216: {  	s0 =	rddreg [dreg:$0x11];
	[sflag:s6] =	ssyncadd.s32 $0xFFFFCE00  }
0x217: {  	[hbm4b:s0+s2] =	stream.linear.scatter [tilespmem:s5], [sflag:$0x2], $0x3200, $0x38;
	[tilespmem:$0x32C8] =	vst v63  }
0x218: {  	_ =	swait.ge [sflag:s3], $0x3200  }
0x219: {  	[sflag:s3] =	ssyncset.done $0x0  }
0x21a: {  	s0 =	rddreg [dreg:$0x12];
	[sflag:s3] =	ssyncadd.s32 $0xFFFFCE00  }
0x21b: {  	[tilespmem:s2], [sflag:$0x2] =	stream.linear.gather [hbm4b:s0+s2], $0xC8, $0x38;
	[tilespmem:$0x32C8] =	vst v63  }
0x21c: {  	_ =	swait.ge [sflag:s3], $0xC8  }
0x21d: {  	[sflag:s3] =	ssyncset.done $0x0  }
0x21e: {  	[sflag:s3] =	ssyncadd.s32 $0xFFFFFF38  }
0x21f: {  	[tilespmem:s5], [sflag:$0x1] =	stream.indirect.gather [hbm4b:s4+s5], $0x40, s2, s5, $0xb8;
	[tilespmem:$0x32C8] =	vst v63  }
0x220: {  	_ =	swait.ge [sflag:s6], $0x3200  }
0x221: {  	[sflag:s6] =	ssyncset.done $0x0  }
0x222: {  	s0 =	rddreg [dreg:$0x13];
	[sflag:s6] =	ssyncadd.s32 $0xFFFFCE00  }
0x223: {  	[hbm4b:s0+s2] =	stream.linear.scatter [tilespmem:s5], [sflag:$0x2], $0x3200, $0x38;
	[tilespmem:$0x32C8] =	vst v63  }
0x224: {  	_ =	swait.ge [sflag:s3], $0x3200  }
0x225: {  	[sflag:s3] =	ssyncset.done $0x0  }
0x226: {  	s0 =	rddreg [dreg:$0x14];
	[sflag:s3] =	ssyncadd.s32 $0xFFFFCE00  }
0x227: {  	[tilespmem:s2], [sflag:$0x2] =	stream.linear.gather [hbm4b:s0+s2], $0xC8, $0x38;
	[tilespmem:$0x32C8] =	vst v63  }
0x228: {  	_ =	swait.ge [sflag:s3], $0xC8  }
0x229: {  	[sflag:s3] =	ssyncset.done $0x0  }
0x22a: {  	[sflag:s3] =	ssyncadd.s32 $0xFFFFFF38  }
0x22b: {  	[tilespmem:s5], [sflag:$0x1] =	stream.indirect.gather [hbm4b:s4+s5], $0x40, s2, s5, $0xb8;
	[tilespmem:$0x32C8] =	vst v63  }
0x22c: {  	_ =	swait.ge [sflag:s6], $0x3200  }
0x22d: {  	[sflag:s6] =	ssyncset.done $0x0  }
0x22e: {  	s0 =	rddreg [dreg:$0x15];
	[sflag:s6] =	ssyncadd.s32 $0xFFFFCE00  }
0x22f: {  	[hbm4b:s0+s2] =	stream.linear.scatter [tilespmem:s5], [sflag:$0x2], $0x3200, $0x38;
	[tilespmem:$0x32C8] =	vst v63  }
0x230: {  	_ =	swait.ge [sflag:s3], $0x3200  }
0x231: {  	[sflag:s3] =	ssyncset.done $0x0  }
0x232: {  	s0 =	rddreg [dreg:$0x16];
	[sflag:s3] =	ssyncadd.s32 $0xFFFFCE00  }
0x233: {  	[tilespmem:s2], [sflag:$0x2] =	stream.linear.gather [hbm4b:s0+s2], $0xC8, $0x38;
	[tilespmem:$0x32C8] =	vst v63  }
0x234: {  	_ =	swait.ge [sflag:s3], $0xC8  }
0x235: {  	[sflag:s3] =	ssyncset.done $0x0  }
0x236: {  	[sflag:s3] =	ssyncadd.s32 $0xFFFFFF38  }
0x237: {  	[tilespmem:s5], [sflag:$0x1] =	stream.indirect.gather [hbm4b:s4+s5], $0x40, s2, s5, $0xb8;
	[tilespmem:$0x32C8] =	vst v63  }
0x238: {  	_ =	swait.ge [sflag:s6], $0x3200  }
0x239: {  	[sflag:s6] =	ssyncset.done $0x0  }
0x23a: {  	s0 =	rddreg [dreg:$0x17];
	[sflag:s6] =	ssyncadd.s32 $0xFFFFCE00  }
0x23b: {  	[hbm4b:s0+s2] =	stream.linear.scatter [tilespmem:s5], [sflag:$0x2], $0x3200, $0x38;
	[tilespmem:$0x32C8] =	vst v63  }
0x23c: {  	_ =	swait.ge [sflag:s3], $0x3200  }
0x23d: {  	[sflag:s3] =	ssyncset.done $0x0  }
0x23e: {  	s0 =	rddreg [dreg:$0x18];
	[sflag:s3] =	ssyncadd.s32 $0xFFFFCE00  }
0x23f: {  	[tilespmem:s2], [sflag:$0x2] =	stream.linear.gather [hbm4b:s0+s2], $0xC8, $0x38;
	[tilespmem:$0x32C8] =	vst v63  }
0x240: {  	_ =	swait.ge [sflag:s3], $0xC8  }
0x241: {  	[sflag:s3] =	ssyncset.done $0x0  }
0x242: {  	[sflag:s3] =	ssyncadd.s32 $0xFFFFFF38  }
0x243: {  	[tilespmem:s5], [sflag:$0x1] =	stream.indirect.gather [hbm4b:s4+s5], $0x40, s2, s5, $0xb8;
	[tilespmem:$0x32C8] =	vst v63  }
0x244: {  	_ =	swait.ge [sflag:s6], $0x3200  }
0x245: {  	[sflag:s6] =	ssyncset.done $0x0  }
0x246: {  	s0 =	rddreg [dreg:$0x19];
	[sflag:s6] =	ssyncadd.s32 $0xFFFFCE00  }
0x247: {  	[hbm4b:s0+s2] =	stream.linear.scatter [tilespmem:s5], [sflag:$0x2], $0x3200, $0x38;
	[tilespmem:$0x32C8] =	vst v63  }
0x248: {  	_ =	swait.ge [sflag:s3], $0x3200  }
0x249: {  	[sflag:s3] =	ssyncset.done $0x0  }
0x24a: {  	s0 =	rddreg [dreg:$0x1a];
	[sflag:s3] =	ssyncadd.s32 $0xFFFFCE00  }
0x24b: {  	[tilespmem:s2], [sflag:$0x2] =	stream.linear.gather [hbm4b:s0+s2], $0xC8, $0x38;
	[tilespmem:$0x32C8] =	vst v63  }
0x24c: {  	_ =	swait.ge [sflag:s3], $0xC8  }
0x24d: {  	[sflag:s3] =	ssyncset.done $0x0  }
0x24e: {  	[sflag:s3] =	ssyncadd.s32 $0xFFFFFF38  }
0x24f: {  	[tilespmem:s5], [sflag:$0x1] =	stream.indirect.gather [hbm4b:s4+s5], $0x40, s2, s5, $0xb8;
	[tilespmem:$0x32C8] =	vst v63  }
0x250: {  	_ =	swait.ge [sflag:s6], $0x3200  }
0x251: {  	[sflag:s6] =	ssyncset.done $0x0  }
0x252: {  	s0 =	rddreg [dreg:$0x1b];
	[sflag:s6] =	ssyncadd.s32 $0xFFFFCE00  }
0x253: {  	[hbm4b:s0+s2] =	stream.linear.scatter [tilespmem:s5], [sflag:$0x2], $0x3200, $0x38;
	[tilespmem:$0x32C8] =	vst v63  }
0x254: {  	_ =	swait.ge [sflag:s3], $0x3200  }
0x255: {  	[sflag:s3] =	ssyncset.done $0x0  }
0x256: {  	s0 =	rddreg [dreg:$0x1c];
	[sflag:s3] =	ssyncadd.s32 $0xFFFFCE00  }
0x257: {  	[tilespmem:s2], [sflag:$0x2] =	stream.linear.gather [hbm4b:s0+s2], $0xC8, $0x38;
	[tilespmem:$0x32C8] =	vst v63  }
0x258: {  	_ =	swait.ge [sflag:s3], $0xC8  }
0x259: {  	[sflag:s3] =	ssyncset.done $0x0  }
0x25a: {  	[sflag:s3] =	ssyncadd.s32 $0xFFFFFF38  }
0x25b: {  	[tilespmem:s5], [sflag:$0x1] =	stream.indirect.gather [hbm4b:s4+s5], $0x40, s2, s5, $0xb8;
	[tilespmem:$0x32C8] =	vst v63  }
0x25c: {  	_ =	swait.ge [sflag:s6], $0x3200  }
0x25d: {  	[sflag:s6] =	ssyncset.done $0x0  }
0x25e: {  	s0 =	rddreg [dreg:$0x1d];
	[sflag:s6] =	ssyncadd.s32 $0xFFFFCE00  }
0x25f: {  	[hbm4b:s0+s2] =	stream.linear.scatter [tilespmem:s5], [sflag:$0x2], $0x3200, $0x38;
	[tilespmem:$0x32C8] =	vst v63  }
0x260: {  	_ =	swait.ge [sflag:s3], $0x3200  }
0x261: {  	[sflag:s3] =	ssyncset.done $0x0  }
0x262: {  	s0 =	rddreg [dreg:$0x1e];
	[sflag:s3] =	ssyncadd.s32 $0xFFFFCE00  }
0x263: {  	[tilespmem:s2], [sflag:$0x2] =	stream.linear.gather [hbm4b:s0+s2], $0xC8, $0x38;
	[tilespmem:$0x32C8] =	vst v63  }
0x264: {  	_ =	swait.ge [sflag:s3], $0xC8  }
0x265: {  	[sflag:s3] =	ssyncset.done $0x0  }
0x266: {  	[sflag:s3] =	ssyncadd.s32 $0xFFFFFF38  }
0x267: {  	[tilespmem:s5], [sflag:$0x1] =	stream.indirect.gather [hbm4b:s4+s5], $0x40, s2, s5, $0xb8;
	[tilespmem:$0x32C8] =	vst v63  }
0x268: {  	_ =	swait.ge [sflag:s6], $0x3200  }
0x269: {  	[sflag:s6] =	ssyncset.done $0x0  }
0x26a: {  	s0 =	rddreg [dreg:$0x1f];
	[sflag:s6] =	ssyncadd.s32 $0xFFFFCE00  }
0x26b: {  	[hbm4b:s0+s2] =	stream.linear.scatter [tilespmem:s5], [sflag:$0x2], $0x3200, $0x38;
	[tilespmem:$0x32C8] =	vst v63  }
0x26c: {  	_ =	swait.ge [sflag:s3], $0x3200  }
0x26d: {  	s0 =	sld [smem:$0x7F1]  }
0x26e: {  	[sflag:s3] =	ssyncset.done $0x0  }
0x26f: {  	[sflag:s3] =	ssyncadd.s32 $0xFFFFCE00  }
0x270: {  	[tilespmem:s2], [sflag:$0x2] =	stream.linear.gather [hbm4b:s0+s2], $0xC8, $0x38;
	[tilespmem:$0x32C8] =	vst v63  }
0x271: {  	_ =	swait.ge [sflag:s3], $0xC8  }
0x272: {  	[sflag:s3] =	ssyncset.done $0x0  }
0x273: {  	[sflag:s3] =	ssyncadd.s32 $0xFFFFFF38  }
0x274: {  	[tilespmem:s5], [sflag:$0x1] =	stream.indirect.gather [hbm4b:s4+s5], $0x40, s2, s5, $0xb8;
	[tilespmem:$0x32C8] =	vst v63  }
0x275: {  	_ =	swait.ge [sflag:s6], $0x3200  }
0x276: {  	s0 =	sld [smem:$0x7F2]  }
0x277: {  	[sflag:s6] =	ssyncset.done $0x0  }
0x278: {  	[sflag:s6] =	ssyncadd.s32 $0xFFFFCE00  }
0x279: {  	[hbm4b:s0+s2] =	stream.linear.scatter [tilespmem:s5], [sflag:$0x2], $0x3200, $0x38;
	[tilespmem:$0x32C8] =	vst v63  }
0x27a: {  	_ =	swait.ge [sflag:s3], $0x3200  }
0x27b: {  	s0 =	sld [smem:$0x7F3]  }
0x27c: {  	[sflag:s3] =	ssyncset.done $0x0  }
0x27d: {  	[sflag:s3] =	ssyncadd.s32 $0xFFFFCE00  }
0x27e: {  	[tilespmem:s2], [sflag:$0x2] =	stream.linear.gather [hbm4b:s0+s2], $0xC8, $0x38;
	[tilespmem:$0x32C8] =	vst v63  }
0x27f: {  	_ =	swait.ge [sflag:s3], $0xC8  }
0x280: {  	[sflag:s3] =	ssyncset.done $0x0  }
0x281: {  	[sflag:s3] =	ssyncadd.s32 $0xFFFFFF38  }
0x282: {  	[tilespmem:s5], [sflag:$0x1] =	stream.indirect.gather [hbm4b:s4+s5], $0x40, s2, s5, $0xb8;
	[tilespmem:$0x32C8] =	vst v63  }
0x283: {  	_ =	swait.ge [sflag:s6], $0x3200  }
0x284: {  	s0 =	sld [smem:$0x7F4]  }
0x285: {  	[sflag:s6] =	ssyncset.done $0x0  }
0x286: {  	[sflag:s6] =	ssyncadd.s32 $0xFFFFCE00  }
0x287: {  	[hbm4b:s0+s2] =	stream.linear.scatter [tilespmem:s5], [sflag:$0x2], $0x3200, $0x38;
	[tilespmem:$0x32C8] =	vst v63  }
0x288: {  	_ =	swait.ge [sflag:s3], $0x3200  }
0x289: {  	s0 =	sld [smem:$0x7F5]  }
0x28a: {  	[sflag:s3] =	ssyncset.done $0x0  }
0x28b: {  	[sflag:s3] =	ssyncadd.s32 $0xFFFFCE00  }
0x28c: {  	[tilespmem:s2], [sflag:$0x2] =	stream.linear.gather [hbm4b:s0+s2], $0xC8, $0x38;
	[tilespmem:$0x32C8] =	vst v63  }
0x28d: {  	_ =	swait.ge [sflag:s3], $0xC8  }
0x28e: {  	[sflag:s3] =	ssyncset.done $0x0  }
0x28f: {  	[sflag:s3] =	ssyncadd.s32 $0xFFFFFF38  }
0x290: {  	[tilespmem:s5], [sflag:$0x1] =	stream.indirect.gather [hbm4b:s4+s5], $0x40, s2, s5, $0xb8;
	[tilespmem:$0x32C8] =	vst v63  }
0x291: {  	_ =	swait.ge [sflag:s6], $0x3200  }
0x292: {  	s0 =	sld [smem:$0x7F6]  }
0x293: {  	[sflag:s6] =	ssyncset.done $0x0  }
0x294: {  	[sflag:s6] =	ssyncadd.s32 $0xFFFFCE00  }
0x295: {  	[hbm4b:s0+s2] =	stream.linear.scatter [tilespmem:s5], [sflag:$0x2], $0x3200, $0x38;
	[tilespmem:$0x32C8] =	vst v63  }
0x296: {  	_ =	swait.ge [sflag:s3], $0x3200  }
0x297: {  	s0 =	sld [smem:$0x7F7]  }
0x298: {  	[sflag:s3] =	ssyncset.done $0x0  }
0x299: {  	[sflag:s3] =	ssyncadd.s32 $0xFFFFCE00  }
0x29a: {  	[tilespmem:s2], [sflag:$0x2] =	stream.linear.gather [hbm4b:s0+s2], $0xC8, $0x38;
	[tilespmem:$0x32C8] =	vst v63  }
0x29b: {  	_ =	swait.ge [sflag:s3], $0xC8  }
0x29c: {  	[sflag:s3] =	ssyncset.done $0x0  }
0x29d: {  	[sflag:s3] =	ssyncadd.s32 $0xFFFFFF38  }
0x29e: {  	[tilespmem:s5], [sflag:$0x1] =	stream.indirect.gather [hbm4b:s4+s5], $0x40, s2, s5, $0xb8;
	[tilespmem:$0x32C8] =	vst v63  }
0x29f: {  	_ =	swait.ge [sflag:s6], $0x3200  }
0x2a0: {  	s0 =	sld [smem:$0x7F8]  }
0x2a1: {  	[sflag:s6] =	ssyncset.done $0x0  }
0x2a2: {  	[sflag:s6] =	ssyncadd.s32 $0xFFFFCE00  }
0x2a3: {  	[hbm4b:s0+s2] =	stream.linear.scatter [tilespmem:s5], [sflag:$0x2], $0x3200, $0x38;
	[tilespmem:$0x32C8] =	vst v63  }
0x2a4: {  	_ =	swait.ge [sflag:s3], $0x3200  }
0x2a5: {  	s0 =	sld [smem:$0x7F9]  }
0x2a6: {  	[sflag:s3] =	ssyncset.done $0x0  }
0x2a7: {  	[sflag:s3] =	ssyncadd.s32 $0xFFFFCE00  }
0x2a8: {  	[tilespmem:s2], [sflag:$0x2] =	stream.linear.gather [hbm4b:s0+s2], $0xC8, $0x38;
	[tilespmem:$0x32C8] =	vst v63  }
0x2a9: {  	_ =	swait.ge [sflag:s3], $0xC8  }
0x2aa: {  	[sflag:s3] =	ssyncset.done $0x0  }
0x2ab: {  	[sflag:s3] =	ssyncadd.s32 $0xFFFFFF38  }
0x2ac: {  	[tilespmem:s5], [sflag:$0x1] =	stream.indirect.gather [hbm4b:s4+s5], $0x40, s2, s5, $0xb8;
	[tilespmem:$0x32C8] =	vst v63  }
0x2ad: {  	_ =	swait.ge [sflag:s6], $0x3200  }
0x2ae: {  	s0 =	sld [smem:$0x7FA]  }
0x2af: {  	[sflag:s6] =	ssyncset.done $0x0  }
0x2b0: {  	[sflag:s6] =	ssyncadd.s32 $0xFFFFCE00  }
0x2b1: {  	[hbm4b:s0+s2] =	stream.linear.scatter [tilespmem:s5], [sflag:$0x2], $0x3200, $0x38;
	[tilespmem:$0x32C8] =	vst v63  }
0x2b2: {  	_ =	swait.ge [sflag:s3], $0x3200  }
0x2b3: {  	s0 =	sld [smem:$0x7FB]  }
0x2b4: {  	[sflag:s3] =	ssyncset.done $0x0  }
0x2b5: {  	[sflag:s3] =	ssyncadd.s32 $0xFFFFCE00  }
0x2b6: {  	[tilespmem:s2], [sflag:$0x2] =	stream.linear.gather [hbm4b:s0+s2], $0xC8, $0x38;
	[tilespmem:$0x32C8] =	vst v63  }
0x2b7: {  	_ =	swait.ge [sflag:s3], $0xC8  }
0x2b8: {  	[sflag:s3] =	ssyncset.done $0x0  }
0x2b9: {  	[sflag:s3] =	ssyncadd.s32 $0xFFFFFF38  }
0x2ba: {  	[tilespmem:s5], [sflag:$0x1] =	stream.indirect.gather [hbm4b:s4+s5], $0x40, s2, s5, $0xb8;
	[tilespmem:$0x32C8] =	vst v63  }
0x2bb: {  	_ =	swait.ge [sflag:s6], $0x3200  }
0x2bc: {  	s0 =	sld [smem:$0x7FC]  }
0x2bd: {  	[sflag:s6] =	ssyncset.done $0x0  }
0x2be: {  	[sflag:s6] =	ssyncadd.s32 $0xFFFFCE00  }
0x2bf: {  	[hbm4b:s0+s2] =	stream.linear.scatter [tilespmem:s5], [sflag:$0x2], $0x3200, $0x38;
	[tilespmem:$0x32C8] =	vst v63  }
0x2c0: {  	_ =	swait.ge [sflag:s3], $0x3200  }
0x2c1: {  	[sflag:s3] =	ssyncset.done $0x0  }
0x2c2: {  	[sflag:s3] =	ssyncadd.s32 $0xFFFFCE00  }
0x2c3: {  	[tilespmem:s2], [sflag:$0x2] =	stream.linear.gather [hbm4b:s7+s2], $0xC8, $0x38;
	[tilespmem:$0x32C8] =	vst v63  }
0x2c4: {  	_ =	swait.ge [sflag:s3], $0xC8  }
0x2c5: {  	[sflag:s3] =	ssyncset.done $0x0  }
0x2c6: {  	[sflag:s3] =	ssyncadd.s32 $0xFFFFFF38  }
0x2c7: {  	[tilespmem:s5], [sflag:$0x1] =	stream.indirect.gather [hbm4b:s4+s5], $0x40, s2, s5, $0xb8;
	[tilespmem:$0x32C8] =	vst v63  }
0x2c8: {  	_ =	swait.ge [sflag:s6], $0x3200  }
0x2c9: {  	[sflag:s6] =	ssyncset.done $0x0  }
0x2ca: {  	[sflag:s6] =	ssyncadd.s32 $0xFFFFCE00  }
0x2cb: {  	[hbm4b:s8+s2] =	stream.linear.scatter [tilespmem:s5], [sflag:$0x2], $0x3200, $0x38;
	[tilespmem:$0x32C8] =	vst v63  }
0x2cc: {  	_ =	swait.ge [sflag:s3], $0x3200  }
0x2cd: {  	[sflag:s3] =	ssyncset.done $0x0  }
0x2ce: {  	[sflag:s3] =	ssyncadd.s32 $0xFFFFCE00  }
0x2cf: {  	[tilespmem:s2], [sflag:$0x2] =	stream.linear.gather [hbm4b:s9+s2], $0xC8, $0x38;
	[tilespmem:$0x32C8] =	vst v63  }
0x2d0: {  	_ =	swait.ge [sflag:s3], $0xC8  }
0x2d1: {  	[sflag:s3] =	ssyncset.done $0x0  }
0x2d2: {  	[sflag:s3] =	ssyncadd.s32 $0xFFFFFF38  }
0x2d3: {  	[tilespmem:s5], [sflag:$0x1] =	stream.indirect.gather [hbm4b:s4+s5], $0x40, s2, s5, $0xb8;
	[tilespmem:$0x32C8] =	vst v63  }
0x2d4: {  	_ =	swait.ge [sflag:s6], $0x3200  }
0x2d5: {  	[sflag:s6] =	ssyncset.done $0x0  }
0x2d6: {  	[sflag:s6] =	ssyncadd.s32 $0xFFFFCE00  }
0x2d7: {  	[hbm4b:s10+s2] =	stream.linear.scatter [tilespmem:s5], [sflag:$0x2], $0x3200, $0x38;
	[tilespmem:$0x32C8] =	vst v63  }
0x2d8: {  	_ =	swait.ge [sflag:s3], $0x3200  }
0x2d9: {  	[sflag:s3] =	ssyncset.done $0x0  }
0x2da: {  	[sflag:s3] =	ssyncadd.s32 $0xFFFFCE00  }
0x2db: {  	[tilespmem:s2], [sflag:$0x2] =	stream.linear.gather [hbm4b:s11+s2], $0xC8, $0x38;
	[tilespmem:$0x32C8] =	vst v63  }
0x2dc: {  	_ =	swait.ge [sflag:s3], $0xC8  }
0x2dd: {  	[sflag:s3] =	ssyncset.done $0x0  }
0x2de: {  	[sflag:s3] =	ssyncadd.s32 $0xFFFFFF38  }
0x2df: {  	[tilespmem:s5], [sflag:$0x1] =	stream.indirect.gather [hbm4b:s4+s5], $0x40, s2, s5, $0xb8;
	[tilespmem:$0x32C8] =	vst v63  }
0x2e0: {  	_ =	swait.ge [sflag:s6], $0x3200  }
0x2e1: {  	[sflag:s6] =	ssyncset.done $0x0  }
0x2e2: {  	[sflag:s6] =	ssyncadd.s32 $0xFFFFCE00  }
0x2e3: {  	[hbm4b:s12+s2] =	stream.linear.scatter [tilespmem:s5], [sflag:$0x2], $0x3200, $0x38;
	[tilespmem:$0x32C8] =	vst v63  }
0x2e4: {  	_ =	swait.ge [sflag:s3], $0x3200  }
0x2e5: {  	[sflag:s3] =	ssyncset.done $0x0  }
0x2e6: {  	[sflag:s3] =	ssyncadd.s32 $0xFFFFCE00  }
0x2e7: {  	[tilespmem:s2], [sflag:$0x2] =	stream.linear.gather [hbm4b:s13+s2], $0xC8, $0x38;
	[tilespmem:$0x32C8] =	vst v63  }
0x2e8: {  	_ =	swait.ge [sflag:s3], $0xC8  }
0x2e9: {  	[sflag:s3] =	ssyncset.done $0x0  }
0x2ea: {  	[sflag:s3] =	ssyncadd.s32 $0xFFFFFF38  }
0x2eb: {  	[tilespmem:s5], [sflag:$0x1] =	stream.indirect.gather [hbm4b:s4+s5], $0x40, s2, s5, $0xb8;
	[tilespmem:$0x32C8] =	vst v63  }
0x2ec: {  	_ =	swait.ge [sflag:s6], $0x3200  }
0x2ed: {  	[sflag:s6] =	ssyncset.done $0x0  }
0x2ee: {  	[sflag:s6] =	ssyncadd.s32 $0xFFFFCE00  }
0x2ef: {  	[hbm4b:s14+s2] =	stream.linear.scatter [tilespmem:s5], [sflag:$0x2], $0x3200, $0x38;
	[tilespmem:$0x32C8] =	vst v63  }
0x2f0: {  	_ =	swait.ge [sflag:s3], $0x3200  }
0x2f1: {  	[sflag:s3] =	ssyncset.done $0x0  }
0x2f2: {  	[sflag:s3] =	ssyncadd.s32 $0xFFFFCE00  }
0x2f3: {  	[tilespmem:s2], [sflag:$0x2] =	stream.linear.gather [hbm4b:s15+s2], $0xC8, $0x38;
	[tilespmem:$0x32C8] =	vst v63  }
0x2f4: {  	_ =	swait.ge [sflag:s3], $0xC8  }
0x2f5: {  	[sflag:s3] =	ssyncset.done $0x0  }
0x2f6: {  	[sflag:s3] =	ssyncadd.s32 $0xFFFFFF38  }
0x2f7: {  	[tilespmem:s5], [sflag:$0x1] =	stream.indirect.gather [hbm4b:s4+s5], $0x40, s2, s5, $0xb8;
	[tilespmem:$0x32C8] =	vst v63  }
0x2f8: {  	_ =	swait.ge [sflag:s6], $0x3200  }
0x2f9: {  	[sflag:s6] =	ssyncset.done $0x0  }
0x2fa: {  	[sflag:s6] =	ssyncadd.s32 $0xFFFFCE00  }
0x2fb: {  	[hbm4b:s16+s2] =	stream.linear.scatter [tilespmem:s5], [sflag:$0x2], $0x3200, $0x38;
	[tilespmem:$0x32C8] =	vst v63  }
0x2fc: {  	_ =	swait.ge [sflag:s3], $0x3200  }
0x2fd: {  	[sflag:s3] =	ssyncset.done $0x0  }
0x2fe: {  	[sflag:s3] =	ssyncadd.s32 $0xFFFFCE00  }
0x2ff: {  	[tilespmem:s2], [sflag:$0x2] =	stream.linear.gather [hbm4b:s17+s2], $0xC8, $0x38;
	[tilespmem:$0x32C8] =	vst v63  }
0x300: {  	_ =	swait.ge [sflag:s3], $0xC8  }
0x301: {  	[sflag:s3] =	ssyncset.done $0x0  }
0x302: {  	[sflag:s3] =	ssyncadd.s32 $0xFFFFFF38  }
0x303: {  	[tilespmem:s5], [sflag:$0x1] =	stream.indirect.gather [hbm4b:s4+s5], $0x40, s2, s5, $0xb8;
	[tilespmem:$0x32C8] =	vst v63  }
0x304: {  	_ =	swait.ge [sflag:s6], $0x3200  }
0x305: {  	[sflag:s6] =	ssyncset.done $0x0  }
0x306: {  	[sflag:s6] =	ssyncadd.s32 $0xFFFFCE00  }
0x307: {  	[hbm4b:s18+s2] =	stream.linear.scatter [tilespmem:s5], [sflag:$0x2], $0x3200, $0x38;
	[tilespmem:$0x32C8] =	vst v63  }
0x308: {  	_ =	swait.ge [sflag:s3], $0x3200  }
0x309: {  	[sflag:s3] =	ssyncset.done $0x0  }
0x30a: {  	[sflag:s3] =	ssyncadd.s32 $0xFFFFCE00  }
0x30b: {  	[tilespmem:s2], [sflag:$0x2] =	stream.linear.gather [hbm4b:s19+s2], $0xC8, $0x38;
	[tilespmem:$0x32C8] =	vst v63  }
0x30c: {  	_ =	swait.ge [sflag:s3], $0xC8  }
0x30d: {  	[sflag:s3] =	ssyncset.done $0x0  }
0x30e: {  	[sflag:s3] =	ssyncadd.s32 $0xFFFFFF38  }
0x30f: {  	[tilespmem:s5], [sflag:$0x1] =	stream.indirect.gather [hbm4b:s4+s5], $0x40, s2, s5, $0xb8;
	[tilespmem:$0x32C8] =	vst v63  }
0x310: {  	_ =	swait.ge [sflag:s6], $0x3200  }
0x311: {  	[sflag:s6] =	ssyncset.done $0x0  }
0x312: {  	[sflag:s6] =	ssyncadd.s32 $0xFFFFCE00  }
0x313: {  	[hbm4b:s20+s2] =	stream.linear.scatter [tilespmem:s5], [sflag:$0x2], $0x3200, $0x38;
	[tilespmem:$0x32C8] =	vst v63  }
0x314: {  	_ =	swait.ge [sflag:s3], $0x3200  }
0x315: {  	[sflag:s3] =	ssyncset.done $0x0  }
0x316: {  	[sflag:s3] =	ssyncadd.s32 $0xFFFFCE00  }
0x317: {  	[tilespmem:s2], [sflag:$0x2] =	stream.linear.gather [hbm4b:s21+s2], $0xC8, $0x38;
	[tilespmem:$0x32C8] =	vst v63  }
0x318: {  	_ =	swait.ge [sflag:s3], $0xC8  }
0x319: {  	[sflag:s3] =	ssyncset.done $0x0  }
0x31a: {  	[sflag:s3] =	ssyncadd.s32 $0xFFFFFF38  }
0x31b: {  	[tilespmem:s5], [sflag:$0x1] =	stream.indirect.gather [hbm4b:s4+s5], $0x40, s2, s5, $0xb8;
	[tilespmem:$0x32C8] =	vst v63  }
0x31c: {  	_ =	swait.ge [sflag:s6], $0x3200  }
0x31d: {  	[sflag:s6] =	ssyncset.done $0x0  }
0x31e: {  	[sflag:s6] =	ssyncadd.s32 $0xFFFFCE00  }
0x31f: {  	[hbm4b:s22+s2] =	stream.linear.scatter [tilespmem:s5], [sflag:$0x2], $0x3200, $0x38;
	[tilespmem:$0x32C8] =	vst v63  }
0x320: {  	_ =	swait.ge [sflag:s3], $0x3200  }
0x321: {  	[sflag:s3] =	ssyncset.done $0x0  }
0x322: {  	[sflag:s3] =	ssyncadd.s32 $0xFFFFCE00  }
0x323: {  	[tilespmem:s2], [sflag:$0x2] =	stream.linear.gather [hbm4b:s23+s2], $0xC8, $0x38;
	[tilespmem:$0x32C8] =	vst v63  }
0x324: {  	_ =	swait.ge [sflag:s3], $0xC8  }
0x325: {  	[sflag:s3] =	ssyncset.done $0x0  }
0x326: {  	[sflag:s3] =	ssyncadd.s32 $0xFFFFFF38  }
0x327: {  	[tilespmem:s5], [sflag:$0x1] =	stream.indirect.gather [hbm4b:s4+s5], $0x40, s2, s5, $0xb8;
	[tilespmem:$0x32C8] =	vst v63  }
0x328: {  	_ =	swait.ge [sflag:s6], $0x3200  }
0x329: {  	[sflag:s6] =	ssyncset.done $0x0  }
0x32a: {  	[sflag:s6] =	ssyncadd.s32 $0xFFFFCE00  }
0x32b: {  	[hbm4b:s24+s2] =	stream.linear.scatter [tilespmem:s5], [sflag:$0x2], $0x3200, $0x38;
	[tilespmem:$0x32C8] =	vst v63  }
0x32c: {  	_ =	swait.ge [sflag:s3], $0x3200  }
0x32d: {  	[sflag:s3] =	ssyncset.done $0x0  }
0x32e: {  	[sflag:s3] =	ssyncadd.s32 $0xFFFFCE00  }
0x32f: {  	[tilespmem:s2], [sflag:$0x2] =	stream.linear.gather [hbm4b:s25+s2], $0xC8, $0x38;
	[tilespmem:$0x32C8] =	vst v63  }
0x330: {  	_ =	swait.ge [sflag:s3], $0xC8  }
0x331: {  	[sflag:s3] =	ssyncset.done $0x0  }
0x332: {  	[sflag:s3] =	ssyncadd.s32 $0xFFFFFF38  }
0x333: {  	[tilespmem:s5], [sflag:$0x1] =	stream.indirect.gather [hbm4b:s4+s5], $0x40, s2, s5, $0xb8;
	[tilespmem:$0x32C8] =	vst v63  }
0x334: {  	_ =	swait.ge [sflag:s6], $0x3200  }
0x335: {  	[sflag:s6] =	ssyncset.done $0x0  }
0x336: {  	[sflag:s6] =	ssyncadd.s32 $0xFFFFCE00  }
0x337: {  	[hbm4b:s26+s2] =	stream.linear.scatter [tilespmem:s5], [sflag:$0x2], $0x3200, $0x38;
	[tilespmem:$0x32C8] =	vst v63  }
0x338: {  	_ =	swait.ge [sflag:s3], $0x3200  }
0x339: {  	[sflag:s3] =	ssyncset.done $0x0  }
0x33a: {  	[sflag:s3] =	ssyncadd.s32 $0xFFFFCE00  }
0x33b: {  	[tilespmem:s2], [sflag:$0x2] =	stream.linear.gather [hbm4b:s28+s2], $0xC8, $0x38;
	[tilespmem:$0x32C8] =	vst v63  }
0x33c: {  	_ =	swait.ge [sflag:s3], $0xC8  }
0x33d: {  	[sflag:s3] =	ssyncset.done $0x0  }
0x33e: {  	[sflag:s3] =	ssyncadd.s32 $0xFFFFFF38  }
0x33f: {  	[tilespmem:s5], [sflag:$0x1] =	stream.indirect.gather [hbm4b:s4+s5], $0x40, s2, s5, $0xb8;
	[tilespmem:$0x32C8] =	vst v63  }
0x340: {  	_ =	swait.ge [sflag:s6], $0x3200  }
0x341: {  	[sflag:s6] =	ssyncset.done $0x0  }
0x342: {  	[sflag:s6] =	ssyncadd.s32 $0xFFFFCE00  }
0x343: {  	[hbm4b:s29+s2] =	stream.linear.scatter [tilespmem:s5], [sflag:$0x2], $0x3200, $0x38;
	[tilespmem:$0x32C8] =	vst v63  }
0x344: {  	_ =	swait.ge [sflag:s3], $0x3200  }
0x345: {  	[sflag:s3] =	ssyncset.done $0x0  }
0x346: {  	[sflag:s3] =	ssyncadd.s32 $0xFFFFCE00  }
0x347: {  	[tilespmem:s2], [sflag:$0x2] =	stream.linear.gather [hbm4b:s30+s2], $0xC8, $0x38;
	[tilespmem:$0x32C8] =	vst v63  }
0x348: {  	_ =	swait.ge [sflag:s3], $0xC8  }
0x349: {  	[sflag:s3] =	ssyncset.done $0x0  }
0x34a: {  	p0 =	sne.s32 s1, $0x1;
	[sflag:s3] =	ssyncadd.s32 $0xFFFFFF38  }
0x34b: {  	[tilespmem:s5], [sflag:$0x1] =	stream.indirect.gather [hbm4b:s4+s5], $0x40, s2, s5, $0xb8;
	[tilespmem:$0x32C8] =	vst v63  }
.Ltmp1:
0x34c: {  	_ =	swait.ge [sflag:s6], $0x3200;
	(pc) =	sbr.rel @p0 .LBB2_1-.Ltmp1, $4  }
0x34d: {  	[sflag:s6] =	ssyncset.done $0x0  }
0x34e: {  	[sflag:s6] =	ssyncadd.s32 $0xFFFFCE00  }
0x34f: {  	[hbm4b:s31+s2] =	stream.linear.scatter [tilespmem:s5], [sflag:$0x2], $0x3200, $0x38;
	[tilespmem:$0x32C8] =	vst v63  }
0x350: {  	s1 =	sadd.s32 $0xFFFFFFFF, s1;
	_ =	swait.ge [sflag:s3], $0x3200  }
.LBB2_2:
0x351: {  	[sflag:s3] =	ssyncset.done $0x0  }
0x352: {  	[sflag:s3] =	ssyncadd.s32 $0xFFFFCE00  }
0x353: {  	_ =	sfence.sel $0x180000  }
0x354: {  	[bflag:$0x0] =	sbarrier.arrive $0xFFFF  }
0x355: {  	_ =	strace $0x90000047  }
0x356: {  	s0 =	stileid.u32;
	[bflag:$0x2] =	sbarrier.arrive $0xFFFF  }
0x357: {  	p0 =	sne.s32 s0, $0x0;
	s0 =	rddreg [dreg:$0x3]  }
0x358: {  	s0 =	sadd.s32 @!p0 $0x100000, s0  }
0x359: {  	[sflag:s0] =	ssyncadd.tile.s32 @!p0 $0x1;
	_ =	shalt  }
.Lfunc_end2:
_tile_overlayer_lowered:
.L_overlay_start_2:
0x35a: {  	(tag) =	ssettag $0x2  }
0x35b: {  	s0 =	rddreg [dreg:$0x0];
	s2 =	stileid.u32  }
0x35c: {  	s1 =	rddreg [dreg:$0x1];
	p0 =	sne.s32 s2, $0x0  }
0x35d: {  	s3 =	rddreg [dreg:$0x2];
	[bflag:$0x3] =	sbarrier.arrive $0xFFFF;
	s2 =	simm.s32 @!p0 $0x1C02  }
0x35e: {  	[timem:s3], [sflag:s2] =	dma.local @!p0 [hbm:s0], s1  }
0x35f: {  	s0 =	simm.s32 @!p0 $0x2  }
0x360: {  	_ =	swait.ge @!p0 [sflag:s0], s1  }
0x361: {  	s1 =	ssub.s32 @!p0 $0x0, s1;
	[sflag:s0] =	ssyncset.done @!p0 $0x0  }
0x362: {  	[sflag:s0] =	ssyncadd.s32 @!p0 s1  }
0x363: {  	[bflag:$0x3] =	sbarrier.arrive $0xFFFF  }
0x364: {  	_ =	shalt  }

// kernel: sparse-core-data-format-call.cloned.1.call-start
scs
called_computation_lowered:
.L_overlay_start_0:
0x0: {  	s2 =	sld [smem:$0x3FD9]  }
0x1: {  	s3 =	sld [smem:$0x3FFE];
	_ =	sdelay $0x1  }
0x2: {  	s1 =	srdreg.scid  }
0x3: {  	s0 =	sand.u32 $0x1, s1  }
0x4: {  	s18 =	sshll.u32 s0, $0xA;
	s2 =	sadd.s32 s3, s2  }
0x5: {  	s2 =	sadd.s32 s2, s18  }
0x6: {  	[smem:$0x3FC6] =	sst s2  }
0x7: {  	_ = 	snop  }
0x8: {  	s2 =	sld [smem:$0x3FD0];
	(tm) =	ssettm $0x1  }
0x9: {  	s19 =	sld [smem:$0x3FFB];
	_ =	sdelay $0x3  }
0xa: {  	_ =	strace s19  }
0xb: {  	s3 =	sld [smem:$0x3FFC];
	_ =	sdelay $0x3  }
0xc: {  	_ =	strace s3  }
0xd: {  	s3 =	sld [smem:$0x3FFD];
	_ =	sdelay $0x3  }
0xe: {  	_ =	strace s3  }
0xf: {  	_ =	strace $0x8FFFFFFF  }
0x10: {  	s20 =	sld [smem:$0x3FDB];
	_ =	sdelay $0x1  }
0x11: {  	s4 =	simm.s32 $_scs_section_size  }
0x12: {  	s5 =	simm.s32 $_size__tile_overlayer_lowered;
	s6 =	simm.s32 $_tile_overlayer_lowered  }
0x13: {  	s23 =	simm.s32 $0x1BFF;
	s22 =	sshll.u32 s6, $0x1;
	s3 =	sadd.s32 s4, s20  }
0x14: {  	s7 =	simm.s32 $0x0;
	s21 =	sshll.u32 s5, $0x1;
	s5 =	sadd.s32 s22, s3  }
0x15: {  	[timem:s7], [sflag:s23] =	dma.local [hbm:s5], s21  }
0x16: {  	_ =	swait.ge [sflag:s23], s21  }
0x17: {  	s4 =	ssub.s32 $0x0, s21;
	[sflag:s23] =	ssyncset.done $0x0  }
0x18: {  	[sflag:s23] =	ssyncadd.s32 s4;
	_ =	sdelay $0x1  }
0x19: {  	s24 =	simm.s32 $0x1B8B  }
0x1a: {  	_ =	swait.ge [sflag:s24], $0x1  }
0x1b: {  	[sflag:s24] =	ssyncset.done $0x0  }
0x1c: {  	s26 =	simm.s32 $0x1B8E;
	s25 =	sld [smem:$0x3FFE];
	[sflag:s24] =	ssyncadd.s32 $0xFFFFFFFF  }
0x1d: {  	s27 =	simm.s32 $execute0_lowered;
	[smem:$0x3FD2] =	sst s26  }
0x1e: {  	s5 =	sshll.u32 s27, $0x1;
	_ =	strace $0x80000049;
	[dreg:$0x1] =	wrdreg $0xFFFFFFFF  }
0x1f: {  	s28 =	simm.s32 $_size_execute0_lowered;
	s3 =	sadd.s32 s3, s5;
	[dreg:$0x0] =	wrdreg $0x0  }
0x20: {  	s5 =	sshll.u32 s28, $0x1;
	[dreg:$0x2] =	wrdreg s3  }
0x21: {  	[dreg:$0x3] =	wrdreg s5  }
0x22: {  	[dreg:$0x4] =	wrdreg $0xC0  }
0x23: {  	_ =	task [dreg:s7], $0x5FFFF  }
0x24: {  	[dreg:$0x1] =	wrdreg $0xFFFFFFFF  }
0x25: {  	[dreg:$0x0] =	wrdreg $0x60  }
0x26: {  	[dreg:$0x2] =	wrdreg s25  }
0x27: {  	[dreg:$0x3] =	wrdreg s2  }
0x28: {  	[dreg:$0x4] =	wrdreg $0x9  }
0x29: {  	_ =	task.clear_ibuf [dreg:s7], $0x5FFFF;
	_ =	strace $0x90000049  }
0x2a: {  	s29 =	simm.s32 $0x9;
	_ =	strace $0x8000004B  }
0x2b: {  	_ =	swait.ge [sflag:s29], $0x1  }
0x2c: {  	[sflag:s29] =	ssyncadd.s32 $0xFFFFFFFF  }
0x2d: {  	_ =	strace $0x9000004B  }
0x2e: {  	_ =	sfence  }
0x2f: {  	s30 =	sld [smem:$0x0];
	_ =	sdelay $0x2  }
0x30: {  	s31 =	sshll.u32 s1, $0xD;
	s1 =	sshrl.u32 s1, $0x2  }
0x31: {  	s3 =	sand.u32 $0x4000, s31;
	s1 =	sadd.s32 s1, s30  }
0x32: {  	s0 =	sor.u32 s3, s0;
	s1 =	sshll.u32 s1, $0x11  }
0x33: {  	s0 =	sor.u32 s1, s0  }
0x34: {  	s0 =	sadd.s32 $0x8F2B, s0  }
0x35: {  	[sflag:s0] =	ssyncadd.remote.s32 $0x1  }
0x36: {  	_ =	sfence.sel $0xFFFF  }
0x37: {  	[dreg:$0x0] =	wrdreg $0xFFFFFFFF;
	(pc) =	sbr.abs _section_cstart, $3  }
0x38: {  	[dreg:$0x1] =	wrdreg $0xFFFFFFFF  }
0x39: {  	_ =	task.clear_ibuf [dreg:s7], $0x2FFFF;
	_ =	strace $0x9FFFFFFF  }
0x3a: {  	(tm) =	ssettm $0x7FFFFFFF  }
0x3b: {  	_ =	shalt  }
tec
execute0_lowered:
.L_overlay_start_1:
0x0: {  	(tag) =	ssettag $0x1  }
0x1: {  	s0 =	srdreg.scid  }
0x2: {  	s1 =	sshll.u32 s0, $0x4  }
0x3: {  	s4 =	rddreg [dreg:$0x0];
	s0 =	stileid.u32;
	s1 =	sand.u32 $0x10, s1  }
0x4: {  	s2 =	rddreg [dreg:$0x1];
	s7 =	simm.s32 $0x1;
	s1 =	sor.u32 s0, s1  }
0x5: {  	s8 =	simm.s32 $0x2;
	s11 =	simm.s32 $0x0;
	s3 =	sshll.u32 s1, $0x7  }
0x6: {  	s10 =	simm.s32 $0x0;
	s4 =	sadd.s32 $0x800, s4;
	s6 =	ssub.s32 $0x32000, s3  }
.Ltmp0:
0x7: {  	s1 =	rddreg [dreg:$0x2];
	s5 =	sand.u32 $0xF80, s6;
	(pc) =	sbr.rel .LBB1_1-.Ltmp0, $4  }
0x8: {  	_ =	strace $0x8000004A;
	s9 =	smov.u32 s3;
	p0 =	sne.s32 s5, $0x0  }
0x9: {  	s6 =	sshrl.u32 s6, $0xC;
	s5 =	simm.s32 $0x1;
	s7 =	simm.s32 @!p0 $0x0  }
0xa: {  	[sflag:s5] =	ssyncpa.u1 $0x0;
	p0 =	por $0x0, $0x0;
	s6 =	sadd.s32 s7, s6  }
0xb: {  	[sflag:s8] =	ssyncpa.u1 $0x0;
	s8 =	simm.s32 $0x190000;
	s7 =	sadd.s32 $0x1, s6  }
.LBB1_4:
0xc: {  	s14 =	sshll.u32 s11, $0x3  }
0xd: {  	s30 =	sand.u32 $0x7F, s11;
	s15 =	sand.u32 $0xFFFFFC00, s14  }
0xe: {  	s11 =	sor.u32 s30, s15  }
0xf: {  	s15 =	smulhi.u32 $0x51EB851F, s11  }
0x10: {  	s14 =	smulhi.u32 $0x51EB851F, s14  }
0x11: {  	s15 =	sshrl.u32 s15, $0x10  }
0x12: {  	s14 =	sshrl.u32 s14, $0x10;
	s15 =	smul.u32 $0x32000, s15  }
0x13: {  	s14 =	sand.u32 $0x3F, s14  }
0x14: {  	s14 =	smul.u32 $0x6400, s14;
	s11 =	ssub.s32 s11, s15  }
0x15: {  	[tilespmem:s13+$0x810 ss:$0x81] =	vst.msk $0xffff, v2;
	s15 =	sand.u32 $0x7, s11  }
0x16: {  	[tilespmem:s13+$0x1020 ss:$0x81] =	vst.msk $0xffff, v0;
	s14 =	sadd.s32 s2, s14;
	s11 =	sshrl.u32 s11, $0x3;
	s15 =	sshll.u32 s15, $0x12  }
0x17: {  	[tilespmem:s13+$0x0 ss:$0x81] =	vst.msk $0xffff, v1;
	s11 =	sadd.s32 s11, s14;
	s31 =	sor.u32 $0x400, s15  }
0x18: {  	[hbm4b:s11+s31] =	stream.strided.scatter [tilespmem:s12], [sflag:$0x2], $0x2000, s8, s31, $0x20;
	[tilespmem:$0x8080] =	vst v63  }
.LBB1_5:
0x19: {  	s13 =	sadd.s32 $0x1000, s9  }
0x1a: {  	p2 =	sgt.s32 s13, $0x31FFF  }
0x1b: {  	s13 =	smov.u32 @p2 s3;
	p2 =	sne.s32 s10, s7  }
.Ltmp1:
0x1c: {  	p1 =	slt.u32 s10, $0x2;
	(pc) =	sbr.rel @!p2 .LBB1_6-.Ltmp1, $4  }
0x1d: {  	s12 =	simm.s32 @!p1 $0x2  }
0x1e: {  	s14 =	sadd.s32 $0x1, s10;
	_ =	swait.ge @!p1 [sflag:s12], $0x2000  }
0x1f: {  	s11 =	smov.u32 s9;
	p0 =	por !p0, !p0;
	[sflag:s12] =	ssyncset.done @!p1 $0x0  }
0x20: {  	s10 =	smov.u32 s14;
	s9 =	smov.u32 s13;
	[sflag:s12] =	ssyncadd.s32 @!p1 $0xFFFFE000  }
.LBB1_1:
0x21: {  	p1 =	sge.u32 s10, s6  }
0x22: {  	s12 =	sand.u32 @!p1 $0x1FFFFFF, s9  }
0x23: {  	s13 =	smulhi.u32 @!p1 $0x147AE15, s12;
	_ =	sdelay $0x1  }
0x24: {  	s13 =	sshrl.u32 @!p1 s13, $0xA  }
0x25: {  	s13 =	smul.u32 @!p1 $0x32000, s13;
	_ =	sdelay $0x1  }
0x26: {  	s31 =	sadd.s32 $0xFFFFFFFF, s10;
	s14 =	sxor.u32 @!p1 $0xFFFFFFFF, s10;
	s12 =	ssub.s32 @!p1 s12, s13  }
0x27: {  	s15 =	simm.s32 @!p1 $0x80;
	s14 =	sshll.u32 @!p1 s14, $0xD;
	s12 =	sshll.u32 @!p1 s12, $0x4  }
0x28: {  	s13 =	sand.u32 @!p1 $0x2000, s14;
	s14 =	simm.s32 @!p1 $0x40;
	s12 =	sadd.s32 @!p1 s4, s12  }
0x29: {  	[tilespmem:s13], [sflag:$0x1] =	stream.strided.gather @!p1 [hbm4b:s12+s14], $0x2000, s15, s14, $0x38;
	[tilespmem:$0x8080] =	vst v63  }
0x2a: {  	p1 =	sge.u32 s31, s6  }
.Ltmp2:
0x2b: {  	_ = 	snop;
	(pc) =	sbr.rel @p1 .LBB1_5-.Ltmp2, $1  }
0x2c: {  	_ =	sdelay $0x3  }
0x2d: {  	s12 =	simm.s32 $0x1  }
0x2e: {  	_ =	swait.ge [sflag:s5], $0x2000;
	s12 =	simm.s32 @!p0 $0x0  }
0x2f: {  	[sflag:s5] =	ssyncset.done $0x0;
	s13 =	sshll.u32 s12, $0xD  }
0x30: {  	[sflag:s5] =	ssyncadd.s32 $0xFFFFE000;
	s16 =	sor.u32 $0x20, s13  }
0x31: {  	s12 =	smul.u32 $0x8100, s12;
	v3 =	vld [tilespmem:s16+$0x10]  }
0x32: {  	s30 =	sand.u32 $0x1, s10;
	v2 =	vld [tilespmem:s16+$0xFFFFFFF0]  }
0x33: {  	s13 =	smul.u32 $0x8100, s30;
	s12 =	sshrl.u32 s12, $0x2;
	v0 =	vld [tilespmem:s16+$0x0]  }
0x34: {  	v1 =	vld [tilespmem:s16+$0xFFFFFFE0];
	s14 =	sor.u32 $0x4000, s12  }
0x35: {  	s31 =	sshrl.u32 s13, $0x2;
	s13 =	sadd.s32 $0x0, s14  }
0x36: {  	s15 =	simm.s32 $0x4;
	s16 =	sadd.s32 $0x40, s16;
	s12 =	sor.u32 $0x4000, s31;
	[tilespmem:s13+$0x1830 ss:$0x81] =	vst.msk $0xffff, v3  }
.LBB1_3:
0x37: {  	v3 =	vld [tilespmem:s16+$0x10];
	p1 =	sne.s32 s15, $0x1FC;
	[tilespmem:s13+$0x810 ss:$0x81] =	vst.msk $0xffff, v2;
	s17 =	smov.u32 s15;
	s15 =	sadd.s32 $0x4, s15  }
.Ltmp3:
0x38: {  	v2 =	vld [tilespmem:s16+$0xFFFFFFF0];
	[tilespmem:s13+$0x1020 ss:$0x81] =	vst.msk $0xffff, v0;
	(pc) =	sbr.rel @p1 .LBB1_3-.Ltmp3, $4  }
0x39: {  	v0 =	vld [tilespmem:s16+$0x0];
	[tilespmem:s13+$0x0 ss:$0x81] =	vst.msk $0xffff, v1  }
0x3a: {  	s13 =	sshra.s32 s17, $0x2;
	v1 =	vld [tilespmem:s16+$0xFFFFFFE0]  }
0x3b: {  	s13 =	sadd.s32 s13, s14  }
0x3c: {  	s16 =	sadd.s32 $0x40, s16;
	[tilespmem:s13+$0x1830 ss:$0x81] =	vst.msk $0xffff, v3  }
.Ltmp4:
0x3d: {  	_ = 	snop;
	(pc) =	sbr.rel .LBB1_4-.Ltmp4, $1  }
0x3e: {  	_ =	sdelay $0x3  }
.LBB1_6:
0x3f: {  	_ =	sfence.sel $0x180000  }
0x40: {  	s2 =	simm.s32 $0x1;
	[bflag:$0x0] =	sbarrier.arrive $0xFFFF  }
0x41: {  	s31 =	simm.s32 $0x2;
	[sflag:s2] =	ssyncpa.u1 $0x1  }
0x42: {  	[sflag:s31] =	ssyncpa.u1 $0x1  }
0x43: {  	p0 =	sne.s32 s0, $0x0;
	_ =	strace $0x9000004A  }
0x44: {  	s0 =	sadd.s32 @!p0 $0x100000, s1;
	[bflag:$0x2] =	sbarrier.arrive $0xFFFF  }
0x45: {  	[sflag:s0] =	ssyncadd.tile.s32 @!p0 $0x1;
	_ =	shalt  }
.Lfunc_end1:
_tile_overlayer_lowered:
.L_overlay_start_2:
0x46: {  	(tag) =	ssettag $0x2  }
0x47: {  	s0 =	rddreg [dreg:$0x0];
	s2 =	stileid.u32  }
0x48: {  	s1 =	rddreg [dreg:$0x1];
	p0 =	sne.s32 s2, $0x0  }
0x49: {  	s3 =	rddreg [dreg:$0x2];
	[bflag:$0x3] =	sbarrier.arrive $0xFFFF;
	s2 =	simm.s32 @!p0 $0x1C01  }
0x4a: {  	[timem:s3], [sflag:s2] =	dma.local @!p0 [hbm:s0], s1  }
0x4b: {  	s0 =	simm.s32 @!p0 $0x1  }
0x4c: {  	_ =	swait.ge @!p0 [sflag:s0], s1  }
0x4d: {  	s1 =	ssub.s32 @!p0 $0x0, s1;
	[sflag:s0] =	ssyncset.done @!p0 $0x0  }
0x4e: {  	[sflag:s0] =	ssyncadd.s32 @!p0 s1  }
0x4f: {  	[bflag:$0x3] =	sbarrier.arrive $0xFFFF  }
0x50: {  	_ =	shalt  }

</sc_bundles>
